<compile_context>
chip_gen: v7x
topology: tpu7x:2x2x1
jax: 0.10.2.dev20260603
libtpu: 0.0.44.dev20260713+nightly
codegen_flags: <defaults>
</compile_context>

<pallas_src>
import functools

import jax
import jax.numpy as jnp
from jax import lax
from jax.experimental import pallas as pl
from jax.experimental.pallas import tpu as pltpu
from jax.experimental.pallas import tpu_sc as plsc

N = 10000
E = 320000
D = 128
H = 128
O = 16

NC = 2
NS = 16
EPC = E // NC
EPW = EPC // NS
CH = 40
FIRE = 5
NITER = EPW // (CH * FIRE)
NCH = EPW // CH
NPAD = 10240
RPT = NPAD // NS
RLAST = N - (NS - 1) * RPT


def _sc_mesh():
    return plsc.VectorSubcoreMesh(core_axis_name="c", subcore_axis_name="s")


@functools.lru_cache(maxsize=None)
def _deg_kernel():
    @functools.partial(
        pl.kernel,
        out_type=jax.ShapeDtypeStruct((NC, N), jnp.float32),
        mesh=_sc_mesh(),
        scratch_types=[
            [pltpu.VMEM((CH,), jnp.int32)] * FIRE,
            pltpu.VMEM((48,), jnp.float32),
            pltpu.VMEM_SHARED((N,), jnp.float32),
            [pltpu.SemaphoreType.DMA] * FIRE,
        ],
    )
    def deg_k(dst_hbm, zeros_hbm, out_hbm, didx_v, ones_v, acc_sh, dsems):
        cid = lax.axis_index("c")
        sid = lax.axis_index("s")
        wid = cid * NS + sid
        for k in range(3):
            ones_v[pl.ds(k * 16, 16)] = jnp.ones((16,), jnp.float32)
        @pl.when(sid == 0)
        def _zero():
            pltpu.sync_copy(zeros_hbm, acc_sh)

        plsc.subcore_barrier()
        ebase = wid * EPW

        def body(g, carry):
            base = ebase + g * (FIRE * CH)
            ddescs = [
                pltpu.async_copy(dst_hbm.at[pl.ds(base + b * CH, CH)],
                                 didx_v[b], dsems[b])
                for b in range(FIRE)
            ]
            for b in range(FIRE):
                ddescs[b].wait()
                pltpu.sync_copy(ones_v.at[pl.ds(0, CH)], acc_sh.at[didx_v[b]],
                                add=True)
            return carry

        lax.fori_loop(0, NCH // FIRE, body, 0)
        plsc.subcore_barrier()

        @pl.when(sid == 0)
        def _out():
            pltpu.sync_copy(acc_sh, out_hbm.at[cid])

    return deg_k


@functools.lru_cache(maxsize=None)
def _agg_kernel(w, ch):
    niter = EPW // (ch * FIRE)

    @functools.partial(
        pl.kernel,
        out_type=jax.ShapeDtypeStruct((NC, N, w), jnp.float32),
        mesh=_sc_mesh(),
        scratch_types=[
            pltpu.VMEM((EPW,), jnp.int32),
            pltpu.VMEM((EPW,), jnp.int32),
            [pltpu.VMEM((ch, w), jnp.float32)] * FIRE,
            pltpu.VMEM_SHARED((NPAD, w), jnp.float32),
            [pltpu.SemaphoreType.DMA] * FIRE,
            [pltpu.SemaphoreType.DMA] * FIRE,
        ],
    )
    def agg_k(q_hbm, src_hbm, dst_hbm, zeros_hbm, out_hbm,
              sidx_v, didx_v, rows_v, acc_sh, sems, ssems):
        cid = lax.axis_index("c")
        sid = lax.axis_index("s")
        wid = cid * NS + sid
        r0 = pl.multiple_of(sid * RPT, 8)
        ebase = wid * EPW
        pltpu.sync_copy(zeros_hbm.at[sid], acc_sh.at[pl.ds(r0, RPT)])
        plsc.subcore_barrier()

        pltpu.sync_copy(src_hbm.at[pl.ds(ebase, EPW)], sidx_v)
        pltpu.sync_copy(dst_hbm.at[pl.ds(ebase, EPW)], didx_v)

        def _drain_scatters():
            for b in range(FIRE):
                pltpu.make_async_copy(q_hbm.at[pl.ds(0, ch)], rows_v[b],
                                      ssems[b]).wait()

        def body(g, carry):
            @pl.when(g > 0)
            def _reuse_guard():
                _drain_scatters()

            descs = [
                pltpu.async_copy(
                    q_hbm.at[sidx_v.at[pl.ds((g * FIRE + b) * ch, ch)]],
                    rows_v[b], sems[b])
                for b in range(FIRE)
            ]
            for b in range(FIRE):
                descs[b].wait()
                pltpu.async_copy(
                    rows_v[b],
                    acc_sh.at[didx_v.at[pl.ds((g * FIRE + b) * ch, ch)]],
                    ssems[b], add=True)
            return carry

        lax.fori_loop(0, niter, body, 0)
        _drain_scatters()
        plsc.subcore_barrier()

        @pl.when(sid < NS - 1)
        def _out_full():
            pltpu.sync_copy(acc_sh.at[pl.ds(r0, RPT)],
                            out_hbm.at[cid, pl.ds(r0, RPT)])

        @pl.when(sid == NS - 1)
        def _out_last():
            pltpu.sync_copy(acc_sh.at[pl.ds((NS - 1) * RPT, RLAST)],
                            out_hbm.at[cid, pl.ds((NS - 1) * RPT, RLAST)])

    return agg_k



BR = 400
GR = N // BR

BM = 1024
GM = (N + BM - 1) // BM


def _k0_body(x_b, mlpW, mlpb, h0_b):
    h0_b[...] = jnp.dot(x_b[...], mlpW[...],
                        preferred_element_type=jnp.float32) + mlpb[...]


def _k1_body(h0_b, W1, degp, q1_b, dis_b):
    deg = degp[...][:, 0] + degp[...][:, 1] + 1.0
    dis = lax.rsqrt(deg)
    q1_b[...] = jnp.dot(h0_b[...], W1[...],
                        preferred_element_type=jnp.float32) * dis[:, None]
    dis_b[...] = dis[:, None]


def _k2_body(s_b, q_b, dis_b, bias, W, q2_b):
    agg = s_b[...][0] + s_b[...][1] + q_b[...]
    dis = dis_b[...]
    h = jnp.maximum(agg * dis + bias[...], 0.0)
    q2_b[...] = jnp.dot(h, W[...], preferred_element_type=jnp.float32) * dis


def _k3_body(s_b, q_b, dis_b, bias, u_b):
    agg = s_b[...][0] + s_b[...][1] + q_b[...]
    dis = dis_b[...]
    h = jnp.maximum(agg * dis + bias[...], 0.0)
    u_b[...] = h * dis


def _k4_body(s_b, u_b, dis_b, Wm, bm, Ws, bs, noise_b, z_b):
    g = (s_b[...][0] + s_b[...][1] + u_b[...]) * dis_b[...]
    mean = jnp.maximum(
        jnp.dot(g, Wm[...], preferred_element_type=jnp.float32) + bm[...], 0.0)
    logstd = jnp.maximum(
        jnp.dot(g, Ws[...], preferred_element_type=jnp.float32) + bs[...], 0.0)
    z_b[...] = noise_b[...] * jnp.exp(logstd) + mean


def _k5_body(z_b, zT_b, out_b):
    i = pl.program_id(0)
    j = pl.program_id(1)
    row0 = i * BM
    col0 = j * BM
    below = col0 + BM - 1 <= row0
    above = row0 + BM - 1 < col0

    @pl.when(below)
    def _zeros():
        out_b[...] = jnp.zeros((BM, BM), jnp.float32)

    @pl.when(above)
    def _full():
        a = jnp.dot(z_b[...], zT_b[...], preferred_element_type=jnp.float32)
        out_b[...] = jax.nn.sigmoid(a)

    @pl.when(jnp.logical_not(jnp.logical_or(below, above)))
    def _diag():
        a = jnp.dot(z_b[...], zT_b[...], preferred_element_type=jnp.float32)
        row = row0 + lax.broadcasted_iota(jnp.int32, (BM, BM), 0)
        col = col0 + lax.broadcasted_iota(jnp.int32, (BM, BM), 1)
        out_b[...] = jnp.where(col > row, jax.nn.sigmoid(a), 0.0)


def _row_spec(w):
    return pl.BlockSpec((BR, w), lambda i: (i, 0))


def _full_spec(shape):
    nd = len(shape)
    return pl.BlockSpec(shape, lambda i: (0,) * nd)


def kernel(x, edge_index, mlp_W, mlp_b, W1, b1, W2, b2, Wm, bm, Ws, bs, noise):
    f32 = jnp.float32
    src = edge_index[0].astype(jnp.int32)
    dst = edge_index[1].astype(jnp.int32)
    mlp_b2 = mlp_b.reshape(1, H)
    b1_2 = b1.reshape(1, H)
    b2_2 = b2.reshape(1, H)
    bm_2 = bm.reshape(1, O)
    bs_2 = bs.reshape(1, O)
    zeros1 = jnp.zeros((N,), f32)
    zeros3 = jnp.zeros((NS, RPT, H), f32)

    deg_parts = _deg_kernel()(dst, zeros1)
    degp = deg_parts.T

    agg = _agg_kernel(H, CH)

    h0 = pl.pallas_call(
        _k0_body,
        grid=(GR,),
        in_specs=[_row_spec(D), _full_spec((D, H)), _full_spec((1, H))],
        out_specs=_row_spec(H),
        out_shape=jax.ShapeDtypeStruct((N, H), f32),
    )(x, mlp_W, mlp_b2)

    q1, dis = pl.pallas_call(
        _k1_body,
        grid=(GR,),
        in_specs=[_row_spec(H), _full_spec((H, H)),
                  pl.BlockSpec((BR, NC), lambda i: (i, 0))],
        out_specs=[_row_spec(H), pl.BlockSpec((BR, 1), lambda i: (i, 0))],
        out_shape=[jax.ShapeDtypeStruct((N, H), f32),
                   jax.ShapeDtypeStruct((N, 1), f32)],
    )(h0, W1, degp)

    s1 = agg(q1, src, dst, zeros3)

    def stage2(s, q, bias, W):
        return pl.pallas_call(
            _k2_body,
            grid=(GR,),
            in_specs=[pl.BlockSpec((NC, BR, H), lambda i: (0, i, 0)),
                      _row_spec(H), pl.BlockSpec((BR, 1), lambda i: (i, 0)),
                      _full_spec((1, H)), _full_spec((H, H))],
            out_specs=_row_spec(H),
            out_shape=jax.ShapeDtypeStruct((N, H), f32),
        )(s, q, dis, bias, W)

    q2 = stage2(s1, q1, b1_2, W2)
    s2 = agg(q2, src, dst, zeros3)

    u = pl.pallas_call(
        _k3_body,
        grid=(GR,),
        in_specs=[pl.BlockSpec((NC, BR, H), lambda i: (0, i, 0)),
                  _row_spec(H), pl.BlockSpec((BR, 1), lambda i: (i, 0)),
                  _full_spec((1, H))],
        out_specs=_row_spec(H),
        out_shape=jax.ShapeDtypeStruct((N, H), f32),
    )(s2, q2, dis, b2_2)

    s3 = agg(u, src, dst, zeros3)

    z = pl.pallas_call(
        _k4_body,
        grid=(GR,),
        in_specs=[pl.BlockSpec((NC, BR, H), lambda i: (0, i, 0)),
                  _row_spec(H), pl.BlockSpec((BR, 1), lambda i: (i, 0)),
                  _full_spec((H, O)), _full_spec((1, O)),
                  _full_spec((H, O)), _full_spec((1, O)),
                  _row_spec(O)],
        out_specs=_row_spec(O),
        out_shape=jax.ShapeDtypeStruct((N, O), f32),
    )(s3, u, dis, Wm, bm_2, Ws, bs_2, noise)

    zT = z.T

    adj = pl.pallas_call(
        _k5_body,
        grid=(GM, GM),
        in_specs=[pl.BlockSpec((BM, O), lambda i, j: (i, 0)),
                  pl.BlockSpec((O, BM), lambda i, j: (0, j))],
        out_specs=pl.BlockSpec((BM, BM), lambda i, j: (i, j)),
        out_shape=jax.ShapeDtypeStruct((N, N), f32),
    )(z, zT)

    return adj

# --- scband reference (transcript-rebuilt; emitter-appended) ---
"""Pipeline reference for scband-vae-11613591568667 (READ-ONLY COPY).

The authoritative reference and input builder live on the scoring server;
editing this copy changes nothing except your own understanding.
"""

import jax, jax.numpy as jnp
import numpy as np

N = 10000
E = 320000
D = 128
H = 128
O = 16


def gcn_conv(x, src, dst, W, b, num_nodes):
    # PyG GCNConv with add_self_loops=True (self loops already appended to src/dst),
    # symmetric normalization, linear transform without internal bias, external bias added after aggregation.
    h = x @ W
    deg = jnp.zeros((num_nodes,), h.dtype).at[dst].add(1.0)
    deg_inv_sqrt = jnp.where(deg > 0, jax.lax.rsqrt(jnp.maximum(deg, 1e-12)), 0.0)
    norm = deg_inv_sqrt[src] * deg_inv_sqrt[dst]
    msg = h[src] * norm[:, None]
    out = jnp.zeros((num_nodes, h.shape[1]), h.dtype).at[dst].add(msg)
    return out + b


def setup_inputs(seed: int = 0) -> dict:
    key = jax.random.key(seed)
    ks = jax.random.split(key, 16)
    x = jax.random.normal(ks[0], (N, D), dtype=jnp.float32)
    edge_index = jax.random.randint(ks[1], (2, E), 0, N, dtype=jnp.int64)
    # parameters
    mlp_W = jax.random.normal(ks[2], (D, H), dtype=jnp.float32) * (2.0 / D) ** 0.5
    mlp_b = jnp.zeros((H,), dtype=jnp.float32)
    W1 = jax.random.normal(ks[3], (H, H), dtype=jnp.float32) * (1.0 / H) ** 0.5
    b1 = jnp.zeros((H,), dtype=jnp.float32)
    W2 = jax.random.normal(ks[4], (H, H), dtype=jnp.float32) * (1.0 / H) ** 0.5
    b2 = jnp.zeros((H,), dtype=jnp.float32)
    Wm = jax.random.normal(ks[5], (H, O), dtype=jnp.float32) * (1.0 / H) ** 0.5
    bm = jnp.zeros((O,), dtype=jnp.float32)
    Ws = jax.random.normal(ks[6], (H, O), dtype=jnp.float32) * (1.0 / H) ** 0.5
    bs = jnp.zeros((O,), dtype=jnp.float32)
    # torch.randn gaussian noise (fixed for reproducibility)
    noise = jax.random.normal(ks[7], (N, O), dtype=jnp.float32)
    return {"x": x, "edge_index": edge_index, "mlp_W": mlp_W, "mlp_b": mlp_b,
            "W1": W1, "b1": b1, "W2": W2, "b2": b2,
            "Wm": Wm, "bm": bm, "Ws": Ws, "bs": bs, "noise": noise}


def reference(x, edge_index, mlp_W, mlp_b, W1, b1, W2, b2, Wm, bm, Ws, bs, noise):
    # add self loops once (shared by all GCN layers; edge_weight=None -> ones)
    loop = jnp.arange(N, dtype=edge_index.dtype)
    src = jnp.concatenate([edge_index[0], loop])
    dst = jnp.concatenate([edge_index[1], loop])
    h = x @ mlp_W + mlp_b
    h = jax.nn.relu(gcn_conv(h, src, dst, W1, b1, N))
    h = jax.nn.relu(gcn_conv(h, src, dst, W2, b2, N))
    mean = jax.nn.relu(gcn_conv(h, src, dst, Wm, bm, N))
    log_stddev = jax.nn.relu(gcn_conv(h, src, dst, Ws, bs, N))
    sampled_z = noise * jnp.exp(log_stddev) + mean
    adj_pred = jax.nn.sigmoid(sampled_z @ sampled_z.T)
    adj_pred = jnp.triu(adj_pred, k=1)
    return adj_pred

if __name__ == "__main__":
    import jax
    _d = setup_inputs()
    print(jax.jit(kernel)(*tuple(_d.values())))

</pallas_src>

<mosaic_0001>
#map = affine_map<(d0, d1) -> (0, 0)>
#map1 = affine_map<(d0, d1) -> (0)>
#map2 = affine_map<(d0, d1) -> (0, 0, 0)>
module attributes {stable_mosaic.version = 14 : i64} {
  func.func @agg_k(%arg0: i32, %arg1: i32, %arg2: memref<10000x128xf32, #tpu.memory_space<hbm>>, %arg3: memref<320000xi32, #tpu.memory_space<hbm>>, %arg4: memref<320000xi32, #tpu.memory_space<hbm>>, %arg5: memref<16x640x128xf32, #tpu.memory_space<hbm>>, %arg6: memref<2x10000x128xf32, #tpu.memory_space<hbm>>, %arg7: memref<10000xi32, #tpu.memory_space<vmem>>, %arg8: memref<10000xi32, #tpu.memory_space<vmem>>, %arg9: memref<40x128xf32, #tpu.memory_space<vmem>>, %arg10: memref<40x128xf32, #tpu.memory_space<vmem>>, %arg11: memref<40x128xf32, #tpu.memory_space<vmem>>, %arg12: memref<40x128xf32, #tpu.memory_space<vmem>>, %arg13: memref<40x128xf32, #tpu.memory_space<vmem>>, %arg14: memref<10240x128xf32, #tpu.memory_space<vmem_shared>>, %arg15: memref<!tpu.dma_semaphore, #tpu.memory_space<semaphore_mem>>, %arg16: memref<!tpu.dma_semaphore, #tpu.memory_space<semaphore_mem>>, %arg17: memref<!tpu.dma_semaphore, #tpu.memory_space<semaphore_mem>>, %arg18: memref<!tpu.dma_semaphore, #tpu.memory_space<semaphore_mem>>, %arg19: memref<!tpu.dma_semaphore, #tpu.memory_space<semaphore_mem>>, %arg20: memref<!tpu.dma_semaphore, #tpu.memory_space<semaphore_mem>>, %arg21: memref<!tpu.dma_semaphore, #tpu.memory_space<semaphore_mem>>, %arg22: memref<!tpu.dma_semaphore, #tpu.memory_space<semaphore_mem>>, %arg23: memref<!tpu.dma_semaphore, #tpu.memory_space<semaphore_mem>>, %arg24: memref<!tpu.dma_semaphore, #tpu.memory_space<semaphore_mem>>) attributes {dimension_semantics = [#tpu.dimension_semantics<core_parallel>, #tpu.dimension_semantics<subcore_parallel>], iteration_bounds = array<i64: 2, 16>, scalar_prefetch = 0 : i64, scratch_operands = 18 : i64, tpu.core_type = #tpu.core_type<sc_vector_subcore>, window_params = [{transform_indices = #map}, {transform_indices = #map1}, {transform_indices = #map1}, {transform_indices = #map2}, {transform_indices = #map2}]} {
    %mul3A = arith.constant 16 : i32
    %mul3A_0 = arith.muli %arg0, %mul3A : i32
    %add3A = arith.addi %mul3A_0, %arg1 : i32
    %mul3A_1 = arith.constant 640 : i32
    %mul3A_2 = arith.muli %arg1, %mul3A_1 : i32
    %multiple_of3A = tpu.assume_multiple %mul3A_2, 8 : i32
    %mul3A_3 = arith.constant 10000 : i32
    %mul3A_4 = arith.muli %add3A, %mul3A_3 : i32
    "tpu.region"() ({
      %run_scoped3A = tpu.sem_alloc : memref<!tpu.dma_semaphore, #tpu.memory_space<semaphore_mem>>
      %dma_start3A = arith.constant 0 : i32
      %dma_start3A_46 = tpu.memref_slice %arg14[%multiple_of3A, %dma_start3A] : memref<10240x128xf32, #tpu.memory_space<vmem_shared>> -> memref<640x128xf32, #tpu.memory_space<vmem_shared>>
      %dma_start3A_47 = arith.constant 0 : i32
      %dma_start3A_48 = arith.constant 0 : i32
      %dma_start3A_49 = tpu.memref_slice %arg5[%arg1, %dma_start3A_47, %dma_start3A_48] : memref<16x640x128xf32, #tpu.memory_space<hbm>> -> memref<1x640x128xf32, #tpu.memory_space<hbm>>
      %dma_start3A_50 = tpu.memref_squeeze %dma_start3A_49 : memref<1x640x128xf32, #tpu.memory_space<hbm>> -> memref<640x128xf32, #tpu.memory_space<hbm>>
      tpu.enqueue_dma source(%dma_start3A_50 : memref<640x128xf32, #tpu.memory_space<hbm>>) target(%dma_start3A_46 : memref<640x128xf32, #tpu.memory_space<vmem_shared>>) target_semaphore(%run_scoped3A : memref<!tpu.dma_semaphore, #tpu.memory_space<semaphore_mem>>)
      %dma_wait3A_51 = arith.constant 0 : i32
      %dma_wait3A_52 = tpu.memref_slice %arg14[%multiple_of3A, %dma_wait3A_51] : memref<10240x128xf32, #tpu.memory_space<vmem_shared>> -> memref<640x128xf32, #tpu.memory_space<vmem_shared>>
      %dma_wait3A_53 = arith.constant 0 : i32
      %dma_wait3A_54 = arith.constant 0 : i32
      %dma_wait3A_55 = tpu.memref_slice %arg5[%arg1, %dma_wait3A_53, %dma_wait3A_54] : memref<16x640x128xf32, #tpu.memory_space<hbm>> -> memref<1x640x128xf32, #tpu.memory_space<hbm>>
      %dma_wait3A_56 = tpu.memref_squeeze %dma_wait3A_55 : memref<1x640x128xf32, #tpu.memory_space<hbm>> -> memref<640x128xf32, #tpu.memory_space<hbm>>
      tpu.wait_dma2 semaphore(%run_scoped3A : memref<!tpu.dma_semaphore, #tpu.memory_space<semaphore_mem>>) src(%dma_wait3A_56 : memref<640x128xf32, #tpu.memory_space<hbm>>) dst(%dma_wait3A_52 : memref<640x128xf32, #tpu.memory_space<vmem_shared>>)
      tpu.yield
    }) : () -> ()
    %barrier3A = arith.constant 0 : index
    tpu.barrier barrier_id(%barrier3A)
    "tpu.region"() ({
      %run_scoped3A = tpu.sem_alloc : memref<!tpu.dma_semaphore, #tpu.memory_space<semaphore_mem>>
      %dma_start3A = tpu.memref_slice %arg3[%mul3A_4] : memref<320000xi32, #tpu.memory_space<hbm>> -> memref<10000xi32, #tpu.memory_space<hbm>>
      %dma_start3A_46 = tpu.memref_slice %arg3[%mul3A_4] : memref<320000xi32, #tpu.memory_space<hbm>> -> memref<10000xi32, #tpu.memory_space<hbm>>
      tpu.enqueue_dma source(%dma_start3A_46 : memref<10000xi32, #tpu.memory_space<hbm>>) target(%arg7 : memref<10000xi32, #tpu.memory_space<vmem>>) target_semaphore(%run_scoped3A : memref<!tpu.dma_semaphore, #tpu.memory_space<semaphore_mem>>)
      %dma_wait3A_47 = tpu.memref_slice %arg3[%mul3A_4] : memref<320000xi32, #tpu.memory_space<hbm>> -> memref<10000xi32, #tpu.memory_space<hbm>>
      %dma_wait3A_48 = tpu.memref_slice %arg3[%mul3A_4] : memref<320000xi32, #tpu.memory_space<hbm>> -> memref<10000xi32, #tpu.memory_space<hbm>>
      tpu.wait_dma2 semaphore(%run_scoped3A : memref<!tpu.dma_semaphore, #tpu.memory_space<semaphore_mem>>) src(%dma_wait3A_48 : memref<10000xi32, #tpu.memory_space<hbm>>) dst(%arg7 : memref<10000xi32, #tpu.memory_space<vmem>>)
      tpu.yield
    }) : () -> ()
    "tpu.region"() ({
      %run_scoped3A = tpu.sem_alloc : memref<!tpu.dma_semaphore, #tpu.memory_space<semaphore_mem>>
      %dma_start3A = tpu.memref_slice %arg4[%mul3A_4] : memref<320000xi32, #tpu.memory_space<hbm>> -> memref<10000xi32, #tpu.memory_space<hbm>>
      %dma_start3A_46 = tpu.memref_slice %arg4[%mul3A_4] : memref<320000xi32, #tpu.memory_space<hbm>> -> memref<10000xi32, #tpu.memory_space<hbm>>
      tpu.enqueue_dma source(%dma_start3A_46 : memref<10000xi32, #tpu.memory_space<hbm>>) target(%arg8 : memref<10000xi32, #tpu.memory_space<vmem>>) target_semaphore(%run_scoped3A : memref<!tpu.dma_semaphore, #tpu.memory_space<semaphore_mem>>)
      %dma_wait3A_47 = tpu.memref_slice %arg4[%mul3A_4] : memref<320000xi32, #tpu.memory_space<hbm>> -> memref<10000xi32, #tpu.memory_space<hbm>>
      %dma_wait3A_48 = tpu.memref_slice %arg4[%mul3A_4] : memref<320000xi32, #tpu.memory_space<hbm>> -> memref<10000xi32, #tpu.memory_space<hbm>>
      tpu.wait_dma2 semaphore(%run_scoped3A : memref<!tpu.dma_semaphore, #tpu.memory_space<semaphore_mem>>) src(%dma_wait3A_48 : memref<10000xi32, #tpu.memory_space<hbm>>) dst(%arg8 : memref<10000xi32, #tpu.memory_space<vmem>>)
      tpu.yield
    }) : () -> ()
    %scan3A = arith.constant 0 : i32
    %scan3A_5 = arith.constant 0 : i32
    %scan3A_6 = arith.constant 50 : i32
    %scan3A_7 = arith.addi %scan3A_5, %scan3A_6 : i32
    %scan3A_8 = arith.constant 1 : i32
    scf.for %scan3A_46 = %scan3A_5 to %scan3A_7 step %scan3A_8  : i32 {
      %gt3A = arith.constant 0 : i32
      %gt3A_47 = arith.cmpi sgt, %scan3A_46, %gt3A : i32
      %convert_element_type3A_48 = arith.extui %gt3A_47 : i1 to i32
      %cond3A_49 = arith.constant 0 : i32
      %cond3A_50 = arith.cmpi ne, %convert_element_type3A_48, %cond3A_49 : i32
      scf.if %cond3A_50 {
        %dma_wait3A_170 = arith.constant 0 : i32
        %dma_wait3A_171 = arith.constant 0 : i32
        %dma_wait3A_172 = tpu.memref_slice %arg2[%dma_wait3A_170, %dma_wait3A_171] : memref<10000x128xf32, #tpu.memory_space<hbm>> -> memref<40x128xf32, #tpu.memory_space<hbm>>
        %dma_wait3A_173 = arith.constant 0 : i32
        %dma_wait3A_174 = arith.constant 0 : i32
        %dma_wait3A_175 = tpu.memref_slice %arg2[%dma_wait3A_173, %dma_wait3A_174] : memref<10000x128xf32, #tpu.memory_space<hbm>> -> memref<40x128xf32, #tpu.memory_space<hbm>>
        tpu.wait_dma2 semaphore(%arg20 : memref<!tpu.dma_semaphore, #tpu.memory_space<semaphore_mem>>) src(%dma_wait3A_175 : memref<40x128xf32, #tpu.memory_space<hbm>>) dst(%arg9 : memref<40x128xf32, #tpu.memory_space<vmem>>)
        %dma_wait3A_176 = arith.constant 0 : i32
        %dma_wait3A_177 = arith.constant 0 : i32
        %dma_wait3A_178 = tpu.memref_slice %arg2[%dma_wait3A_176, %dma_wait3A_177] : memref<10000x128xf32, #tpu.memory_space<hbm>> -> memref<40x128xf32, #tpu.memory_space<hbm>>
        %dma_wait3A_179 = arith.constant 0 : i32
        %dma_wait3A_180 = arith.constant 0 : i32
        %dma_wait3A_181 = tpu.memref_slice %arg2[%dma_wait3A_179, %dma_wait3A_180] : memref<10000x128xf32, #tpu.memory_space<hbm>> -> memref<40x128xf32, #tpu.memory_space<hbm>>
        tpu.wait_dma2 semaphore(%arg21 : memref<!tpu.dma_semaphore, #tpu.memory_space<semaphore_mem>>) src(%dma_wait3A_181 : memref<40x128xf32, #tpu.memory_space<hbm>>) dst(%arg10 : memref<40x128xf32, #tpu.memory_space<vmem>>)
        %dma_wait3A_182 = arith.constant 0 : i32
        %dma_wait3A_183 = arith.constant 0 : i32
        %dma_wait3A_184 = tpu.memref_slice %arg2[%dma_wait3A_182, %dma_wait3A_183] : memref<10000x128xf32, #tpu.memory_space<hbm>> -> memref<40x128xf32, #tpu.memory_space<hbm>>
        %dma_wait3A_185 = arith.constant 0 : i32
        %dma_wait3A_186 = arith.constant 0 : i32
        %dma_wait3A_187 = tpu.memref_slice %arg2[%dma_wait3A_185, %dma_wait3A_186] : memref<10000x128xf32, #tpu.memory_space<hbm>> -> memref<40x128xf32, #tpu.memory_space<hbm>>
        tpu.wait_dma2 semaphore(%arg22 : memref<!tpu.dma_semaphore, #tpu.memory_space<semaphore_mem>>) src(%dma_wait3A_187 : memref<40x128xf32, #tpu.memory_space<hbm>>) dst(%arg11 : memref<40x128xf32, #tpu.memory_space<vmem>>)
        %dma_wait3A_188 = arith.constant 0 : i32
        %dma_wait3A_189 = arith.constant 0 : i32
        %dma_wait3A_190 = tpu.memref_slice %arg2[%dma_wait3A_188, %dma_wait3A_189] : memref<10000x128xf32, #tpu.memory_space<hbm>> -> memref<40x128xf32, #tpu.memory_space<hbm>>
        %dma_wait3A_191 = arith.constant 0 : i32
        %dma_wait3A_192 = arith.constant 0 : i32
        %dma_wait3A_193 = tpu.memref_slice %arg2[%dma_wait3A_191, %dma_wait3A_192] : memref<10000x128xf32, #tpu.memory_space<hbm>> -> memref<40x128xf32, #tpu.memory_space<hbm>>
        tpu.wait_dma2 semaphore(%arg23 : memref<!tpu.dma_semaphore, #tpu.memory_space<semaphore_mem>>) src(%dma_wait3A_193 : memref<40x128xf32, #tpu.memory_space<hbm>>) dst(%arg12 : memref<40x128xf32, #tpu.memory_space<vmem>>)
        %dma_wait3A_194 = arith.constant 0 : i32
        %dma_wait3A_195 = arith.constant 0 : i32
        %dma_wait3A_196 = tpu.memref_slice %arg2[%dma_wait3A_194, %dma_wait3A_195] : memref<10000x128xf32, #tpu.memory_space<hbm>> -> memref<40x128xf32, #tpu.memory_space<hbm>>
        %dma_wait3A_197 = arith.constant 0 : i32
        %dma_wait3A_198 = arith.constant 0 : i32
        %dma_wait3A_199 = tpu.memref_slice %arg2[%dma_wait3A_197, %dma_wait3A_198] : memref<10000x128xf32, #tpu.memory_space<hbm>> -> memref<40x128xf32, #tpu.memory_space<hbm>>
        tpu.wait_dma2 semaphore(%arg24 : memref<!tpu.dma_semaphore, #tpu.memory_space<semaphore_mem>>) src(%dma_wait3A_199 : memref<40x128xf32, #tpu.memory_space<hbm>>) dst(%arg13 : memref<40x128xf32, #tpu.memory_space<vmem>>)
      } else {
      }
      %mul3A_51 = arith.constant 5 : i32
      %mul3A_52 = arith.muli %scan3A_46, %mul3A_51 : i32
      %add3A_53 = arith.constant 0 : i32
      %add3A_54 = arith.addi %mul3A_52, %add3A_53 : i32
      %mul3A_55 = arith.constant 40 : i32
      %mul3A_56 = arith.muli %add3A_54, %mul3A_55 : i32
      %dma_start3A = tpu.memref_slice %arg7[%mul3A_56] : memref<10000xi32, #tpu.memory_space<vmem>> -> memref<40xi32, #tpu.memory_space<vmem>>
      %dma_start3A_57 = arith.constant 0 : i32
      %dma_start3A_58 = arith.constant 0 : i32
      %dma_start3A_59 = tpu.memref_slice %arg2[%dma_start3A_57, %dma_start3A_58] : memref<10000x128xf32, #tpu.memory_space<hbm>> -> memref<10000x128xf32, #tpu.memory_space<hbm>>
      tpu.enqueue_indirect_dma source(%dma_start3A_59 : memref<10000x128xf32, #tpu.memory_space<hbm>>) target(%arg9 : memref<40x128xf32, #tpu.memory_space<vmem>>) offsets(%dma_start3A : memref<40xi32, #tpu.memory_space<vmem>>) semaphore(%arg15 : memref<!tpu.dma_semaphore, #tpu.memory_space<semaphore_mem>>)
      %mul3A_60 = arith.constant 5 : i32
      %mul3A_61 = arith.muli %scan3A_46, %mul3A_60 : i32
      %add3A_62 = arith.constant 1 : i32
      %add3A_63 = arith.addi %mul3A_61, %add3A_62 : i32
      %mul3A_64 = arith.constant 40 : i32
      %mul3A_65 = arith.muli %add3A_63, %mul3A_64 : i32
      %dma_start3A_66 = tpu.memref_slice %arg7[%mul3A_65] : memref<10000xi32, #tpu.memory_space<vmem>> -> memref<40xi32, #tpu.memory_space<vmem>>
      %dma_start3A_67 = arith.constant 0 : i32
      %dma_start3A_68 = arith.constant 0 : i32
      %dma_start3A_69 = tpu.memref_slice %arg2[%dma_start3A_67, %dma_start3A_68] : memref<10000x128xf32, #tpu.memory_space<hbm>> -> memref<10000x128xf32, #tpu.memory_space<hbm>>
      tpu.enqueue_indirect_dma source(%dma_start3A_69 : memref<10000x128xf32, #tpu.memory_space<hbm>>) target(%arg10 : memref<40x128xf32, #tpu.memory_space<vmem>>) offsets(%dma_start3A_66 : memref<40xi32, #tpu.memory_space<vmem>>) semaphore(%arg16 : memref<!tpu.dma_semaphore, #tpu.memory_space<semaphore_mem>>)
      %mul3A_70 = arith.constant 5 : i32
      %mul3A_71 = arith.muli %scan3A_46, %mul3A_70 : i32
      %add3A_72 = arith.constant 2 : i32
      %add3A_73 = arith.addi %mul3A_71, %add3A_72 : i32
      %mul3A_74 = arith.constant 40 : i32
      %mul3A_75 = arith.muli %add3A_73, %mul3A_74 : i32
      %dma_start3A_76 = tpu.memref_slice %arg7[%mul3A_75] : memref<10000xi32, #tpu.memory_space<vmem>> -> memref<40xi32, #tpu.memory_space<vmem>>
      %dma_start3A_77 = arith.constant 0 : i32
      %dma_start3A_78 = arith.constant 0 : i32
      %dma_start3A_79 = tpu.memref_slice %arg2[%dma_start3A_77, %dma_start3A_78] : memref<10000x128xf32, #tpu.memory_space<hbm>> -> memref<10000x128xf32, #tpu.memory_space<hbm>>
      tpu.enqueue_indirect_dma source(%dma_start3A_79 : memref<10000x128xf32, #tpu.memory_space<hbm>>) target(%arg11 : memref<40x128xf32, #tpu.memory_space<vmem>>) offsets(%dma_start3A_76 : memref<40xi32, #tpu.memory_space<vmem>>) semaphore(%arg17 : memref<!tpu.dma_semaphore, #tpu.memory_space<semaphore_mem>>)
      %mul3A_80 = arith.constant 5 : i32
      %mul3A_81 = arith.muli %scan3A_46, %mul3A_80 : i32
      %add3A_82 = arith.constant 3 : i32
      %add3A_83 = arith.addi %mul3A_81, %add3A_82 : i32
      %mul3A_84 = arith.constant 40 : i32
      %mul3A_85 = arith.muli %add3A_83, %mul3A_84 : i32
      %dma_start3A_86 = tpu.memref_slice %arg7[%mul3A_85] : memref<10000xi32, #tpu.memory_space<vmem>> -> memref<40xi32, #tpu.memory_space<vmem>>
      %dma_start3A_87 = arith.constant 0 : i32
      %dma_start3A_88 = arith.constant 0 : i32
      %dma_start3A_89 = tpu.memref_slice %arg2[%dma_start3A_87, %dma_start3A_88] : memref<10000x128xf32, #tpu.memory_space<hbm>> -> memref<10000x128xf32, #tpu.memory_space<hbm>>
      tpu.enqueue_indirect_dma source(%dma_start3A_89 : memref<10000x128xf32, #tpu.memory_space<hbm>>) target(%arg12 : memref<40x128xf32, #tpu.memory_space<vmem>>) offsets(%dma_start3A_86 : memref<40xi32, #tpu.memory_space<vmem>>) semaphore(%arg18 : memref<!tpu.dma_semaphore, #tpu.memory_space<semaphore_mem>>)
      %mul3A_90 = arith.constant 5 : i32
      %mul3A_91 = arith.muli %scan3A_46, %mul3A_90 : i32
      %add3A_92 = arith.constant 4 : i32
      %add3A_93 = arith.addi %mul3A_91, %add3A_92 : i32
      %mul3A_94 = arith.constant 40 : i32
      %mul3A_95 = arith.muli %add3A_93, %mul3A_94 : i32
      %dma_start3A_96 = tpu.memref_slice %arg7[%mul3A_95] : memref<10000xi32, #tpu.memory_space<vmem>> -> memref<40xi32, #tpu.memory_space<vmem>>
      %dma_start3A_97 = arith.constant 0 : i32
      %dma_start3A_98 = arith.constant 0 : i32
      %dma_start3A_99 = tpu.memref_slice %arg2[%dma_start3A_97, %dma_start3A_98] : memref<10000x128xf32, #tpu.memory_space<hbm>> -> memref<10000x128xf32, #tpu.memory_space<hbm>>
      tpu.enqueue_indirect_dma source(%dma_start3A_99 : memref<10000x128xf32, #tpu.memory_space<hbm>>) target(%arg13 : memref<40x128xf32, #tpu.memory_space<vmem>>) offsets(%dma_start3A_96 : memref<40xi32, #tpu.memory_space<vmem>>) semaphore(%arg19 : memref<!tpu.dma_semaphore, #tpu.memory_space<semaphore_mem>>)
      %dma_wait3A_100 = tpu.memref_slice %arg7[%mul3A_56] : memref<10000xi32, #tpu.memory_space<vmem>> -> memref<40xi32, #tpu.memory_space<vmem>>
      %dma_wait3A_101 = arith.constant 0 : i32
      %dma_wait3A_102 = arith.constant 0 : i32
      %dma_wait3A_103 = tpu.memref_slice %arg2[%dma_wait3A_101, %dma_wait3A_102] : memref<10000x128xf32, #tpu.memory_space<hbm>> -> memref<10000x128xf32, #tpu.memory_space<hbm>>
      tpu.wait_indirect_dma semaphore(%arg15 : memref<!tpu.dma_semaphore, #tpu.memory_space<semaphore_mem>>) src(%dma_wait3A_103 : memref<10000x128xf32, #tpu.memory_space<hbm>>) dst(%arg9 : memref<40x128xf32, #tpu.memory_space<vmem>>)
      %mul3A_104 = arith.constant 5 : i32
      %mul3A_105 = arith.muli %scan3A_46, %mul3A_104 : i32
      %add3A_106 = arith.constant 0 : i32
      %add3A_107 = arith.addi %mul3A_105, %add3A_106 : i32
      %mul3A_108 = arith.constant 40 : i32
      %mul3A_109 = arith.muli %add3A_107, %mul3A_108 : i32
      %dma_start3A_110 = tpu.memref_slice %arg8[%mul3A_109] : memref<10000xi32, #tpu.memory_space<vmem>> -> memref<40xi32, #tpu.memory_space<vmem>>
      %dma_start3A_111 = arith.constant 0 : i32
      %dma_start3A_112 = arith.constant 0 : i32
      %dma_start3A_113 = tpu.memref_slice %arg14[%dma_start3A_111, %dma_start3A_112] : memref<10240x128xf32, #tpu.memory_space<vmem_shared>> -> memref<10240x128xf32, #tpu.memory_space<vmem_shared>>
      tpu.enqueue_indirect_dma source(%arg9 : memref<40x128xf32, #tpu.memory_space<vmem>>) target(%dma_start3A_113 : memref<10240x128xf32, #tpu.memory_space<vmem_shared>>) offsets(%dma_start3A_110 : memref<40xi32, #tpu.memory_space<vmem>>) semaphore(%arg20 : memref<!tpu.dma_semaphore, #tpu.memory_space<semaphore_mem>>) {add = true}
      %dma_wait3A_114 = tpu.memref_slice %arg7[%mul3A_65] : memref<10000xi32, #tpu.memory_space<vmem>> -> memref<40xi32, #tpu.memory_space<vmem>>
      %dma_wait3A_115 = arith.constant 0 : i32
      %dma_wait3A_116 = arith.constant 0 : i32
      %dma_wait3A_117 = tpu.memref_slice %arg2[%dma_wait3A_115, %dma_wait3A_116] : memref<10000x128xf32, #tpu.memory_space<hbm>> -> memref<10000x128xf32, #tpu.memory_space<hbm>>
      tpu.wait_indirect_dma semaphore(%arg16 : memref<!tpu.dma_semaphore, #tpu.memory_space<semaphore_mem>>) src(%dma_wait3A_117 : memref<10000x128xf32, #tpu.memory_space<hbm>>) dst(%arg10 : memref<40x128xf32, #tpu.memory_space<vmem>>)
      %mul3A_118 = arith.constant 5 : i32
      %mul3A_119 = arith.muli %scan3A_46, %mul3A_118 : i32
      %add3A_120 = arith.constant 1 : i32
      %add3A_121 = arith.addi %mul3A_119, %add3A_120 : i32
      %mul3A_122 = arith.constant 40 : i32
      %mul3A_123 = arith.muli %add3A_121, %mul3A_122 : i32
      %dma_start3A_124 = tpu.memref_slice %arg8[%mul3A_123] : memref<10000xi32, #tpu.memory_space<vmem>> -> memref<40xi32, #tpu.memory_space<vmem>>
      %dma_start3A_125 = arith.constant 0 : i32
      %dma_start3A_126 = arith.constant 0 : i32
      %dma_start3A_127 = tpu.memref_slice %arg14[%dma_start3A_125, %dma_start3A_126] : memref<10240x128xf32, #tpu.memory_space<vmem_shared>> -> memref<10240x128xf32, #tpu.memory_space<vmem_shared>>
      tpu.enqueue_indirect_dma source(%arg10 : memref<40x128xf32, #tpu.memory_space<vmem>>) target(%dma_start3A_127 : memref<10240x128xf32, #tpu.memory_space<vmem_shared>>) offsets(%dma_start3A_124 : memref<40xi32, #tpu.memory_space<vmem>>) semaphore(%arg21 : memref<!tpu.dma_semaphore, #tpu.memory_space<semaphore_mem>>) {add = true}
      %dma_wait3A_128 = tpu.memref_slice %arg7[%mul3A_75] : memref<10000xi32, #tpu.memory_space<vmem>> -> memref<40xi32, #tpu.memory_space<vmem>>
      %dma_wait3A_129 = arith.constant 0 : i32
      %dma_wait3A_130 = arith.constant 0 : i32
      %dma_wait3A_131 = tpu.memref_slice %arg2[%dma_wait3A_129, %dma_wait3A_130] : memref<10000x128xf32, #tpu.memory_space<hbm>> -> memref<10000x128xf32, #tpu.memory_space<hbm>>
      tpu.wait_indirect_dma semaphore(%arg17 : memref<!tpu.dma_semaphore, #tpu.memory_space<semaphore_mem>>) src(%dma_wait3A_131 : memref<10000x128xf32, #tpu.memory_space<hbm>>) dst(%arg11 : memref<40x128xf32, #tpu.memory_space<vmem>>)
      %mul3A_132 = arith.constant 5 : i32
      %mul3A_133 = arith.muli %scan3A_46, %mul3A_132 : i32
      %add3A_134 = arith.constant 2 : i32
      %add3A_135 = arith.addi %mul3A_133, %add3A_134 : i32
      %mul3A_136 = arith.constant 40 : i32
      %mul3A_137 = arith.muli %add3A_135, %mul3A_136 : i32
      %dma_start3A_138 = tpu.memref_slice %arg8[%mul3A_137] : memref<10000xi32, #tpu.memory_space<vmem>> -> memref<40xi32, #tpu.memory_space<vmem>>
      %dma_start3A_139 = arith.constant 0 : i32
      %dma_start3A_140 = arith.constant 0 : i32
      %dma_start3A_141 = tpu.memref_slice %arg14[%dma_start3A_139, %dma_start3A_140] : memref<10240x128xf32, #tpu.memory_space<vmem_shared>> -> memref<10240x128xf32, #tpu.memory_space<vmem_shared>>
      tpu.enqueue_indirect_dma source(%arg11 : memref<40x128xf32, #tpu.memory_space<vmem>>) target(%dma_start3A_141 : memref<10240x128xf32, #tpu.memory_space<vmem_shared>>) offsets(%dma_start3A_138 : memref<40xi32, #tpu.memory_space<vmem>>) semaphore(%arg22 : memref<!tpu.dma_semaphore, #tpu.memory_space<semaphore_mem>>) {add = true}
      %dma_wait3A_142 = tpu.memref_slice %arg7[%mul3A_85] : memref<10000xi32, #tpu.memory_space<vmem>> -> memref<40xi32, #tpu.memory_space<vmem>>
      %dma_wait3A_143 = arith.constant 0 : i32
      %dma_wait3A_144 = arith.constant 0 : i32
      %dma_wait3A_145 = tpu.memref_slice %arg2[%dma_wait3A_143, %dma_wait3A_144] : memref<10000x128xf32, #tpu.memory_space<hbm>> -> memref<10000x128xf32, #tpu.memory_space<hbm>>
      tpu.wait_indirect_dma semaphore(%arg18 : memref<!tpu.dma_semaphore, #tpu.memory_space<semaphore_mem>>) src(%dma_wait3A_145 : memref<10000x128xf32, #tpu.memory_space<hbm>>) dst(%arg12 : memref<40x128xf32, #tpu.memory_space<vmem>>)
      %mul3A_146 = arith.constant 5 : i32
      %mul3A_147 = arith.muli %scan3A_46, %mul3A_146 : i32
      %add3A_148 = arith.constant 3 : i32
      %add3A_149 = arith.addi %mul3A_147, %add3A_148 : i32
      %mul3A_150 = arith.constant 40 : i32
      %mul3A_151 = arith.muli %add3A_149, %mul3A_150 : i32
      %dma_start3A_152 = tpu.memref_slice %arg8[%mul3A_151] : memref<10000xi32, #tpu.memory_space<vmem>> -> memref<40xi32, #tpu.memory_space<vmem>>
      %dma_start3A_153 = arith.constant 0 : i32
      %dma_start3A_154 = arith.constant 0 : i32
      %dma_start3A_155 = tpu.memref_slice %arg14[%dma_start3A_153, %dma_start3A_154] : memref<10240x128xf32, #tpu.memory_space<vmem_shared>> -> memref<10240x128xf32, #tpu.memory_space<vmem_shared>>
      tpu.enqueue_indirect_dma source(%arg12 : memref<40x128xf32, #tpu.memory_space<vmem>>) target(%dma_start3A_155 : memref<10240x128xf32, #tpu.memory_space<vmem_shared>>) offsets(%dma_start3A_152 : memref<40xi32, #tpu.memory_space<vmem>>) semaphore(%arg23 : memref<!tpu.dma_semaphore, #tpu.memory_space<semaphore_mem>>) {add = true}
      %dma_wait3A_156 = tpu.memref_slice %arg7[%mul3A_95] : memref<10000xi32, #tpu.memory_space<vmem>> -> memref<40xi32, #tpu.memory_space<vmem>>
      %dma_wait3A_157 = arith.constant 0 : i32
      %dma_wait3A_158 = arith.constant 0 : i32
      %dma_wait3A_159 = tpu.memref_slice %arg2[%dma_wait3A_157, %dma_wait3A_158] : memref<10000x128xf32, #tpu.memory_space<hbm>> -> memref<10000x128xf32, #tpu.memory_space<hbm>>
      tpu.wait_indirect_dma semaphore(%arg19 : memref<!tpu.dma_semaphore, #tpu.memory_space<semaphore_mem>>) src(%dma_wait3A_159 : memref<10000x128xf32, #tpu.memory_space<hbm>>) dst(%arg13 : memref<40x128xf32, #tpu.memory_space<vmem>>)
      %mul3A_160 = arith.constant 5 : i32
      %mul3A_161 = arith.muli %scan3A_46, %mul3A_160 : i32
      %add3A_162 = arith.constant 4 : i32
      %add3A_163 = arith.addi %mul3A_161, %add3A_162 : i32
      %mul3A_164 = arith.constant 40 : i32
      %mul3A_165 = arith.muli %add3A_163, %mul3A_164 : i32
      %dma_start3A_166 = tpu.memref_slice %arg8[%mul3A_165] : memref<10000xi32, #tpu.memory_space<vmem>> -> memref<40xi32, #tpu.memory_space<vmem>>
      %dma_start3A_167 = arith.constant 0 : i32
      %dma_start3A_168 = arith.constant 0 : i32
      %dma_start3A_169 = tpu.memref_slice %arg14[%dma_start3A_167, %dma_start3A_168] : memref<10240x128xf32, #tpu.memory_space<vmem_shared>> -> memref<10240x128xf32, #tpu.memory_space<vmem_shared>>
      tpu.enqueue_indirect_dma source(%arg13 : memref<40x128xf32, #tpu.memory_space<vmem>>) target(%dma_start3A_169 : memref<10240x128xf32, #tpu.memory_space<vmem_shared>>) offsets(%dma_start3A_166 : memref<40xi32, #tpu.memory_space<vmem>>) semaphore(%arg24 : memref<!tpu.dma_semaphore, #tpu.memory_space<semaphore_mem>>) {add = true}
    }
    %scan3A_9 = arith.constant 50 : i32
    %dma_wait3A = arith.constant 0 : i32
    %dma_wait3A_10 = arith.constant 0 : i32
    %dma_wait3A_11 = tpu.memref_slice %arg2[%dma_wait3A, %dma_wait3A_10] : memref<10000x128xf32, #tpu.memory_space<hbm>> -> memref<40x128xf32, #tpu.memory_space<hbm>>
    %dma_wait3A_12 = arith.constant 0 : i32
    %dma_wait3A_13 = arith.constant 0 : i32
    %dma_wait3A_14 = tpu.memref_slice %arg2[%dma_wait3A_12, %dma_wait3A_13] : memref<10000x128xf32, #tpu.memory_space<hbm>> -> memref<40x128xf32, #tpu.memory_space<hbm>>
    tpu.wait_dma2 semaphore(%arg20 : memref<!tpu.dma_semaphore, #tpu.memory_space<semaphore_mem>>) src(%dma_wait3A_14 : memref<40x128xf32, #tpu.memory_space<hbm>>) dst(%arg9 : memref<40x128xf32, #tpu.memory_space<vmem>>)
    %dma_wait3A_15 = arith.constant 0 : i32
    %dma_wait3A_16 = arith.constant 0 : i32
    %dma_wait3A_17 = tpu.memref_slice %arg2[%dma_wait3A_15, %dma_wait3A_16] : memref<10000x128xf32, #tpu.memory_space<hbm>> -> memref<40x128xf32, #tpu.memory_space<hbm>>
    %dma_wait3A_18 = arith.constant 0 : i32
    %dma_wait3A_19 = arith.constant 0 : i32
    %dma_wait3A_20 = tpu.memref_slice %arg2[%dma_wait3A_18, %dma_wait3A_19] : memref<10000x128xf32, #tpu.memory_space<hbm>> -> memref<40x128xf32, #tpu.memory_space<hbm>>
    tpu.wait_dma2 semaphore(%arg21 : memref<!tpu.dma_semaphore, #tpu.memory_space<semaphore_mem>>) src(%dma_wait3A_20 : memref<40x128xf32, #tpu.memory_space<hbm>>) dst(%arg10 : memref<40x128xf32, #tpu.memory_space<vmem>>)
    %dma_wait3A_21 = arith.constant 0 : i32
    %dma_wait3A_22 = arith.constant 0 : i32
    %dma_wait3A_23 = tpu.memref_slice %arg2[%dma_wait3A_21, %dma_wait3A_22] : memref<10000x128xf32, #tpu.memory_space<hbm>> -> memref<40x128xf32, #tpu.memory_space<hbm>>
    %dma_wait3A_24 = arith.constant 0 : i32
    %dma_wait3A_25 = arith.constant 0 : i32
    %dma_wait3A_26 = tpu.memref_slice %arg2[%dma_wait3A_24, %dma_wait3A_25] : memref<10000x128xf32, #tpu.memory_space<hbm>> -> memref<40x128xf32, #tpu.memory_space<hbm>>
    tpu.wait_dma2 semaphore(%arg22 : memref<!tpu.dma_semaphore, #tpu.memory_space<semaphore_mem>>) src(%dma_wait3A_26 : memref<40x128xf32, #tpu.memory_space<hbm>>) dst(%arg11 : memref<40x128xf32, #tpu.memory_space<vmem>>)
    %dma_wait3A_27 = arith.constant 0 : i32
    %dma_wait3A_28 = arith.constant 0 : i32
    %dma_wait3A_29 = tpu.memref_slice %arg2[%dma_wait3A_27, %dma_wait3A_28] : memref<10000x128xf32, #tpu.memory_space<hbm>> -> memref<40x128xf32, #tpu.memory_space<hbm>>
    %dma_wait3A_30 = arith.constant 0 : i32
    %dma_wait3A_31 = arith.constant 0 : i32
    %dma_wait3A_32 = tpu.memref_slice %arg2[%dma_wait3A_30, %dma_wait3A_31] : memref<10000x128xf32, #tpu.memory_space<hbm>> -> memref<40x128xf32, #tpu.memory_space<hbm>>
    tpu.wait_dma2 semaphore(%arg23 : memref<!tpu.dma_semaphore, #tpu.memory_space<semaphore_mem>>) src(%dma_wait3A_32 : memref<40x128xf32, #tpu.memory_space<hbm>>) dst(%arg12 : memref<40x128xf32, #tpu.memory_space<vmem>>)
    %dma_wait3A_33 = arith.constant 0 : i32
    %dma_wait3A_34 = arith.constant 0 : i32
    %dma_wait3A_35 = tpu.memref_slice %arg2[%dma_wait3A_33, %dma_wait3A_34] : memref<10000x128xf32, #tpu.memory_space<hbm>> -> memref<40x128xf32, #tpu.memory_space<hbm>>
    %dma_wait3A_36 = arith.constant 0 : i32
    %dma_wait3A_37 = arith.constant 0 : i32
    %dma_wait3A_38 = tpu.memref_slice %arg2[%dma_wait3A_36, %dma_wait3A_37] : memref<10000x128xf32, #tpu.memory_space<hbm>> -> memref<40x128xf32, #tpu.memory_space<hbm>>
    tpu.wait_dma2 semaphore(%arg24 : memref<!tpu.dma_semaphore, #tpu.memory_space<semaphore_mem>>) src(%dma_wait3A_38 : memref<40x128xf32, #tpu.memory_space<hbm>>) dst(%arg13 : memref<40x128xf32, #tpu.memory_space<vmem>>)
    %barrier3A_39 = arith.constant 0 : index
    tpu.barrier barrier_id(%barrier3A_39)
    %lt3A = arith.constant 15 : i32
    %lt3A_40 = arith.cmpi slt, %arg1, %lt3A : i32
    %convert_element_type3A = arith.extui %lt3A_40 : i1 to i32
    %cond3A = arith.constant 0 : i32
    %cond3A_41 = arith.cmpi ne, %convert_element_type3A, %cond3A : i32
    scf.if %cond3A_41 {
      "tpu.region"() ({
        %run_scoped3A = tpu.sem_alloc : memref<!tpu.dma_semaphore, #tpu.memory_space<semaphore_mem>>
        %dma_start3A = arith.constant 0 : i32
        %dma_start3A_46 = tpu.memref_slice %arg6[%arg0, %multiple_of3A, %dma_start3A] : memref<2x10000x128xf32, #tpu.memory_space<hbm>> -> memref<1x640x128xf32, #tpu.memory_space<hbm>>
        %dma_start3A_47 = tpu.memref_squeeze %dma_start3A_46 : memref<1x640x128xf32, #tpu.memory_space<hbm>> -> memref<640x128xf32, #tpu.memory_space<hbm>>
        %dma_start3A_48 = arith.constant 0 : i32
        %dma_start3A_49 = tpu.memref_slice %arg14[%multiple_of3A, %dma_start3A_48] : memref<10240x128xf32, #tpu.memory_space<vmem_shared>> -> memref<640x128xf32, #tpu.memory_space<vmem_shared>>
        tpu.enqueue_dma source(%dma_start3A_49 : memref<640x128xf32, #tpu.memory_space<vmem_shared>>) target(%dma_start3A_47 : memref<640x128xf32, #tpu.memory_space<hbm>>) target_semaphore(%run_scoped3A : memref<!tpu.dma_semaphore, #tpu.memory_space<semaphore_mem>>)
        %dma_wait3A_50 = arith.constant 0 : i32
        %dma_wait3A_51 = tpu.memref_slice %arg6[%arg0, %multiple_of3A, %dma_wait3A_50] : memref<2x10000x128xf32, #tpu.memory_space<hbm>> -> memref<1x640x128xf32, #tpu.memory_space<hbm>>
        %dma_wait3A_52 = tpu.memref_squeeze %dma_wait3A_51 : memref<1x640x128xf32, #tpu.memory_space<hbm>> -> memref<640x128xf32, #tpu.memory_space<hbm>>
        %dma_wait3A_53 = arith.constant 0 : i32
        %dma_wait3A_54 = tpu.memref_slice %arg14[%multiple_of3A, %dma_wait3A_53] : memref<10240x128xf32, #tpu.memory_space<vmem_shared>> -> memref<640x128xf32, #tpu.memory_space<vmem_shared>>
        tpu.wait_dma2 semaphore(%run_scoped3A : memref<!tpu.dma_semaphore, #tpu.memory_space<semaphore_mem>>) src(%dma_wait3A_54 : memref<640x128xf32, #tpu.memory_space<vmem_shared>>) dst(%dma_wait3A_52 : memref<640x128xf32, #tpu.memory_space<hbm>>)
        tpu.yield
      }) : () -> ()
    } else {
    }
    %eq3A = arith.constant 15 : i32
    %eq3A_42 = arith.cmpi eq, %arg1, %eq3A : i32
    %convert_element_type3A_43 = arith.extui %eq3A_42 : i1 to i32
    %cond3A_44 = arith.constant 0 : i32
    %cond3A_45 = arith.cmpi ne, %convert_element_type3A_43, %cond3A_44 : i32
    scf.if %cond3A_45 {
      "tpu.region"() ({
        %run_scoped3A = tpu.sem_alloc : memref<!tpu.dma_semaphore, #tpu.memory_space<semaphore_mem>>
        %dma_start3A = arith.constant 9600 : i32
        %dma_start3A_46 = arith.constant 0 : i32
        %dma_start3A_47 = tpu.memref_slice %arg6[%arg0, %dma_start3A, %dma_start3A_46] : memref<2x10000x128xf32, #tpu.memory_space<hbm>> -> memref<1x400x128xf32, #tpu.memory_space<hbm>>
        %dma_start3A_48 = tpu.memref_squeeze %dma_start3A_47 : memref<1x400x128xf32, #tpu.memory_space<hbm>> -> memref<400x128xf32, #tpu.memory_space<hbm>>
        %dma_start3A_49 = arith.constant 9600 : i32
        %dma_start3A_50 = arith.constant 0 : i32
        %dma_start3A_51 = tpu.memref_slice %arg14[%dma_start3A_49, %dma_start3A_50] : memref<10240x128xf32, #tpu.memory_space<vmem_shared>> -> memref<400x128xf32, #tpu.memory_space<vmem_shared>>
        tpu.enqueue_dma source(%dma_start3A_51 : memref<400x128xf32, #tpu.memory_space<vmem_shared>>) target(%dma_start3A_48 : memref<400x128xf32, #tpu.memory_space<hbm>>) target_semaphore(%run_scoped3A : memref<!tpu.dma_semaphore, #tpu.memory_space<semaphore_mem>>)
        %dma_wait3A_52 = arith.constant 9600 : i32
        %dma_wait3A_53 = arith.constant 0 : i32
        %dma_wait3A_54 = tpu.memref_slice %arg6[%arg0, %dma_wait3A_52, %dma_wait3A_53] : memref<2x10000x128xf32, #tpu.memory_space<hbm>> -> memref<1x400x128xf32, #tpu.memory_space<hbm>>
        %dma_wait3A_55 = tpu.memref_squeeze %dma_wait3A_54 : memref<1x400x128xf32, #tpu.memory_space<hbm>> -> memref<400x128xf32, #tpu.memory_space<hbm>>
        %dma_wait3A_56 = arith.constant 9600 : i32
        %dma_wait3A_57 = arith.constant 0 : i32
        %dma_wait3A_58 = tpu.memref_slice %arg14[%dma_wait3A_56, %dma_wait3A_57] : memref<10240x128xf32, #tpu.memory_space<vmem_shared>> -> memref<400x128xf32, #tpu.memory_space<vmem_shared>>
        tpu.wait_dma2 semaphore(%run_scoped3A : memref<!tpu.dma_semaphore, #tpu.memory_space<semaphore_mem>>) src(%dma_wait3A_58 : memref<400x128xf32, #tpu.memory_space<vmem_shared>>) dst(%dma_wait3A_55 : memref<400x128xf32, #tpu.memory_space<hbm>>)
        tpu.yield
      }) : () -> ()
    } else {
    }
    return
  }
}

#map = affine_map<(d0, d1) -> (0)>
#map1 = affine_map<(d0, d1) -> (0, 0)>
module attributes {stable_mosaic.version = 14 : i64} {
  func.func @deg_k(%arg0: i32, %arg1: i32, %arg2: memref<320000xi32, #tpu.memory_space<hbm>>, %arg3: memref<10000xf32, #tpu.memory_space<hbm>>, %arg4: memref<2x10000xf32, #tpu.memory_space<hbm>>, %arg5: memref<40xi32, #tpu.memory_space<vmem>>, %arg6: memref<40xi32, #tpu.memory_space<vmem>>, %arg7: memref<40xi32, #tpu.memory_space<vmem>>, %arg8: memref<40xi32, #tpu.memory_space<vmem>>, %arg9: memref<40xi32, #tpu.memory_space<vmem>>, %arg10: memref<48xf32, #tpu.memory_space<vmem>>, %arg11: memref<10000xf32, #tpu.memory_space<vmem_shared>>, %arg12: memref<!tpu.dma_semaphore, #tpu.memory_space<semaphore_mem>>, %arg13: memref<!tpu.dma_semaphore, #tpu.memory_space<semaphore_mem>>, %arg14: memref<!tpu.dma_semaphore, #tpu.memory_space<semaphore_mem>>, %arg15: memref<!tpu.dma_semaphore, #tpu.memory_space<semaphore_mem>>, %arg16: memref<!tpu.dma_semaphore, #tpu.memory_space<semaphore_mem>>) attributes {dimension_semantics = [#tpu.dimension_semantics<core_parallel>, #tpu.dimension_semantics<subcore_parallel>], iteration_bounds = array<i64: 2, 16>, scalar_prefetch = 0 : i64, scratch_operands = 12 : i64, tpu.core_type = #tpu.core_type<sc_vector_subcore>, window_params = [{transform_indices = #map}, {transform_indices = #map}, {transform_indices = #map1}]} {
    %mul3A = arith.constant 16 : i32
    %mul3A_0 = arith.muli %arg0, %mul3A : i32
    %add3A = arith.addi %mul3A_0, %arg1 : i32
    %broadcast_in_dim3A = arith.constant 1.000000e+00 : f32
    %broadcast_in_dim3A_1 = vector.broadcast %broadcast_in_dim3A : f32 to vector<16xf32>
    %swap3A = arith.constant 0 : index
    %swap3A_2 = tpu.vector_load %arg10[%swap3A] {strides = array<i32>} : memref<48xf32, #tpu.memory_space<vmem>>, vector<16xf32>,
    %swap3A_3 = vector.shape_cast %swap3A_2 : vector<16xf32> to vector<16xf32>
    %swap3A_4 = vector.shape_cast %broadcast_in_dim3A_1 : vector<16xf32> to vector<16xf32>
    tpu.vector_store %arg10[%swap3A], %swap3A_4 {strides = array<i32>} : memref<48xf32, #tpu.memory_space<vmem>>, vector<16xf32>,
    %broadcast_in_dim3A_5 = arith.constant 1.000000e+00 : f32
    %broadcast_in_dim3A_6 = vector.broadcast %broadcast_in_dim3A_5 : f32 to vector<16xf32>
    %swap3A_7 = arith.constant 16 : index
    %swap3A_8 = tpu.vector_load %arg10[%swap3A_7] {strides = array<i32>} : memref<48xf32, #tpu.memory_space<vmem>>, vector<16xf32>,
    %swap3A_9 = vector.shape_cast %swap3A_8 : vector<16xf32> to vector<16xf32>
    %swap3A_10 = vector.shape_cast %broadcast_in_dim3A_6 : vector<16xf32> to vector<16xf32>
    tpu.vector_store %arg10[%swap3A_7], %swap3A_10 {strides = array<i32>} : memref<48xf32, #tpu.memory_space<vmem>>, vector<16xf32>,
    %broadcast_in_dim3A_11 = arith.constant 1.000000e+00 : f32
    %broadcast_in_dim3A_12 = vector.broadcast %broadcast_in_dim3A_11 : f32 to vector<16xf32>
    %swap3A_13 = arith.constant 32 : index
    %swap3A_14 = tpu.vector_load %arg10[%swap3A_13] {strides = array<i32>} : memref<48xf32, #tpu.memory_space<vmem>>, vector<16xf32>,
    %swap3A_15 = vector.shape_cast %swap3A_14 : vector<16xf32> to vector<16xf32>
    %swap3A_16 = vector.shape_cast %broadcast_in_dim3A_12 : vector<16xf32> to vector<16xf32>
    tpu.vector_store %arg10[%swap3A_13], %swap3A_16 {strides = array<i32>} : memref<48xf32, #tpu.memory_space<vmem>>, vector<16xf32>,
    %eq3A = arith.constant 0 : i32
    %eq3A_17 = arith.cmpi eq, %arg1, %eq3A : i32
    %convert_element_type3A = arith.extui %eq3A_17 : i1 to i32
    %cond3A = arith.constant 0 : i32
    %cond3A_18 = arith.cmpi ne, %convert_element_type3A, %cond3A : i32
    scf.if %cond3A_18 {
      "tpu.region"() ({
        %run_scoped3A = tpu.sem_alloc : memref<!tpu.dma_semaphore, #tpu.memory_space<semaphore_mem>>
        tpu.enqueue_dma source(%arg3 : memref<10000xf32, #tpu.memory_space<hbm>>) target(%arg11 : memref<10000xf32, #tpu.memory_space<vmem_shared>>) target_semaphore(%run_scoped3A : memref<!tpu.dma_semaphore, #tpu.memory_space<semaphore_mem>>)
        tpu.wait_dma2 semaphore(%run_scoped3A : memref<!tpu.dma_semaphore, #tpu.memory_space<semaphore_mem>>) src(%arg3 : memref<10000xf32, #tpu.memory_space<hbm>>) dst(%arg11 : memref<10000xf32, #tpu.memory_space<vmem_shared>>)
        tpu.yield
      }) : () -> ()
    } else {
    }
    %barrier3A = arith.constant 0 : index
    tpu.barrier barrier_id(%barrier3A)
    %mul3A_19 = arith.constant 10000 : i32
    %mul3A_20 = arith.muli %add3A, %mul3A_19 : i32
    %scan3A = arith.constant 0 : i32
    %scan3A_21 = arith.constant 0 : i32
    %scan3A_22 = arith.constant 50 : i32
    %scan3A_23 = arith.addi %scan3A_21, %scan3A_22 : i32
    %scan3A_24 = arith.constant 1 : i32
    scf.for %scan3A_32 = %scan3A_21 to %scan3A_23 step %scan3A_24  : i32 {
      %mul3A_33 = arith.constant 200 : i32
      %mul3A_34 = arith.muli %scan3A_32, %mul3A_33 : i32
      %add3A_35 = arith.addi %mul3A_20, %mul3A_34 : i32
      %add3A_36 = arith.constant 0 : i32
      %add3A_37 = arith.addi %add3A_35, %add3A_36 : i32
      %dma_start3A = tpu.memref_slice %arg2[%add3A_37] : memref<320000xi32, #tpu.memory_space<hbm>> -> memref<40xi32, #tpu.memory_space<hbm>>
      %dma_start3A_38 = tpu.memref_slice %arg2[%add3A_37] : memref<320000xi32, #tpu.memory_space<hbm>> -> memref<40xi32, #tpu.memory_space<hbm>>
      tpu.enqueue_dma source(%dma_start3A_38 : memref<40xi32, #tpu.memory_space<hbm>>) target(%arg5 : memref<40xi32, #tpu.memory_space<vmem>>) target_semaphore(%arg12 : memref<!tpu.dma_semaphore, #tpu.memory_space<semaphore_mem>>)
      %add3A_39 = arith.constant 40 : i32
      %add3A_40 = arith.addi %add3A_35, %add3A_39 : i32
      %dma_start3A_41 = tpu.memref_slice %arg2[%add3A_40] : memref<320000xi32, #tpu.memory_space<hbm>> -> memref<40xi32, #tpu.memory_space<hbm>>
      %dma_start3A_42 = tpu.memref_slice %arg2[%add3A_40] : memref<320000xi32, #tpu.memory_space<hbm>> -> memref<40xi32, #tpu.memory_space<hbm>>
      tpu.enqueue_dma source(%dma_start3A_42 : memref<40xi32, #tpu.memory_space<hbm>>) target(%arg6 : memref<40xi32, #tpu.memory_space<vmem>>) target_semaphore(%arg13 : memref<!tpu.dma_semaphore, #tpu.memory_space<semaphore_mem>>)
      %add3A_43 = arith.constant 80 : i32
      %add3A_44 = arith.addi %add3A_35, %add3A_43 : i32
      %dma_start3A_45 = tpu.memref_slice %arg2[%add3A_44] : memref<320000xi32, #tpu.memory_space<hbm>> -> memref<40xi32, #tpu.memory_space<hbm>>
      %dma_start3A_46 = tpu.memref_slice %arg2[%add3A_44] : memref<320000xi32, #tpu.memory_space<hbm>> -> memref<40xi32, #tpu.memory_space<hbm>>
      tpu.enqueue_dma source(%dma_start3A_46 : memref<40xi32, #tpu.memory_space<hbm>>) target(%arg7 : memref<40xi32, #tpu.memory_space<vmem>>) target_semaphore(%arg14 : memref<!tpu.dma_semaphore, #tpu.memory_space<semaphore_mem>>)
      %add3A_47 = arith.constant 120 : i32
      %add3A_48 = arith.addi %add3A_35, %add3A_47 : i32
      %dma_start3A_49 = tpu.memref_slice %arg2[%add3A_48] : memref<320000xi32, #tpu.memory_space<hbm>> -> memref<40xi32, #tpu.memory_space<hbm>>
      %dma_start3A_50 = tpu.memref_slice %arg2[%add3A_48] : memref<320000xi32, #tpu.memory_space<hbm>> -> memref<40xi32, #tpu.memory_space<hbm>>
      tpu.enqueue_dma source(%dma_start3A_50 : memref<40xi32, #tpu.memory_space<hbm>>) target(%arg8 : memref<40xi32, #tpu.memory_space<vmem>>) target_semaphore(%arg15 : memref<!tpu.dma_semaphore, #tpu.memory_space<semaphore_mem>>)
      %add3A_51 = arith.constant 160 : i32
      %add3A_52 = arith.addi %add3A_35, %add3A_51 : i32
      %dma_start3A_53 = tpu.memref_slice %arg2[%add3A_52] : memref<320000xi32, #tpu.memory_space<hbm>> -> memref<40xi32, #tpu.memory_space<hbm>>
      %dma_start3A_54 = tpu.memref_slice %arg2[%add3A_52] : memref<320000xi32, #tpu.memory_space<hbm>> -> memref<40xi32, #tpu.memory_space<hbm>>
      tpu.enqueue_dma source(%dma_start3A_54 : memref<40xi32, #tpu.memory_space<hbm>>) target(%arg9 : memref<40xi32, #tpu.memory_space<vmem>>) target_semaphore(%arg16 : memref<!tpu.dma_semaphore, #tpu.memory_space<semaphore_mem>>)
      %dma_wait3A = tpu.memref_slice %arg2[%add3A_37] : memref<320000xi32, #tpu.memory_space<hbm>> -> memref<40xi32, #tpu.memory_space<hbm>>
      %dma_wait3A_55 = tpu.memref_slice %arg2[%add3A_37] : memref<320000xi32, #tpu.memory_space<hbm>> -> memref<40xi32, #tpu.memory_space<hbm>>
      tpu.wait_dma2 semaphore(%arg12 : memref<!tpu.dma_semaphore, #tpu.memory_space<semaphore_mem>>) src(%dma_wait3A_55 : memref<40xi32, #tpu.memory_space<hbm>>) dst(%arg5 : memref<40xi32, #tpu.memory_space<vmem>>)
      "tpu.region"() ({
        %run_scoped3A = tpu.sem_alloc : memref<!tpu.dma_semaphore, #tpu.memory_space<semaphore_mem>>
        %dma_start3A_64 = arith.constant 0 : i32
        %dma_start3A_65 = tpu.memref_slice %arg10[%dma_start3A_64] : memref<48xf32, #tpu.memory_space<vmem>> -> memref<40xf32, #tpu.memory_space<vmem>>
        %dma_start3A_66 = arith.constant 0 : i32
        %dma_start3A_67 = tpu.memref_slice %arg11[%dma_start3A_66] : memref<10000xf32, #tpu.memory_space<vmem_shared>> -> memref<10000xf32, #tpu.memory_space<vmem_shared>>
        tpu.enqueue_indirect_dma source(%dma_start3A_65 : memref<40xf32, #tpu.memory_space<vmem>>) target(%dma_start3A_67 : memref<10000xf32, #tpu.memory_space<vmem_shared>>) offsets(%arg5 : memref<40xi32, #tpu.memory_space<vmem>>) semaphore(%run_scoped3A : memref<!tpu.dma_semaphore, #tpu.memory_space<semaphore_mem>>) {add = true}
        %dma_wait3A_68 = arith.constant 0 : i32
        %dma_wait3A_69 = tpu.memref_slice %arg10[%dma_wait3A_68] : memref<48xf32, #tpu.memory_space<vmem>> -> memref<40xf32, #tpu.memory_space<vmem>>
        %dma_wait3A_70 = arith.constant 0 : i32
        %dma_wait3A_71 = tpu.memref_slice %arg11[%dma_wait3A_70] : memref<10000xf32, #tpu.memory_space<vmem_shared>> -> memref<10000xf32, #tpu.memory_space<vmem_shared>>
        tpu.wait_indirect_dma semaphore(%run_scoped3A : memref<!tpu.dma_semaphore, #tpu.memory_space<semaphore_mem>>) src(%dma_wait3A_69 : memref<40xf32, #tpu.memory_space<vmem>>) dst(%dma_wait3A_71 : memref<10000xf32, #tpu.memory_space<vmem_shared>>)
        tpu.yield
      }) : () -> ()
      %dma_wait3A_56 = tpu.memref_slice %arg2[%add3A_40] : memref<320000xi32, #tpu.memory_space<hbm>> -> memref<40xi32, #tpu.memory_space<hbm>>
      %dma_wait3A_57 = tpu.memref_slice %arg2[%add3A_40] : memref<320000xi32, #tpu.memory_space<hbm>> -> memref<40xi32, #tpu.memory_space<hbm>>
      tpu.wait_dma2 semaphore(%arg13 : memref<!tpu.dma_semaphore, #tpu.memory_space<semaphore_mem>>) src(%dma_wait3A_57 : memref<40xi32, #tpu.memory_space<hbm>>) dst(%arg6 : memref<40xi32, #tpu.memory_space<vmem>>)
      "tpu.region"() ({
        %run_scoped3A = tpu.sem_alloc : memref<!tpu.dma_semaphore, #tpu.memory_space<semaphore_mem>>
        %dma_start3A_64 = arith.constant 0 : i32
        %dma_start3A_65 = tpu.memref_slice %arg10[%dma_start3A_64] : memref<48xf32, #tpu.memory_space<vmem>> -> memref<40xf32, #tpu.memory_space<vmem>>
        %dma_start3A_66 = arith.constant 0 : i32
        %dma_start3A_67 = tpu.memref_slice %arg11[%dma_start3A_66] : memref<10000xf32, #tpu.memory_space<vmem_shared>> -> memref<10000xf32, #tpu.memory_space<vmem_shared>>
        tpu.enqueue_indirect_dma source(%dma_start3A_65 : memref<40xf32, #tpu.memory_space<vmem>>) target(%dma_start3A_67 : memref<10000xf32, #tpu.memory_space<vmem_shared>>) offsets(%arg6 : memref<40xi32, #tpu.memory_space<vmem>>) semaphore(%run_scoped3A : memref<!tpu.dma_semaphore, #tpu.memory_space<semaphore_mem>>) {add = true}
        %dma_wait3A_68 = arith.constant 0 : i32
        %dma_wait3A_69 = tpu.memref_slice %arg10[%dma_wait3A_68] : memref<48xf32, #tpu.memory_space<vmem>> -> memref<40xf32, #tpu.memory_space<vmem>>
        %dma_wait3A_70 = arith.constant 0 : i32
        %dma_wait3A_71 = tpu.memref_slice %arg11[%dma_wait3A_70] : memref<10000xf32, #tpu.memory_space<vmem_shared>> -> memref<10000xf32, #tpu.memory_space<vmem_shared>>
        tpu.wait_indirect_dma semaphore(%run_scoped3A : memref<!tpu.dma_semaphore, #tpu.memory_space<semaphore_mem>>) src(%dma_wait3A_69 : memref<40xf32, #tpu.memory_space<vmem>>) dst(%dma_wait3A_71 : memref<10000xf32, #tpu.memory_space<vmem_shared>>)
        tpu.yield
      }) : () -> ()
      %dma_wait3A_58 = tpu.memref_slice %arg2[%add3A_44] : memref<320000xi32, #tpu.memory_space<hbm>> -> memref<40xi32, #tpu.memory_space<hbm>>
      %dma_wait3A_59 = tpu.memref_slice %arg2[%add3A_44] : memref<320000xi32, #tpu.memory_space<hbm>> -> memref<40xi32, #tpu.memory_space<hbm>>
      tpu.wait_dma2 semaphore(%arg14 : memref<!tpu.dma_semaphore, #tpu.memory_space<semaphore_mem>>) src(%dma_wait3A_59 : memref<40xi32, #tpu.memory_space<hbm>>) dst(%arg7 : memref<40xi32, #tpu.memory_space<vmem>>)
      "tpu.region"() ({
        %run_scoped3A = tpu.sem_alloc : memref<!tpu.dma_semaphore, #tpu.memory_space<semaphore_mem>>
        %dma_start3A_64 = arith.constant 0 : i32
        %dma_start3A_65 = tpu.memref_slice %arg10[%dma_start3A_64] : memref<48xf32, #tpu.memory_space<vmem>> -> memref<40xf32, #tpu.memory_space<vmem>>
        %dma_start3A_66 = arith.constant 0 : i32
        %dma_start3A_67 = tpu.memref_slice %arg11[%dma_start3A_66] : memref<10000xf32, #tpu.memory_space<vmem_shared>> -> memref<10000xf32, #tpu.memory_space<vmem_shared>>
        tpu.enqueue_indirect_dma source(%dma_start3A_65 : memref<40xf32, #tpu.memory_space<vmem>>) target(%dma_start3A_67 : memref<10000xf32, #tpu.memory_space<vmem_shared>>) offsets(%arg7 : memref<40xi32, #tpu.memory_space<vmem>>) semaphore(%run_scoped3A : memref<!tpu.dma_semaphore, #tpu.memory_space<semaphore_mem>>) {add = true}
        %dma_wait3A_68 = arith.constant 0 : i32
        %dma_wait3A_69 = tpu.memref_slice %arg10[%dma_wait3A_68] : memref<48xf32, #tpu.memory_space<vmem>> -> memref<40xf32, #tpu.memory_space<vmem>>
        %dma_wait3A_70 = arith.constant 0 : i32
        %dma_wait3A_71 = tpu.memref_slice %arg11[%dma_wait3A_70] : memref<10000xf32, #tpu.memory_space<vmem_shared>> -> memref<10000xf32, #tpu.memory_space<vmem_shared>>
        tpu.wait_indirect_dma semaphore(%run_scoped3A : memref<!tpu.dma_semaphore, #tpu.memory_space<semaphore_mem>>) src(%dma_wait3A_69 : memref<40xf32, #tpu.memory_space<vmem>>) dst(%dma_wait3A_71 : memref<10000xf32, #tpu.memory_space<vmem_shared>>)
        tpu.yield
      }) : () -> ()
      %dma_wait3A_60 = tpu.memref_slice %arg2[%add3A_48] : memref<320000xi32, #tpu.memory_space<hbm>> -> memref<40xi32, #tpu.memory_space<hbm>>
      %dma_wait3A_61 = tpu.memref_slice %arg2[%add3A_48] : memref<320000xi32, #tpu.memory_space<hbm>> -> memref<40xi32, #tpu.memory_space<hbm>>
      tpu.wait_dma2 semaphore(%arg15 : memref<!tpu.dma_semaphore, #tpu.memory_space<semaphore_mem>>) src(%dma_wait3A_61 : memref<40xi32, #tpu.memory_space<hbm>>) dst(%arg8 : memref<40xi32, #tpu.memory_space<vmem>>)
      "tpu.region"() ({
        %run_scoped3A = tpu.sem_alloc : memref<!tpu.dma_semaphore, #tpu.memory_space<semaphore_mem>>
        %dma_start3A_64 = arith.constant 0 : i32
        %dma_start3A_65 = tpu.memref_slice %arg10[%dma_start3A_64] : memref<48xf32, #tpu.memory_space<vmem>> -> memref<40xf32, #tpu.memory_space<vmem>>
        %dma_start3A_66 = arith.constant 0 : i32
        %dma_start3A_67 = tpu.memref_slice %arg11[%dma_start3A_66] : memref<10000xf32, #tpu.memory_space<vmem_shared>> -> memref<10000xf32, #tpu.memory_space<vmem_shared>>
        tpu.enqueue_indirect_dma source(%dma_start3A_65 : memref<40xf32, #tpu.memory_space<vmem>>) target(%dma_start3A_67 : memref<10000xf32, #tpu.memory_space<vmem_shared>>) offsets(%arg8 : memref<40xi32, #tpu.memory_space<vmem>>) semaphore(%run_scoped3A : memref<!tpu.dma_semaphore, #tpu.memory_space<semaphore_mem>>) {add = true}
        %dma_wait3A_68 = arith.constant 0 : i32
        %dma_wait3A_69 = tpu.memref_slice %arg10[%dma_wait3A_68] : memref<48xf32, #tpu.memory_space<vmem>> -> memref<40xf32, #tpu.memory_space<vmem>>
        %dma_wait3A_70 = arith.constant 0 : i32
        %dma_wait3A_71 = tpu.memref_slice %arg11[%dma_wait3A_70] : memref<10000xf32, #tpu.memory_space<vmem_shared>> -> memref<10000xf32, #tpu.memory_space<vmem_shared>>
        tpu.wait_indirect_dma semaphore(%run_scoped3A : memref<!tpu.dma_semaphore, #tpu.memory_space<semaphore_mem>>) src(%dma_wait3A_69 : memref<40xf32, #tpu.memory_space<vmem>>) dst(%dma_wait3A_71 : memref<10000xf32, #tpu.memory_space<vmem_shared>>)
        tpu.yield
      }) : () -> ()
      %dma_wait3A_62 = tpu.memref_slice %arg2[%add3A_52] : memref<320000xi32, #tpu.memory_space<hbm>> -> memref<40xi32, #tpu.memory_space<hbm>>
      %dma_wait3A_63 = tpu.memref_slice %arg2[%add3A_52] : memref<320000xi32, #tpu.memory_space<hbm>> -> memref<40xi32, #tpu.memory_space<hbm>>
      tpu.wait_dma2 semaphore(%arg16 : memref<!tpu.dma_semaphore, #tpu.memory_space<semaphore_mem>>) src(%dma_wait3A_63 : memref<40xi32, #tpu.memory_space<hbm>>) dst(%arg9 : memref<40xi32, #tpu.memory_space<vmem>>)
      "tpu.region"() ({
        %run_scoped3A = tpu.sem_alloc : memref<!tpu.dma_semaphore, #tpu.memory_space<semaphore_mem>>
        %dma_start3A_64 = arith.constant 0 : i32
        %dma_start3A_65 = tpu.memref_slice %arg10[%dma_start3A_64] : memref<48xf32, #tpu.memory_space<vmem>> -> memref<40xf32, #tpu.memory_space<vmem>>
        %dma_start3A_66 = arith.constant 0 : i32
        %dma_start3A_67 = tpu.memref_slice %arg11[%dma_start3A_66] : memref<10000xf32, #tpu.memory_space<vmem_shared>> -> memref<10000xf32, #tpu.memory_space<vmem_shared>>
        tpu.enqueue_indirect_dma source(%dma_start3A_65 : memref<40xf32, #tpu.memory_space<vmem>>) target(%dma_start3A_67 : memref<10000xf32, #tpu.memory_space<vmem_shared>>) offsets(%arg9 : memref<40xi32, #tpu.memory_space<vmem>>) semaphore(%run_scoped3A : memref<!tpu.dma_semaphore, #tpu.memory_space<semaphore_mem>>) {add = true}
        %dma_wait3A_68 = arith.constant 0 : i32
        %dma_wait3A_69 = tpu.memref_slice %arg10[%dma_wait3A_68] : memref<48xf32, #tpu.memory_space<vmem>> -> memref<40xf32, #tpu.memory_space<vmem>>
        %dma_wait3A_70 = arith.constant 0 : i32
        %dma_wait3A_71 = tpu.memref_slice %arg11[%dma_wait3A_70] : memref<10000xf32, #tpu.memory_space<vmem_shared>> -> memref<10000xf32, #tpu.memory_space<vmem_shared>>
        tpu.wait_indirect_dma semaphore(%run_scoped3A : memref<!tpu.dma_semaphore, #tpu.memory_space<semaphore_mem>>) src(%dma_wait3A_69 : memref<40xf32, #tpu.memory_space<vmem>>) dst(%dma_wait3A_71 : memref<10000xf32, #tpu.memory_space<vmem_shared>>)
        tpu.yield
      }) : () -> ()
    }
    %scan3A_25 = arith.constant 50 : i32
    %barrier3A_26 = arith.constant 0 : index
    tpu.barrier barrier_id(%barrier3A_26)
    %eq3A_27 = arith.constant 0 : i32
    %eq3A_28 = arith.cmpi eq, %arg1, %eq3A_27 : i32
    %convert_element_type3A_29 = arith.extui %eq3A_28 : i1 to i32
    %cond3A_30 = arith.constant 0 : i32
    %cond3A_31 = arith.cmpi ne, %convert_element_type3A_29, %cond3A_30 : i32
    scf.if %cond3A_31 {
      "tpu.region"() ({
        %run_scoped3A = tpu.sem_alloc : memref<!tpu.dma_semaphore, #tpu.memory_space<semaphore_mem>>
        %dma_start3A = arith.constant 0 : i32
        %dma_start3A_32 = tpu.memref_slice %arg4[%arg0, %dma_start3A] : memref<2x10000xf32, #tpu.memory_space<hbm>> -> memref<1x10000xf32, #tpu.memory_space<hbm>>
        %dma_start3A_33 = tpu.memref_squeeze %dma_start3A_32 : memref<1x10000xf32, #tpu.memory_space<hbm>> -> memref<10000xf32, #tpu.memory_space<hbm>>
        tpu.enqueue_dma source(%arg11 : memref<10000xf32, #tpu.memory_space<vmem_shared>>) target(%dma_start3A_33 : memref<10000xf32, #tpu.memory_space<hbm>>) target_semaphore(%run_scoped3A : memref<!tpu.dma_semaphore, #tpu.memory_space<semaphore_mem>>)
        %dma_wait3A = arith.constant 0 : i32
        %dma_wait3A_34 = tpu.memref_slice %arg4[%arg0, %dma_wait3A] : memref<2x10000xf32, #tpu.memory_space<hbm>> -> memref<1x10000xf32, #tpu.memory_space<hbm>>
        %dma_wait3A_35 = tpu.memref_squeeze %dma_wait3A_34 : memref<1x10000xf32, #tpu.memory_space<hbm>> -> memref<10000xf32, #tpu.memory_space<hbm>>
        tpu.wait_dma2 semaphore(%run_scoped3A : memref<!tpu.dma_semaphore, #tpu.memory_space<semaphore_mem>>) src(%arg11 : memref<10000xf32, #tpu.memory_space<vmem_shared>>) dst(%dma_wait3A_35 : memref<10000xf32, #tpu.memory_space<hbm>>)
        tpu.yield
      }) : () -> ()
    } else {
    }
    return
  }
}

#map = affine_map<(d0, d1) -> (0, 0)>
#map1 = affine_map<(d0, d1) -> (0)>
#map2 = affine_map<(d0, d1) -> (0, 0, 0)>
module attributes {stable_mosaic.version = 14 : i64} {
  func.func @agg_k(%arg0: i32, %arg1: i32, %arg2: memref<10000x128xf32, #tpu.memory_space<hbm>>, %arg3: memref<320000xi32, #tpu.memory_space<hbm>>, %arg4: memref<320000xi32, #tpu.memory_space<hbm>>, %arg5: memref<16x640x128xf32, #tpu.memory_space<hbm>>, %arg6: memref<2x10000x128xf32, #tpu.memory_space<hbm>>, %arg7: memref<10000xi32, #tpu.memory_space<vmem>>, %arg8: memref<10000xi32, #tpu.memory_space<vmem>>, %arg9: memref<40x128xf32, #tpu.memory_space<vmem>>, %arg10: memref<40x128xf32, #tpu.memory_space<vmem>>, %arg11: memref<40x128xf32, #tpu.memory_space<vmem>>, %arg12: memref<40x128xf32, #tpu.memory_space<vmem>>, %arg13: memref<40x128xf32, #tpu.memory_space<vmem>>, %arg14: memref<10240x128xf32, #tpu.memory_space<vmem_shared>>, %arg15: memref<!tpu.dma_semaphore, #tpu.memory_space<semaphore_mem>>, %arg16: memref<!tpu.dma_semaphore, #tpu.memory_space<semaphore_mem>>, %arg17: memref<!tpu.dma_semaphore, #tpu.memory_space<semaphore_mem>>, %arg18: memref<!tpu.dma_semaphore, #tpu.memory_space<semaphore_mem>>, %arg19: memref<!tpu.dma_semaphore, #tpu.memory_space<semaphore_mem>>, %arg20: memref<!tpu.dma_semaphore, #tpu.memory_space<semaphore_mem>>, %arg21: memref<!tpu.dma_semaphore, #tpu.memory_space<semaphore_mem>>, %arg22: memref<!tpu.dma_semaphore, #tpu.memory_space<semaphore_mem>>, %arg23: memref<!tpu.dma_semaphore, #tpu.memory_space<semaphore_mem>>, %arg24: memref<!tpu.dma_semaphore, #tpu.memory_space<semaphore_mem>>) attributes {dimension_semantics = [#tpu.dimension_semantics<core_parallel>, #tpu.dimension_semantics<subcore_parallel>], iteration_bounds = array<i64: 2, 16>, scalar_prefetch = 0 : i64, scratch_operands = 18 : i64, tpu.core_type = #tpu.core_type<sc_vector_subcore>, window_params = [{transform_indices = #map}, {transform_indices = #map1}, {transform_indices = #map1}, {transform_indices = #map2}, {transform_indices = #map2}]} {
    %mul3A = arith.constant 16 : i32
    %mul3A_0 = arith.muli %arg0, %mul3A : i32
    %add3A = arith.addi %mul3A_0, %arg1 : i32
    %mul3A_1 = arith.constant 640 : i32
    %mul3A_2 = arith.muli %arg1, %mul3A_1 : i32
    %multiple_of3A = tpu.assume_multiple %mul3A_2, 8 : i32
    %mul3A_3 = arith.constant 10000 : i32
    %mul3A_4 = arith.muli %add3A, %mul3A_3 : i32
    "tpu.region"() ({
      %run_scoped3A = tpu.sem_alloc : memref<!tpu.dma_semaphore, #tpu.memory_space<semaphore_mem>>
      %dma_start3A = arith.constant 0 : i32
      %dma_start3A_46 = tpu.memref_slice %arg14[%multiple_of3A, %dma_start3A] : memref<10240x128xf32, #tpu.memory_space<vmem_shared>> -> memref<640x128xf32, #tpu.memory_space<vmem_shared>>
      %dma_start3A_47 = arith.constant 0 : i32
      %dma_start3A_48 = arith.constant 0 : i32
      %dma_start3A_49 = tpu.memref_slice %arg5[%arg1, %dma_start3A_47, %dma_start3A_48] : memref<16x640x128xf32, #tpu.memory_space<hbm>> -> memref<1x640x128xf32, #tpu.memory_space<hbm>>
      %dma_start3A_50 = tpu.memref_squeeze %dma_start3A_49 : memref<1x640x128xf32, #tpu.memory_space<hbm>> -> memref<640x128xf32, #tpu.memory_space<hbm>>
      tpu.enqueue_dma source(%dma_start3A_50 : memref<640x128xf32, #tpu.memory_space<hbm>>) target(%dma_start3A_46 : memref<640x128xf32, #tpu.memory_space<vmem_shared>>) target_semaphore(%run_scoped3A : memref<!tpu.dma_semaphore, #tpu.memory_space<semaphore_mem>>)
      %dma_wait3A_51 = arith.constant 0 : i32
      %dma_wait3A_52 = tpu.memref_slice %arg14[%multiple_of3A, %dma_wait3A_51] : memref<10240x128xf32, #tpu.memory_space<vmem_shared>> -> memref<640x128xf32, #tpu.memory_space<vmem_shared>>
      %dma_wait3A_53 = arith.constant 0 : i32
      %dma_wait3A_54 = arith.constant 0 : i32
      %dma_wait3A_55 = tpu.memref_slice %arg5[%arg1, %dma_wait3A_53, %dma_wait3A_54] : memref<16x640x128xf32, #tpu.memory_space<hbm>> -> memref<1x640x128xf32, #tpu.memory_space<hbm>>
      %dma_wait3A_56 = tpu.memref_squeeze %dma_wait3A_55 : memref<1x640x128xf32, #tpu.memory_space<hbm>> -> memref<640x128xf32, #tpu.memory_space<hbm>>
      tpu.wait_dma2 semaphore(%run_scoped3A : memref<!tpu.dma_semaphore, #tpu.memory_space<semaphore_mem>>) src(%dma_wait3A_56 : memref<640x128xf32, #tpu.memory_space<hbm>>) dst(%dma_wait3A_52 : memref<640x128xf32, #tpu.memory_space<vmem_shared>>)
      tpu.yield
    }) : () -> ()
    %barrier3A = arith.constant 0 : index
    tpu.barrier barrier_id(%barrier3A)
    "tpu.region"() ({
      %run_scoped3A = tpu.sem_alloc : memref<!tpu.dma_semaphore, #tpu.memory_space<semaphore_mem>>
      %dma_start3A = tpu.memref_slice %arg3[%mul3A_4] : memref<320000xi32, #tpu.memory_space<hbm>> -> memref<10000xi32, #tpu.memory_space<hbm>>
      %dma_start3A_46 = tpu.memref_slice %arg3[%mul3A_4] : memref<320000xi32, #tpu.memory_space<hbm>> -> memref<10000xi32, #tpu.memory_space<hbm>>
      tpu.enqueue_dma source(%dma_start3A_46 : memref<10000xi32, #tpu.memory_space<hbm>>) target(%arg7 : memref<10000xi32, #tpu.memory_space<vmem>>) target_semaphore(%run_scoped3A : memref<!tpu.dma_semaphore, #tpu.memory_space<semaphore_mem>>)
      %dma_wait3A_47 = tpu.memref_slice %arg3[%mul3A_4] : memref<320000xi32, #tpu.memory_space<hbm>> -> memref<10000xi32, #tpu.memory_space<hbm>>
      %dma_wait3A_48 = tpu.memref_slice %arg3[%mul3A_4] : memref<320000xi32, #tpu.memory_space<hbm>> -> memref<10000xi32, #tpu.memory_space<hbm>>
      tpu.wait_dma2 semaphore(%run_scoped3A : memref<!tpu.dma_semaphore, #tpu.memory_space<semaphore_mem>>) src(%dma_wait3A_48 : memref<10000xi32, #tpu.memory_space<hbm>>) dst(%arg7 : memref<10000xi32, #tpu.memory_space<vmem>>)
      tpu.yield
    }) : () -> ()
    "tpu.region"() ({
      %run_scoped3A = tpu.sem_alloc : memref<!tpu.dma_semaphore, #tpu.memory_space<semaphore_mem>>
      %dma_start3A = tpu.memref_slice %arg4[%mul3A_4] : memref<320000xi32, #tpu.memory_space<hbm>> -> memref<10000xi32, #tpu.memory_space<hbm>>
      %dma_start3A_46 = tpu.memref_slice %arg4[%mul3A_4] : memref<320000xi32, #tpu.memory_space<hbm>> -> memref<10000xi32, #tpu.memory_space<hbm>>
      tpu.enqueue_dma source(%dma_start3A_46 : memref<10000xi32, #tpu.memory_space<hbm>>) target(%arg8 : memref<10000xi32, #tpu.memory_space<vmem>>) target_semaphore(%run_scoped3A : memref<!tpu.dma_semaphore, #tpu.memory_space<semaphore_mem>>)
      %dma_wait3A_47 = tpu.memref_slice %arg4[%mul3A_4] : memref<320000xi32, #tpu.memory_space<hbm>> -> memref<10000xi32, #tpu.memory_space<hbm>>
      %dma_wait3A_48 = tpu.memref_slice %arg4[%mul3A_4] : memref<320000xi32, #tpu.memory_space<hbm>> -> memref<10000xi32, #tpu.memory_space<hbm>>
      tpu.wait_dma2 semaphore(%run_scoped3A : memref<!tpu.dma_semaphore, #tpu.memory_space<semaphore_mem>>) src(%dma_wait3A_48 : memref<10000xi32, #tpu.memory_space<hbm>>) dst(%arg8 : memref<10000xi32, #tpu.memory_space<vmem>>)
      tpu.yield
    }) : () -> ()
    %scan3A = arith.constant 0 : i32
    %scan3A_5 = arith.constant 0 : i32
    %scan3A_6 = arith.constant 50 : i32
    %scan3A_7 = arith.addi %scan3A_5, %scan3A_6 : i32
    %scan3A_8 = arith.constant 1 : i32
    scf.for %scan3A_46 = %scan3A_5 to %scan3A_7 step %scan3A_8  : i32 {
      %gt3A = arith.constant 0 : i32
      %gt3A_47 = arith.cmpi sgt, %scan3A_46, %gt3A : i32
      %convert_element_type3A_48 = arith.extui %gt3A_47 : i1 to i32
      %cond3A_49 = arith.constant 0 : i32
      %cond3A_50 = arith.cmpi ne, %convert_element_type3A_48, %cond3A_49 : i32
      scf.if %cond3A_50 {
        %dma_wait3A_170 = arith.constant 0 : i32
        %dma_wait3A_171 = arith.constant 0 : i32
        %dma_wait3A_172 = tpu.memref_slice %arg2[%dma_wait3A_170, %dma_wait3A_171] : memref<10000x128xf32, #tpu.memory_space<hbm>> -> memref<40x128xf32, #tpu.memory_space<hbm>>
        %dma_wait3A_173 = arith.constant 0 : i32
        %dma_wait3A_174 = arith.constant 0 : i32
        %dma_wait3A_175 = tpu.memref_slice %arg2[%dma_wait3A_173, %dma_wait3A_174] : memref<10000x128xf32, #tpu.memory_space<hbm>> -> memref<40x128xf32, #tpu.memory_space<hbm>>
        tpu.wait_dma2 semaphore(%arg20 : memref<!tpu.dma_semaphore, #tpu.memory_space<semaphore_mem>>) src(%dma_wait3A_175 : memref<40x128xf32, #tpu.memory_space<hbm>>) dst(%arg9 : memref<40x128xf32, #tpu.memory_space<vmem>>)
        %dma_wait3A_176 = arith.constant 0 : i32
        %dma_wait3A_177 = arith.constant 0 : i32
        %dma_wait3A_178 = tpu.memref_slice %arg2[%dma_wait3A_176, %dma_wait3A_177] : memref<10000x128xf32, #tpu.memory_space<hbm>> -> memref<40x128xf32, #tpu.memory_space<hbm>>
        %dma_wait3A_179 = arith.constant 0 : i32
        %dma_wait3A_180 = arith.constant 0 : i32
        %dma_wait3A_181 = tpu.memref_slice %arg2[%dma_wait3A_179, %dma_wait3A_180] : memref<10000x128xf32, #tpu.memory_space<hbm>> -> memref<40x128xf32, #tpu.memory_space<hbm>>
        tpu.wait_dma2 semaphore(%arg21 : memref<!tpu.dma_semaphore, #tpu.memory_space<semaphore_mem>>) src(%dma_wait3A_181 : memref<40x128xf32, #tpu.memory_space<hbm>>) dst(%arg10 : memref<40x128xf32, #tpu.memory_space<vmem>>)
        %dma_wait3A_182 = arith.constant 0 : i32
        %dma_wait3A_183 = arith.constant 0 : i32
        %dma_wait3A_184 = tpu.memref_slice %arg2[%dma_wait3A_182, %dma_wait3A_183] : memref<10000x128xf32, #tpu.memory_space<hbm>> -> memref<40x128xf32, #tpu.memory_space<hbm>>
        %dma_wait3A_185 = arith.constant 0 : i32
        %dma_wait3A_186 = arith.constant 0 : i32
        %dma_wait3A_187 = tpu.memref_slice %arg2[%dma_wait3A_185, %dma_wait3A_186] : memref<10000x128xf32, #tpu.memory_space<hbm>> -> memref<40x128xf32, #tpu.memory_space<hbm>>
        tpu.wait_dma2 semaphore(%arg22 : memref<!tpu.dma_semaphore, #tpu.memory_space<semaphore_mem>>) src(%dma_wait3A_187 : memref<40x128xf32, #tpu.memory_space<hbm>>) dst(%arg11 : memref<40x128xf32, #tpu.memory_space<vmem>>)
        %dma_wait3A_188 = arith.constant 0 : i32
        %dma_wait3A_189 = arith.constant 0 : i32
        %dma_wait3A_190 = tpu.memref_slice %arg2[%dma_wait3A_188, %dma_wait3A_189] : memref<10000x128xf32, #tpu.memory_space<hbm>> -> memref<40x128xf32, #tpu.memory_space<hbm>>
        %dma_wait3A_191 = arith.constant 0 : i32
        %dma_wait3A_192 = arith.constant 0 : i32
        %dma_wait3A_193 = tpu.memref_slice %arg2[%dma_wait3A_191, %dma_wait3A_192] : memref<10000x128xf32, #tpu.memory_space<hbm>> -> memref<40x128xf32, #tpu.memory_space<hbm>>
        tpu.wait_dma2 semaphore(%arg23 : memref<!tpu.dma_semaphore, #tpu.memory_space<semaphore_mem>>) src(%dma_wait3A_193 : memref<40x128xf32, #tpu.memory_space<hbm>>) dst(%arg12 : memref<40x128xf32, #tpu.memory_space<vmem>>)
        %dma_wait3A_194 = arith.constant 0 : i32
        %dma_wait3A_195 = arith.constant 0 : i32
        %dma_wait3A_196 = tpu.memref_slice %arg2[%dma_wait3A_194, %dma_wait3A_195] : memref<10000x128xf32, #tpu.memory_space<hbm>> -> memref<40x128xf32, #tpu.memory_space<hbm>>
        %dma_wait3A_197 = arith.constant 0 : i32
        %dma_wait3A_198 = arith.constant 0 : i32
        %dma_wait3A_199 = tpu.memref_slice %arg2[%dma_wait3A_197, %dma_wait3A_198] : memref<10000x128xf32, #tpu.memory_space<hbm>> -> memref<40x128xf32, #tpu.memory_space<hbm>>
        tpu.wait_dma2 semaphore(%arg24 : memref<!tpu.dma_semaphore, #tpu.memory_space<semaphore_mem>>) src(%dma_wait3A_199 : memref<40x128xf32, #tpu.memory_space<hbm>>) dst(%arg13 : memref<40x128xf32, #tpu.memory_space<vmem>>)
      } else {
      }
      %mul3A_51 = arith.constant 5 : i32
      %mul3A_52 = arith.muli %scan3A_46, %mul3A_51 : i32
      %add3A_53 = arith.constant 0 : i32
      %add3A_54 = arith.addi %mul3A_52, %add3A_53 : i32
      %mul3A_55 = arith.constant 40 : i32
      %mul3A_56 = arith.muli %add3A_54, %mul3A_55 : i32
      %dma_start3A = tpu.memref_slice %arg7[%mul3A_56] : memref<10000xi32, #tpu.memory_space<vmem>> -> memref<40xi32, #tpu.memory_space<vmem>>
      %dma_start3A_57 = arith.constant 0 : i32
      %dma_start3A_58 = arith.constant 0 : i32
      %dma_start3A_59 = tpu.memref_slice %arg2[%dma_start3A_57, %dma_start3A_58] : memref<10000x128xf32, #tpu.memory_space<hbm>> -> memref<10000x128xf32, #tpu.memory_space<hbm>>
      tpu.enqueue_indirect_dma source(%dma_start3A_59 : memref<10000x128xf32, #tpu.memory_space<hbm>>) target(%arg9 : memref<40x128xf32, #tpu.memory_space<vmem>>) offsets(%dma_start3A : memref<40xi32, #tpu.memory_space<vmem>>) semaphore(%arg15 : memref<!tpu.dma_semaphore, #tpu.memory_space<semaphore_mem>>)
      %mul3A_60 = arith.constant 5 : i32
      %mul3A_61 = arith.muli %scan3A_46, %mul3A_60 : i32
      %add3A_62 = arith.constant 1 : i32
      %add3A_63 = arith.addi %mul3A_61, %add3A_62 : i32
      %mul3A_64 = arith.constant 40 : i32
      %mul3A_65 = arith.muli %add3A_63, %mul3A_64 : i32
      %dma_start3A_66 = tpu.memref_slice %arg7[%mul3A_65] : memref<10000xi32, #tpu.memory_space<vmem>> -> memref<40xi32, #tpu.memory_space<vmem>>
      %dma_start3A_67 = arith.constant 0 : i32
      %dma_start3A_68 = arith.constant 0 : i32
      %dma_start3A_69 = tpu.memref_slice %arg2[%dma_start3A_67, %dma_start3A_68] : memref<10000x128xf32, #tpu.memory_space<hbm>> -> memref<10000x128xf32, #tpu.memory_space<hbm>>
      tpu.enqueue_indirect_dma source(%dma_start3A_69 : memref<10000x128xf32, #tpu.memory_space<hbm>>) target(%arg10 : memref<40x128xf32, #tpu.memory_space<vmem>>) offsets(%dma_start3A_66 : memref<40xi32, #tpu.memory_space<vmem>>) semaphore(%arg16 : memref<!tpu.dma_semaphore, #tpu.memory_space<semaphore_mem>>)
      %mul3A_70 = arith.constant 5 : i32
      %mul3A_71 = arith.muli %scan3A_46, %mul3A_70 : i32
      %add3A_72 = arith.constant 2 : i32
      %add3A_73 = arith.addi %mul3A_71, %add3A_72 : i32
      %mul3A_74 = arith.constant 40 : i32
      %mul3A_75 = arith.muli %add3A_73, %mul3A_74 : i32
      %dma_start3A_76 = tpu.memref_slice %arg7[%mul3A_75] : memref<10000xi32, #tpu.memory_space<vmem>> -> memref<40xi32, #tpu.memory_space<vmem>>
      %dma_start3A_77 = arith.constant 0 : i32
      %dma_start3A_78 = arith.constant 0 : i32
      %dma_start3A_79 = tpu.memref_slice %arg2[%dma_start3A_77, %dma_start3A_78] : memref<10000x128xf32, #tpu.memory_space<hbm>> -> memref<10000x128xf32, #tpu.memory_space<hbm>>
      tpu.enqueue_indirect_dma source(%dma_start3A_79 : memref<10000x128xf32, #tpu.memory_space<hbm>>) target(%arg11 : memref<40x128xf32, #tpu.memory_space<vmem>>) offsets(%dma_start3A_76 : memref<40xi32, #tpu.memory_space<vmem>>) semaphore(%arg17 : memref<!tpu.dma_semaphore, #tpu.memory_space<semaphore_mem>>)
      %mul3A_80 = arith.constant 5 : i32
      %mul3A_81 = arith.muli %scan3A_46, %mul3A_80 : i32
      %add3A_82 = arith.constant 3 : i32
      %add3A_83 = arith.addi %mul3A_81, %add3A_82 : i32
      %mul3A_84 = arith.constant 40 : i32
      %mul3A_85 = arith.muli %add3A_83, %mul3A_84 : i32
      %dma_start3A_86 = tpu.memref_slice %arg7[%mul3A_85] : memref<10000xi32, #tpu.memory_space<vmem>> -> memref<40xi32, #tpu.memory_space<vmem>>
      %dma_start3A_87 = arith.constant 0 : i32
      %dma_start3A_88 = arith.constant 0 : i32
      %dma_start3A_89 = tpu.memref_slice %arg2[%dma_start3A_87, %dma_start3A_88] : memref<10000x128xf32, #tpu.memory_space<hbm>> -> memref<10000x128xf32, #tpu.memory_space<hbm>>
      tpu.enqueue_indirect_dma source(%dma_start3A_89 : memref<10000x128xf32, #tpu.memory_space<hbm>>) target(%arg12 : memref<40x128xf32, #tpu.memory_space<vmem>>) offsets(%dma_start3A_86 : memref<40xi32, #tpu.memory_space<vmem>>) semaphore(%arg18 : memref<!tpu.dma_semaphore, #tpu.memory_space<semaphore_mem>>)
      %mul3A_90 = arith.constant 5 : i32
      %mul3A_91 = arith.muli %scan3A_46, %mul3A_90 : i32
      %add3A_92 = arith.constant 4 : i32
      %add3A_93 = arith.addi %mul3A_91, %add3A_92 : i32
      %mul3A_94 = arith.constant 40 : i32
      %mul3A_95 = arith.muli %add3A_93, %mul3A_94 : i32
      %dma_start3A_96 = tpu.memref_slice %arg7[%mul3A_95] : memref<10000xi32, #tpu.memory_space<vmem>> -> memref<40xi32, #tpu.memory_space<vmem>>
      %dma_start3A_97 = arith.constant 0 : i32
      %dma_start3A_98 = arith.constant 0 : i32
      %dma_start3A_99 = tpu.memref_slice %arg2[%dma_start3A_97, %dma_start3A_98] : memref<10000x128xf32, #tpu.memory_space<hbm>> -> memref<10000x128xf32, #tpu.memory_space<hbm>>
      tpu.enqueue_indirect_dma source(%dma_start3A_99 : memref<10000x128xf32, #tpu.memory_space<hbm>>) target(%arg13 : memref<40x128xf32, #tpu.memory_space<vmem>>) offsets(%dma_start3A_96 : memref<40xi32, #tpu.memory_space<vmem>>) semaphore(%arg19 : memref<!tpu.dma_semaphore, #tpu.memory_space<semaphore_mem>>)
      %dma_wait3A_100 = tpu.memref_slice %arg7[%mul3A_56] : memref<10000xi32, #tpu.memory_space<vmem>> -> memref<40xi32, #tpu.memory_space<vmem>>
      %dma_wait3A_101 = arith.constant 0 : i32
      %dma_wait3A_102 = arith.constant 0 : i32
      %dma_wait3A_103 = tpu.memref_slice %arg2[%dma_wait3A_101, %dma_wait3A_102] : memref<10000x128xf32, #tpu.memory_space<hbm>> -> memref<10000x128xf32, #tpu.memory_space<hbm>>
      tpu.wait_indirect_dma semaphore(%arg15 : memref<!tpu.dma_semaphore, #tpu.memory_space<semaphore_mem>>) src(%dma_wait3A_103 : memref<10000x128xf32, #tpu.memory_space<hbm>>) dst(%arg9 : memref<40x128xf32, #tpu.memory_space<vmem>>)
      %mul3A_104 = arith.constant 5 : i32
      %mul3A_105 = arith.muli %scan3A_46, %mul3A_104 : i32
      %add3A_106 = arith.constant 0 : i32
      %add3A_107 = arith.addi %mul3A_105, %add3A_106 : i32
      %mul3A_108 = arith.constant 40 : i32
      %mul3A_109 = arith.muli %add3A_107, %mul3A_108 : i32
      %dma_start3A_110 = tpu.memref_slice %arg8[%mul3A_109] : memref<10000xi32, #tpu.memory_space<vmem>> -> memref<40xi32, #tpu.memory_space<vmem>>
      %dma_start3A_111 = arith.constant 0 : i32
      %dma_start3A_112 = arith.constant 0 : i32
      %dma_start3A_113 = tpu.memref_slice %arg14[%dma_start3A_111, %dma_start3A_112] : memref<10240x128xf32, #tpu.memory_space<vmem_shared>> -> memref<10240x128xf32, #tpu.memory_space<vmem_shared>>
      tpu.enqueue_indirect_dma source(%arg9 : memref<40x128xf32, #tpu.memory_space<vmem>>) target(%dma_start3A_113 : memref<10240x128xf32, #tpu.memory_space<vmem_shared>>) offsets(%dma_start3A_110 : memref<40xi32, #tpu.memory_space<vmem>>) semaphore(%arg20 : memref<!tpu.dma_semaphore, #tpu.memory_space<semaphore_mem>>) {add = true}
      %dma_wait3A_114 = tpu.memref_slice %arg7[%mul3A_65] : memref<10000xi32, #tpu.memory_space<vmem>> -> memref<40xi32, #tpu.memory_space<vmem>>
      %dma_wait3A_115 = arith.constant 0 : i32
      %dma_wait3A_116 = arith.constant 0 : i32
      %dma_wait3A_117 = tpu.memref_slice %arg2[%dma_wait3A_115, %dma_wait3A_116] : memref<10000x128xf32, #tpu.memory_space<hbm>> -> memref<10000x128xf32, #tpu.memory_space<hbm>>
      tpu.wait_indirect_dma semaphore(%arg16 : memref<!tpu.dma_semaphore, #tpu.memory_space<semaphore_mem>>) src(%dma_wait3A_117 : memref<10000x128xf32, #tpu.memory_space<hbm>>) dst(%arg10 : memref<40x128xf32, #tpu.memory_space<vmem>>)
      %mul3A_118 = arith.constant 5 : i32
      %mul3A_119 = arith.muli %scan3A_46, %mul3A_118 : i32
      %add3A_120 = arith.constant 1 : i32
      %add3A_121 = arith.addi %mul3A_119, %add3A_120 : i32
      %mul3A_122 = arith.constant 40 : i32
      %mul3A_123 = arith.muli %add3A_121, %mul3A_122 : i32
      %dma_start3A_124 = tpu.memref_slice %arg8[%mul3A_123] : memref<10000xi32, #tpu.memory_space<vmem>> -> memref<40xi32, #tpu.memory_space<vmem>>
      %dma_start3A_125 = arith.constant 0 : i32
      %dma_start3A_126 = arith.constant 0 : i32
      %dma_start3A_127 = tpu.memref_slice %arg14[%dma_start3A_125, %dma_start3A_126] : memref<10240x128xf32, #tpu.memory_space<vmem_shared>> -> memref<10240x128xf32, #tpu.memory_space<vmem_shared>>
      tpu.enqueue_indirect_dma source(%arg10 : memref<40x128xf32, #tpu.memory_space<vmem>>) target(%dma_start3A_127 : memref<10240x128xf32, #tpu.memory_space<vmem_shared>>) offsets(%dma_start3A_124 : memref<40xi32, #tpu.memory_space<vmem>>) semaphore(%arg21 : memref<!tpu.dma_semaphore, #tpu.memory_space<semaphore_mem>>) {add = true}
      %dma_wait3A_128 = tpu.memref_slice %arg7[%mul3A_75] : memref<10000xi32, #tpu.memory_space<vmem>> -> memref<40xi32, #tpu.memory_space<vmem>>
      %dma_wait3A_129 = arith.constant 0 : i32
      %dma_wait3A_130 = arith.constant 0 : i32
      %dma_wait3A_131 = tpu.memref_slice %arg2[%dma_wait3A_129, %dma_wait3A_130] : memref<10000x128xf32, #tpu.memory_space<hbm>> -> memref<10000x128xf32, #tpu.memory_space<hbm>>
      tpu.wait_indirect_dma semaphore(%arg17 : memref<!tpu.dma_semaphore, #tpu.memory_space<semaphore_mem>>) src(%dma_wait3A_131 : memref<10000x128xf32, #tpu.memory_space<hbm>>) dst(%arg11 : memref<40x128xf32, #tpu.memory_space<vmem>>)
      %mul3A_132 = arith.constant 5 : i32
      %mul3A_133 = arith.muli %scan3A_46, %mul3A_132 : i32
      %add3A_134 = arith.constant 2 : i32
      %add3A_135 = arith.addi %mul3A_133, %add3A_134 : i32
      %mul3A_136 = arith.constant 40 : i32
      %mul3A_137 = arith.muli %add3A_135, %mul3A_136 : i32
      %dma_start3A_138 = tpu.memref_slice %arg8[%mul3A_137] : memref<10000xi32, #tpu.memory_space<vmem>> -> memref<40xi32, #tpu.memory_space<vmem>>
      %dma_start3A_139 = arith.constant 0 : i32
      %dma_start3A_140 = arith.constant 0 : i32
      %dma_start3A_141 = tpu.memref_slice %arg14[%dma_start3A_139, %dma_start3A_140] : memref<10240x128xf32, #tpu.memory_space<vmem_shared>> -> memref<10240x128xf32, #tpu.memory_space<vmem_shared>>
      tpu.enqueue_indirect_dma source(%arg11 : memref<40x128xf32, #tpu.memory_space<vmem>>) target(%dma_start3A_141 : memref<10240x128xf32, #tpu.memory_space<vmem_shared>>) offsets(%dma_start3A_138 : memref<40xi32, #tpu.memory_space<vmem>>) semaphore(%arg22 : memref<!tpu.dma_semaphore, #tpu.memory_space<semaphore_mem>>) {add = true}
      %dma_wait3A_142 = tpu.memref_slice %arg7[%mul3A_85] : memref<10000xi32, #tpu.memory_space<vmem>> -> memref<40xi32, #tpu.memory_space<vmem>>
      %dma_wait3A_143 = arith.constant 0 : i32
      %dma_wait3A_144 = arith.constant 0 : i32
      %dma_wait3A_145 = tpu.memref_slice %arg2[%dma_wait3A_143, %dma_wait3A_144] : memref<10000x128xf32, #tpu.memory_space<hbm>> -> memref<10000x128xf32, #tpu.memory_space<hbm>>
      tpu.wait_indirect_dma semaphore(%arg18 : memref<!tpu.dma_semaphore, #tpu.memory_space<semaphore_mem>>) src(%dma_wait3A_145 : memref<10000x128xf32, #tpu.memory_space<hbm>>) dst(%arg12 : memref<40x128xf32, #tpu.memory_space<vmem>>)
      %mul3A_146 = arith.constant 5 : i32
      %mul3A_147 = arith.muli %scan3A_46, %mul3A_146 : i32
      %add3A_148 = arith.constant 3 : i32
      %add3A_149 = arith.addi %mul3A_147, %add3A_148 : i32
      %mul3A_150 = arith.constant 40 : i32
      %mul3A_151 = arith.muli %add3A_149, %mul3A_150 : i32
      %dma_start3A_152 = tpu.memref_slice %arg8[%mul3A_151] : memref<10000xi32, #tpu.memory_space<vmem>> -> memref<40xi32, #tpu.memory_space<vmem>>
      %dma_start3A_153 = arith.constant 0 : i32
      %dma_start3A_154 = arith.constant 0 : i32
      %dma_start3A_155 = tpu.memref_slice %arg14[%dma_start3A_153, %dma_start3A_154] : memref<10240x128xf32, #tpu.memory_space<vmem_shared>> -> memref<10240x128xf32, #tpu.memory_space<vmem_shared>>
      tpu.enqueue_indirect_dma source(%arg12 : memref<40x128xf32, #tpu.memory_space<vmem>>) target(%dma_start3A_155 : memref<10240x128xf32, #tpu.memory_space<vmem_shared>>) offsets(%dma_start3A_152 : memref<40xi32, #tpu.memory_space<vmem>>) semaphore(%arg23 : memref<!tpu.dma_semaphore, #tpu.memory_space<semaphore_mem>>) {add = true}
      %dma_wait3A_156 = tpu.memref_slice %arg7[%mul3A_95] : memref<10000xi32, #tpu.memory_space<vmem>> -> memref<40xi32, #tpu.memory_space<vmem>>
      %dma_wait3A_157 = arith.constant 0 : i32
      %dma_wait3A_158 = arith.constant 0 : i32
      %dma_wait3A_159 = tpu.memref_slice %arg2[%dma_wait3A_157, %dma_wait3A_158] : memref<10000x128xf32, #tpu.memory_space<hbm>> -> memref<10000x128xf32, #tpu.memory_space<hbm>>
      tpu.wait_indirect_dma semaphore(%arg19 : memref<!tpu.dma_semaphore, #tpu.memory_space<semaphore_mem>>) src(%dma_wait3A_159 : memref<10000x128xf32, #tpu.memory_space<hbm>>) dst(%arg13 : memref<40x128xf32, #tpu.memory_space<vmem>>)
      %mul3A_160 = arith.constant 5 : i32
      %mul3A_161 = arith.muli %scan3A_46, %mul3A_160 : i32
      %add3A_162 = arith.constant 4 : i32
      %add3A_163 = arith.addi %mul3A_161, %add3A_162 : i32
      %mul3A_164 = arith.constant 40 : i32
      %mul3A_165 = arith.muli %add3A_163, %mul3A_164 : i32
      %dma_start3A_166 = tpu.memref_slice %arg8[%mul3A_165] : memref<10000xi32, #tpu.memory_space<vmem>> -> memref<40xi32, #tpu.memory_space<vmem>>
      %dma_start3A_167 = arith.constant 0 : i32
      %dma_start3A_168 = arith.constant 0 : i32
      %dma_start3A_169 = tpu.memref_slice %arg14[%dma_start3A_167, %dma_start3A_168] : memref<10240x128xf32, #tpu.memory_space<vmem_shared>> -> memref<10240x128xf32, #tpu.memory_space<vmem_shared>>
      tpu.enqueue_indirect_dma source(%arg13 : memref<40x128xf32, #tpu.memory_space<vmem>>) target(%dma_start3A_169 : memref<10240x128xf32, #tpu.memory_space<vmem_shared>>) offsets(%dma_start3A_166 : memref<40xi32, #tpu.memory_space<vmem>>) semaphore(%arg24 : memref<!tpu.dma_semaphore, #tpu.memory_space<semaphore_mem>>) {add = true}
    }
    %scan3A_9 = arith.constant 50 : i32
    %dma_wait3A = arith.constant 0 : i32
    %dma_wait3A_10 = arith.constant 0 : i32
    %dma_wait3A_11 = tpu.memref_slice %arg2[%dma_wait3A, %dma_wait3A_10] : memref<10000x128xf32, #tpu.memory_space<hbm>> -> memref<40x128xf32, #tpu.memory_space<hbm>>
    %dma_wait3A_12 = arith.constant 0 : i32
    %dma_wait3A_13 = arith.constant 0 : i32
    %dma_wait3A_14 = tpu.memref_slice %arg2[%dma_wait3A_12, %dma_wait3A_13] : memref<10000x128xf32, #tpu.memory_space<hbm>> -> memref<40x128xf32, #tpu.memory_space<hbm>>
    tpu.wait_dma2 semaphore(%arg20 : memref<!tpu.dma_semaphore, #tpu.memory_space<semaphore_mem>>) src(%dma_wait3A_14 : memref<40x128xf32, #tpu.memory_space<hbm>>) dst(%arg9 : memref<40x128xf32, #tpu.memory_space<vmem>>)
    %dma_wait3A_15 = arith.constant 0 : i32
    %dma_wait3A_16 = arith.constant 0 : i32
    %dma_wait3A_17 = tpu.memref_slice %arg2[%dma_wait3A_15, %dma_wait3A_16] : memref<10000x128xf32, #tpu.memory_space<hbm>> -> memref<40x128xf32, #tpu.memory_space<hbm>>
    %dma_wait3A_18 = arith.constant 0 : i32
    %dma_wait3A_19 = arith.constant 0 : i32
    %dma_wait3A_20 = tpu.memref_slice %arg2[%dma_wait3A_18, %dma_wait3A_19] : memref<10000x128xf32, #tpu.memory_space<hbm>> -> memref<40x128xf32, #tpu.memory_space<hbm>>
    tpu.wait_dma2 semaphore(%arg21 : memref<!tpu.dma_semaphore, #tpu.memory_space<semaphore_mem>>) src(%dma_wait3A_20 : memref<40x128xf32, #tpu.memory_space<hbm>>) dst(%arg10 : memref<40x128xf32, #tpu.memory_space<vmem>>)
    %dma_wait3A_21 = arith.constant 0 : i32
    %dma_wait3A_22 = arith.constant 0 : i32
    %dma_wait3A_23 = tpu.memref_slice %arg2[%dma_wait3A_21, %dma_wait3A_22] : memref<10000x128xf32, #tpu.memory_space<hbm>> -> memref<40x128xf32, #tpu.memory_space<hbm>>
    %dma_wait3A_24 = arith.constant 0 : i32
    %dma_wait3A_25 = arith.constant 0 : i32
    %dma_wait3A_26 = tpu.memref_slice %arg2[%dma_wait3A_24, %dma_wait3A_25] : memref<10000x128xf32, #tpu.memory_space<hbm>> -> memref<40x128xf32, #tpu.memory_space<hbm>>
    tpu.wait_dma2 semaphore(%arg22 : memref<!tpu.dma_semaphore, #tpu.memory_space<semaphore_mem>>) src(%dma_wait3A_26 : memref<40x128xf32, #tpu.memory_space<hbm>>) dst(%arg11 : memref<40x128xf32, #tpu.memory_space<vmem>>)
    %dma_wait3A_27 = arith.constant 0 : i32
    %dma_wait3A_28 = arith.constant 0 : i32
    %dma_wait3A_29 = tpu.memref_slice %arg2[%dma_wait3A_27, %dma_wait3A_28] : memref<10000x128xf32, #tpu.memory_space<hbm>> -> memref<40x128xf32, #tpu.memory_space<hbm>>
    %dma_wait3A_30 = arith.constant 0 : i32
    %dma_wait3A_31 = arith.constant 0 : i32
    %dma_wait3A_32 = tpu.memref_slice %arg2[%dma_wait3A_30, %dma_wait3A_31] : memref<10000x128xf32, #tpu.memory_space<hbm>> -> memref<40x128xf32, #tpu.memory_space<hbm>>
    tpu.wait_dma2 semaphore(%arg23 : memref<!tpu.dma_semaphore, #tpu.memory_space<semaphore_mem>>) src(%dma_wait3A_32 : memref<40x128xf32, #tpu.memory_space<hbm>>) dst(%arg12 : memref<40x128xf32, #tpu.memory_space<vmem>>)
    %dma_wait3A_33 = arith.constant 0 : i32
    %dma_wait3A_34 = arith.constant 0 : i32
    %dma_wait3A_35 = tpu.memref_slice %arg2[%dma_wait3A_33, %dma_wait3A_34] : memref<10000x128xf32, #tpu.memory_space<hbm>> -> memref<40x128xf32, #tpu.memory_space<hbm>>
    %dma_wait3A_36 = arith.constant 0 : i32
    %dma_wait3A_37 = arith.constant 0 : i32
    %dma_wait3A_38 = tpu.memref_slice %arg2[%dma_wait3A_36, %dma_wait3A_37] : memref<10000x128xf32, #tpu.memory_space<hbm>> -> memref<40x128xf32, #tpu.memory_space<hbm>>
    tpu.wait_dma2 semaphore(%arg24 : memref<!tpu.dma_semaphore, #tpu.memory_space<semaphore_mem>>) src(%dma_wait3A_38 : memref<40x128xf32, #tpu.memory_space<hbm>>) dst(%arg13 : memref<40x128xf32, #tpu.memory_space<vmem>>)
    %barrier3A_39 = arith.constant 0 : index
    tpu.barrier barrier_id(%barrier3A_39)
    %lt3A = arith.constant 15 : i32
    %lt3A_40 = arith.cmpi slt, %arg1, %lt3A : i32
    %convert_element_type3A = arith.extui %lt3A_40 : i1 to i32
    %cond3A = arith.constant 0 : i32
    %cond3A_41 = arith.cmpi ne, %convert_element_type3A, %cond3A : i32
    scf.if %cond3A_41 {
      "tpu.region"() ({
        %run_scoped3A = tpu.sem_alloc : memref<!tpu.dma_semaphore, #tpu.memory_space<semaphore_mem>>
        %dma_start3A = arith.constant 0 : i32
        %dma_start3A_46 = tpu.memref_slice %arg6[%arg0, %multiple_of3A, %dma_start3A] : memref<2x10000x128xf32, #tpu.memory_space<hbm>> -> memref<1x640x128xf32, #tpu.memory_space<hbm>>
        %dma_start3A_47 = tpu.memref_squeeze %dma_start3A_46 : memref<1x640x128xf32, #tpu.memory_space<hbm>> -> memref<640x128xf32, #tpu.memory_space<hbm>>
        %dma_start3A_48 = arith.constant 0 : i32
        %dma_start3A_49 = tpu.memref_slice %arg14[%multiple_of3A, %dma_start3A_48] : memref<10240x128xf32, #tpu.memory_space<vmem_shared>> -> memref<640x128xf32, #tpu.memory_space<vmem_shared>>
        tpu.enqueue_dma source(%dma_start3A_49 : memref<640x128xf32, #tpu.memory_space<vmem_shared>>) target(%dma_start3A_47 : memref<640x128xf32, #tpu.memory_space<hbm>>) target_semaphore(%run_scoped3A : memref<!tpu.dma_semaphore, #tpu.memory_space<semaphore_mem>>)
        %dma_wait3A_50 = arith.constant 0 : i32
        %dma_wait3A_51 = tpu.memref_slice %arg6[%arg0, %multiple_of3A, %dma_wait3A_50] : memref<2x10000x128xf32, #tpu.memory_space<hbm>> -> memref<1x640x128xf32, #tpu.memory_space<hbm>>
        %dma_wait3A_52 = tpu.memref_squeeze %dma_wait3A_51 : memref<1x640x128xf32, #tpu.memory_space<hbm>> -> memref<640x128xf32, #tpu.memory_space<hbm>>
        %dma_wait3A_53 = arith.constant 0 : i32
        %dma_wait3A_54 = tpu.memref_slice %arg14[%multiple_of3A, %dma_wait3A_53] : memref<10240x128xf32, #tpu.memory_space<vmem_shared>> -> memref<640x128xf32, #tpu.memory_space<vmem_shared>>
        tpu.wait_dma2 semaphore(%run_scoped3A : memref<!tpu.dma_semaphore, #tpu.memory_space<semaphore_mem>>) src(%dma_wait3A_54 : memref<640x128xf32, #tpu.memory_space<vmem_shared>>) dst(%dma_wait3A_52 : memref<640x128xf32, #tpu.memory_space<hbm>>)
        tpu.yield
      }) : () -> ()
    } else {
    }
    %eq3A = arith.constant 15 : i32
    %eq3A_42 = arith.cmpi eq, %arg1, %eq3A : i32
    %convert_element_type3A_43 = arith.extui %eq3A_42 : i1 to i32
    %cond3A_44 = arith.constant 0 : i32
    %cond3A_45 = arith.cmpi ne, %convert_element_type3A_43, %cond3A_44 : i32
    scf.if %cond3A_45 {
      "tpu.region"() ({
        %run_scoped3A = tpu.sem_alloc : memref<!tpu.dma_semaphore, #tpu.memory_space<semaphore_mem>>
        %dma_start3A = arith.constant 9600 : i32
        %dma_start3A_46 = arith.constant 0 : i32
        %dma_start3A_47 = tpu.memref_slice %arg6[%arg0, %dma_start3A, %dma_start3A_46] : memref<2x10000x128xf32, #tpu.memory_space<hbm>> -> memref<1x400x128xf32, #tpu.memory_space<hbm>>
        %dma_start3A_48 = tpu.memref_squeeze %dma_start3A_47 : memref<1x400x128xf32, #tpu.memory_space<hbm>> -> memref<400x128xf32, #tpu.memory_space<hbm>>
        %dma_start3A_49 = arith.constant 9600 : i32
        %dma_start3A_50 = arith.constant 0 : i32
        %dma_start3A_51 = tpu.memref_slice %arg14[%dma_start3A_49, %dma_start3A_50] : memref<10240x128xf32, #tpu.memory_space<vmem_shared>> -> memref<400x128xf32, #tpu.memory_space<vmem_shared>>
        tpu.enqueue_dma source(%dma_start3A_51 : memref<400x128xf32, #tpu.memory_space<vmem_shared>>) target(%dma_start3A_48 : memref<400x128xf32, #tpu.memory_space<hbm>>) target_semaphore(%run_scoped3A : memref<!tpu.dma_semaphore, #tpu.memory_space<semaphore_mem>>)
        %dma_wait3A_52 = arith.constant 9600 : i32
        %dma_wait3A_53 = arith.constant 0 : i32
        %dma_wait3A_54 = tpu.memref_slice %arg6[%arg0, %dma_wait3A_52, %dma_wait3A_53] : memref<2x10000x128xf32, #tpu.memory_space<hbm>> -> memref<1x400x128xf32, #tpu.memory_space<hbm>>
        %dma_wait3A_55 = tpu.memref_squeeze %dma_wait3A_54 : memref<1x400x128xf32, #tpu.memory_space<hbm>> -> memref<400x128xf32, #tpu.memory_space<hbm>>
        %dma_wait3A_56 = arith.constant 9600 : i32
        %dma_wait3A_57 = arith.constant 0 : i32
        %dma_wait3A_58 = tpu.memref_slice %arg14[%dma_wait3A_56, %dma_wait3A_57] : memref<10240x128xf32, #tpu.memory_space<vmem_shared>> -> memref<400x128xf32, #tpu.memory_space<vmem_shared>>
        tpu.wait_dma2 semaphore(%run_scoped3A : memref<!tpu.dma_semaphore, #tpu.memory_space<semaphore_mem>>) src(%dma_wait3A_58 : memref<400x128xf32, #tpu.memory_space<vmem_shared>>) dst(%dma_wait3A_55 : memref<400x128xf32, #tpu.memory_space<hbm>>)
        tpu.yield
      }) : () -> ()
    } else {
    }
    return
  }
}

#map = affine_map<(d0, d1) -> (0, 0)>
#map1 = affine_map<(d0, d1) -> (0)>
#map2 = affine_map<(d0, d1) -> (0, 0, 0)>
module attributes {stable_mosaic.version = 14 : i64} {
  func.func @agg_k(%arg0: i32, %arg1: i32, %arg2: memref<10000x128xf32, #tpu.memory_space<hbm>>, %arg3: memref<320000xi32, #tpu.memory_space<hbm>>, %arg4: memref<320000xi32, #tpu.memory_space<hbm>>, %arg5: memref<16x640x128xf32, #tpu.memory_space<hbm>>, %arg6: memref<2x10000x128xf32, #tpu.memory_space<hbm>>, %arg7: memref<10000xi32, #tpu.memory_space<vmem>>, %arg8: memref<10000xi32, #tpu.memory_space<vmem>>, %arg9: memref<40x128xf32, #tpu.memory_space<vmem>>, %arg10: memref<40x128xf32, #tpu.memory_space<vmem>>, %arg11: memref<40x128xf32, #tpu.memory_space<vmem>>, %arg12: memref<40x128xf32, #tpu.memory_space<vmem>>, %arg13: memref<40x128xf32, #tpu.memory_space<vmem>>, %arg14: memref<10240x128xf32, #tpu.memory_space<vmem_shared>>, %arg15: memref<!tpu.dma_semaphore, #tpu.memory_space<semaphore_mem>>, %arg16: memref<!tpu.dma_semaphore, #tpu.memory_space<semaphore_mem>>, %arg17: memref<!tpu.dma_semaphore, #tpu.memory_space<semaphore_mem>>, %arg18: memref<!tpu.dma_semaphore, #tpu.memory_space<semaphore_mem>>, %arg19: memref<!tpu.dma_semaphore, #tpu.memory_space<semaphore_mem>>, %arg20: memref<!tpu.dma_semaphore, #tpu.memory_space<semaphore_mem>>, %arg21: memref<!tpu.dma_semaphore, #tpu.memory_space<semaphore_mem>>, %arg22: memref<!tpu.dma_semaphore, #tpu.memory_space<semaphore_mem>>, %arg23: memref<!tpu.dma_semaphore, #tpu.memory_space<semaphore_mem>>, %arg24: memref<!tpu.dma_semaphore, #tpu.memory_space<semaphore_mem>>) attributes {dimension_semantics = [#tpu.dimension_semantics<core_parallel>, #tpu.dimension_semantics<subcore_parallel>], iteration_bounds = array<i64: 2, 16>, scalar_prefetch = 0 : i64, scratch_operands = 18 : i64, tpu.core_type = #tpu.core_type<sc_vector_subcore>, window_params = [{transform_indices = #map}, {transform_indices = #map1}, {transform_indices = #map1}, {transform_indices = #map2}, {transform_indices = #map2}]} {
    %mul3A = arith.constant 16 : i32
    %mul3A_0 = arith.muli %arg0, %mul3A : i32
    %add3A = arith.addi %mul3A_0, %arg1 : i32
    %mul3A_1 = arith.constant 640 : i32
    %mul3A_2 = arith.muli %arg1, %mul3A_1 : i32
    %multiple_of3A = tpu.assume_multiple %mul3A_2, 8 : i32
    %mul3A_3 = arith.constant 10000 : i32
    %mul3A_4 = arith.muli %add3A, %mul3A_3 : i32
    "tpu.region"() ({
      %run_scoped3A = tpu.sem_alloc : memref<!tpu.dma_semaphore, #tpu.memory_space<semaphore_mem>>
      %dma_start3A = arith.constant 0 : i32
      %dma_start3A_46 = tpu.memref_slice %arg14[%multiple_of3A, %dma_start3A] : memref<10240x128xf32, #tpu.memory_space<vmem_shared>> -> memref<640x128xf32, #tpu.memory_space<vmem_shared>>
      %dma_start3A_47 = arith.constant 0 : i32
      %dma_start3A_48 = arith.constant 0 : i32
      %dma_start3A_49 = tpu.memref_slice %arg5[%arg1, %dma_start3A_47, %dma_start3A_48] : memref<16x640x128xf32, #tpu.memory_space<hbm>> -> memref<1x640x128xf32, #tpu.memory_space<hbm>>
      %dma_start3A_50 = tpu.memref_squeeze %dma_start3A_49 : memref<1x640x128xf32, #tpu.memory_space<hbm>> -> memref<640x128xf32, #tpu.memory_space<hbm>>
      tpu.enqueue_dma source(%dma_start3A_50 : memref<640x128xf32, #tpu.memory_space<hbm>>) target(%dma_start3A_46 : memref<640x128xf32, #tpu.memory_space<vmem_shared>>) target_semaphore(%run_scoped3A : memref<!tpu.dma_semaphore, #tpu.memory_space<semaphore_mem>>)
      %dma_wait3A_51 = arith.constant 0 : i32
      %dma_wait3A_52 = tpu.memref_slice %arg14[%multiple_of3A, %dma_wait3A_51] : memref<10240x128xf32, #tpu.memory_space<vmem_shared>> -> memref<640x128xf32, #tpu.memory_space<vmem_shared>>
      %dma_wait3A_53 = arith.constant 0 : i32
      %dma_wait3A_54 = arith.constant 0 : i32
      %dma_wait3A_55 = tpu.memref_slice %arg5[%arg1, %dma_wait3A_53, %dma_wait3A_54] : memref<16x640x128xf32, #tpu.memory_space<hbm>> -> memref<1x640x128xf32, #tpu.memory_space<hbm>>
      %dma_wait3A_56 = tpu.memref_squeeze %dma_wait3A_55 : memref<1x640x128xf32, #tpu.memory_space<hbm>> -> memref<640x128xf32, #tpu.memory_space<hbm>>
      tpu.wait_dma2 semaphore(%run_scoped3A : memref<!tpu.dma_semaphore, #tpu.memory_space<semaphore_mem>>) src(%dma_wait3A_56 : memref<640x128xf32, #tpu.memory_space<hbm>>) dst(%dma_wait3A_52 : memref<640x128xf32, #tpu.memory_space<vmem_shared>>)
      tpu.yield
    }) : () -> ()
    %barrier3A = arith.constant 0 : index
    tpu.barrier barrier_id(%barrier3A)
    "tpu.region"() ({
      %run_scoped3A = tpu.sem_alloc : memref<!tpu.dma_semaphore, #tpu.memory_space<semaphore_mem>>
      %dma_start3A = tpu.memref_slice %arg3[%mul3A_4] : memref<320000xi32, #tpu.memory_space<hbm>> -> memref<10000xi32, #tpu.memory_space<hbm>>
      %dma_start3A_46 = tpu.memref_slice %arg3[%mul3A_4] : memref<320000xi32, #tpu.memory_space<hbm>> -> memref<10000xi32, #tpu.memory_space<hbm>>
      tpu.enqueue_dma source(%dma_start3A_46 : memref<10000xi32, #tpu.memory_space<hbm>>) target(%arg7 : memref<10000xi32, #tpu.memory_space<vmem>>) target_semaphore(%run_scoped3A : memref<!tpu.dma_semaphore, #tpu.memory_space<semaphore_mem>>)
      %dma_wait3A_47 = tpu.memref_slice %arg3[%mul3A_4] : memref<320000xi32, #tpu.memory_space<hbm>> -> memref<10000xi32, #tpu.memory_space<hbm>>
      %dma_wait3A_48 = tpu.memref_slice %arg3[%mul3A_4] : memref<320000xi32, #tpu.memory_space<hbm>> -> memref<10000xi32, #tpu.memory_space<hbm>>
      tpu.wait_dma2 semaphore(%run_scoped3A : memref<!tpu.dma_semaphore, #tpu.memory_space<semaphore_mem>>) src(%dma_wait3A_48 : memref<10000xi32, #tpu.memory_space<hbm>>) dst(%arg7 : memref<10000xi32, #tpu.memory_space<vmem>>)
      tpu.yield
    }) : () -> ()
    "tpu.region"() ({
      %run_scoped3A = tpu.sem_alloc : memref<!tpu.dma_semaphore, #tpu.memory_space<semaphore_mem>>
      %dma_start3A = tpu.memref_slice %arg4[%mul3A_4] : memref<320000xi32, #tpu.memory_space<hbm>> -> memref<10000xi32, #tpu.memory_space<hbm>>
      %dma_start3A_46 = tpu.memref_slice %arg4[%mul3A_4] : memref<320000xi32, #tpu.memory_space<hbm>> -> memref<10000xi32, #tpu.memory_space<hbm>>
      tpu.enqueue_dma source(%dma_start3A_46 : memref<10000xi32, #tpu.memory_space<hbm>>) target(%arg8 : memref<10000xi32, #tpu.memory_space<vmem>>) target_semaphore(%run_scoped3A : memref<!tpu.dma_semaphore, #tpu.memory_space<semaphore_mem>>)
      %dma_wait3A_47 = tpu.memref_slice %arg4[%mul3A_4] : memref<320000xi32, #tpu.memory_space<hbm>> -> memref<10000xi32, #tpu.memory_space<hbm>>
      %dma_wait3A_48 = tpu.memref_slice %arg4[%mul3A_4] : memref<320000xi32, #tpu.memory_space<hbm>> -> memref<10000xi32, #tpu.memory_space<hbm>>
      tpu.wait_dma2 semaphore(%run_scoped3A : memref<!tpu.dma_semaphore, #tpu.memory_space<semaphore_mem>>) src(%dma_wait3A_48 : memref<10000xi32, #tpu.memory_space<hbm>>) dst(%arg8 : memref<10000xi32, #tpu.memory_space<vmem>>)
      tpu.yield
    }) : () -> ()
    %scan3A = arith.constant 0 : i32
    %scan3A_5 = arith.constant 0 : i32
    %scan3A_6 = arith.constant 50 : i32
    %scan3A_7 = arith.addi %scan3A_5, %scan3A_6 : i32
    %scan3A_8 = arith.constant 1 : i32
    scf.for %scan3A_46 = %scan3A_5 to %scan3A_7 step %scan3A_8  : i32 {
      %gt3A = arith.constant 0 : i32
      %gt3A_47 = arith.cmpi sgt, %scan3A_46, %gt3A : i32
      %convert_element_type3A_48 = arith.extui %gt3A_47 : i1 to i32
      %cond3A_49 = arith.constant 0 : i32
      %cond3A_50 = arith.cmpi ne, %convert_element_type3A_48, %cond3A_49 : i32
      scf.if %cond3A_50 {
        %dma_wait3A_170 = arith.constant 0 : i32
        %dma_wait3A_171 = arith.constant 0 : i32
        %dma_wait3A_172 = tpu.memref_slice %arg2[%dma_wait3A_170, %dma_wait3A_171] : memref<10000x128xf32, #tpu.memory_space<hbm>> -> memref<40x128xf32, #tpu.memory_space<hbm>>
        %dma_wait3A_173 = arith.constant 0 : i32
        %dma_wait3A_174 = arith.constant 0 : i32
        %dma_wait3A_175 = tpu.memref_slice %arg2[%dma_wait3A_173, %dma_wait3A_174] : memref<10000x128xf32, #tpu.memory_space<hbm>> -> memref<40x128xf32, #tpu.memory_space<hbm>>
        tpu.wait_dma2 semaphore(%arg20 : memref<!tpu.dma_semaphore, #tpu.memory_space<semaphore_mem>>) src(%dma_wait3A_175 : memref<40x128xf32, #tpu.memory_space<hbm>>) dst(%arg9 : memref<40x128xf32, #tpu.memory_space<vmem>>)
        %dma_wait3A_176 = arith.constant 0 : i32
        %dma_wait3A_177 = arith.constant 0 : i32
        %dma_wait3A_178 = tpu.memref_slice %arg2[%dma_wait3A_176, %dma_wait3A_177] : memref<10000x128xf32, #tpu.memory_space<hbm>> -> memref<40x128xf32, #tpu.memory_space<hbm>>
        %dma_wait3A_179 = arith.constant 0 : i32
        %dma_wait3A_180 = arith.constant 0 : i32
        %dma_wait3A_181 = tpu.memref_slice %arg2[%dma_wait3A_179, %dma_wait3A_180] : memref<10000x128xf32, #tpu.memory_space<hbm>> -> memref<40x128xf32, #tpu.memory_space<hbm>>
        tpu.wait_dma2 semaphore(%arg21 : memref<!tpu.dma_semaphore, #tpu.memory_space<semaphore_mem>>) src(%dma_wait3A_181 : memref<40x128xf32, #tpu.memory_space<hbm>>) dst(%arg10 : memref<40x128xf32, #tpu.memory_space<vmem>>)
        %dma_wait3A_182 = arith.constant 0 : i32
        %dma_wait3A_183 = arith.constant 0 : i32
        %dma_wait3A_184 = tpu.memref_slice %arg2[%dma_wait3A_182, %dma_wait3A_183] : memref<10000x128xf32, #tpu.memory_space<hbm>> -> memref<40x128xf32, #tpu.memory_space<hbm>>
        %dma_wait3A_185 = arith.constant 0 : i32
        %dma_wait3A_186 = arith.constant 0 : i32
        %dma_wait3A_187 = tpu.memref_slice %arg2[%dma_wait3A_185, %dma_wait3A_186] : memref<10000x128xf32, #tpu.memory_space<hbm>> -> memref<40x128xf32, #tpu.memory_space<hbm>>
        tpu.wait_dma2 semaphore(%arg22 : memref<!tpu.dma_semaphore, #tpu.memory_space<semaphore_mem>>) src(%dma_wait3A_187 : memref<40x128xf32, #tpu.memory_space<hbm>>) dst(%arg11 : memref<40x128xf32, #tpu.memory_space<vmem>>)
        %dma_wait3A_188 = arith.constant 0 : i32
        %dma_wait3A_189 = arith.constant 0 : i32
        %dma_wait3A_190 = tpu.memref_slice %arg2[%dma_wait3A_188, %dma_wait3A_189] : memref<10000x128xf32, #tpu.memory_space<hbm>> -> memref<40x128xf32, #tpu.memory_space<hbm>>
        %dma_wait3A_191 = arith.constant 0 : i32
        %dma_wait3A_192 = arith.constant 0 : i32
        %dma_wait3A_193 = tpu.memref_slice %arg2[%dma_wait3A_191, %dma_wait3A_192] : memref<10000x128xf32, #tpu.memory_space<hbm>> -> memref<40x128xf32, #tpu.memory_space<hbm>>
        tpu.wait_dma2 semaphore(%arg23 : memref<!tpu.dma_semaphore, #tpu.memory_space<semaphore_mem>>) src(%dma_wait3A_193 : memref<40x128xf32, #tpu.memory_space<hbm>>) dst(%arg12 : memref<40x128xf32, #tpu.memory_space<vmem>>)
        %dma_wait3A_194 = arith.constant 0 : i32
        %dma_wait3A_195 = arith.constant 0 : i32
        %dma_wait3A_196 = tpu.memref_slice %arg2[%dma_wait3A_194, %dma_wait3A_195] : memref<10000x128xf32, #tpu.memory_space<hbm>> -> memref<40x128xf32, #tpu.memory_space<hbm>>
        %dma_wait3A_197 = arith.constant 0 : i32
        %dma_wait3A_198 = arith.constant 0 : i32
        %dma_wait3A_199 = tpu.memref_slice %arg2[%dma_wait3A_197, %dma_wait3A_198] : memref<10000x128xf32, #tpu.memory_space<hbm>> -> memref<40x128xf32, #tpu.memory_space<hbm>>
        tpu.wait_dma2 semaphore(%arg24 : memref<!tpu.dma_semaphore, #tpu.memory_space<semaphore_mem>>) src(%dma_wait3A_199 : memref<40x128xf32, #tpu.memory_space<hbm>>) dst(%arg13 : memref<40x128xf32, #tpu.memory_space<vmem>>)
      } else {
      }
      %mul3A_51 = arith.constant 5 : i32
      %mul3A_52 = arith.muli %scan3A_46, %mul3A_51 : i32
      %add3A_53 = arith.constant 0 : i32
      %add3A_54 = arith.addi %mul3A_52, %add3A_53 : i32
      %mul3A_55 = arith.constant 40 : i32
      %mul3A_56 = arith.muli %add3A_54, %mul3A_55 : i32
      %dma_start3A = tpu.memref_slice %arg7[%mul3A_56] : memref<10000xi32, #tpu.memory_space<vmem>> -> memref<40xi32, #tpu.memory_space<vmem>>
      %dma_start3A_57 = arith.constant 0 : i32
      %dma_start3A_58 = arith.constant 0 : i32
      %dma_start3A_59 = tpu.memref_slice %arg2[%dma_start3A_57, %dma_start3A_58] : memref<10000x128xf32, #tpu.memory_space<hbm>> -> memref<10000x128xf32, #tpu.memory_space<hbm>>
      tpu.enqueue_indirect_dma source(%dma_start3A_59 : memref<10000x128xf32, #tpu.memory_space<hbm>>) target(%arg9 : memref<40x128xf32, #tpu.memory_space<vmem>>) offsets(%dma_start3A : memref<40xi32, #tpu.memory_space<vmem>>) semaphore(%arg15 : memref<!tpu.dma_semaphore, #tpu.memory_space<semaphore_mem>>)
      %mul3A_60 = arith.constant 5 : i32
      %mul3A_61 = arith.muli %scan3A_46, %mul3A_60 : i32
      %add3A_62 = arith.constant 1 : i32
      %add3A_63 = arith.addi %mul3A_61, %add3A_62 : i32
      %mul3A_64 = arith.constant 40 : i32
      %mul3A_65 = arith.muli %add3A_63, %mul3A_64 : i32
      %dma_start3A_66 = tpu.memref_slice %arg7[%mul3A_65] : memref<10000xi32, #tpu.memory_space<vmem>> -> memref<40xi32, #tpu.memory_space<vmem>>
      %dma_start3A_67 = arith.constant 0 : i32
      %dma_start3A_68 = arith.constant 0 : i32
      %dma_start3A_69 = tpu.memref_slice %arg2[%dma_start3A_67, %dma_start3A_68] : memref<10000x128xf32, #tpu.memory_space<hbm>> -> memref<10000x128xf32, #tpu.memory_space<hbm>>
      tpu.enqueue_indirect_dma source(%dma_start3A_69 : memref<10000x128xf32, #tpu.memory_space<hbm>>) target(%arg10 : memref<40x128xf32, #tpu.memory_space<vmem>>) offsets(%dma_start3A_66 : memref<40xi32, #tpu.memory_space<vmem>>) semaphore(%arg16 : memref<!tpu.dma_semaphore, #tpu.memory_space<semaphore_mem>>)
      %mul3A_70 = arith.constant 5 : i32
      %mul3A_71 = arith.muli %scan3A_46, %mul3A_70 : i32
      %add3A_72 = arith.constant 2 : i32
      %add3A_73 = arith.addi %mul3A_71, %add3A_72 : i32
      %mul3A_74 = arith.constant 40 : i32
      %mul3A_75 = arith.muli %add3A_73, %mul3A_74 : i32
      %dma_start3A_76 = tpu.memref_slice %arg7[%mul3A_75] : memref<10000xi32, #tpu.memory_space<vmem>> -> memref<40xi32, #tpu.memory_space<vmem>>
      %dma_start3A_77 = arith.constant 0 : i32
      %dma_start3A_78 = arith.constant 0 : i32
      %dma_start3A_79 = tpu.memref_slice %arg2[%dma_start3A_77, %dma_start3A_78] : memref<10000x128xf32, #tpu.memory_space<hbm>> -> memref<10000x128xf32, #tpu.memory_space<hbm>>
      tpu.enqueue_indirect_dma source(%dma_start3A_79 : memref<10000x128xf32, #tpu.memory_space<hbm>>) target(%arg11 : memref<40x128xf32, #tpu.memory_space<vmem>>) offsets(%dma_start3A_76 : memref<40xi32, #tpu.memory_space<vmem>>) semaphore(%arg17 : memref<!tpu.dma_semaphore, #tpu.memory_space<semaphore_mem>>)
      %mul3A_80 = arith.constant 5 : i32
      %mul3A_81 = arith.muli %scan3A_46, %mul3A_80 : i32
      %add3A_82 = arith.constant 3 : i32
      %add3A_83 = arith.addi %mul3A_81, %add3A_82 : i32
      %mul3A_84 = arith.constant 40 : i32
      %mul3A_85 = arith.muli %add3A_83, %mul3A_84 : i32
      %dma_start3A_86 = tpu.memref_slice %arg7[%mul3A_85] : memref<10000xi32, #tpu.memory_space<vmem>> -> memref<40xi32, #tpu.memory_space<vmem>>
      %dma_start3A_87 = arith.constant 0 : i32
      %dma_start3A_88 = arith.constant 0 : i32
      %dma_start3A_89 = tpu.memref_slice %arg2[%dma_start3A_87, %dma_start3A_88] : memref<10000x128xf32, #tpu.memory_space<hbm>> -> memref<10000x128xf32, #tpu.memory_space<hbm>>
      tpu.enqueue_indirect_dma source(%dma_start3A_89 : memref<10000x128xf32, #tpu.memory_space<hbm>>) target(%arg12 : memref<40x128xf32, #tpu.memory_space<vmem>>) offsets(%dma_start3A_86 : memref<40xi32, #tpu.memory_space<vmem>>) semaphore(%arg18 : memref<!tpu.dma_semaphore, #tpu.memory_space<semaphore_mem>>)
      %mul3A_90 = arith.constant 5 : i32
      %mul3A_91 = arith.muli %scan3A_46, %mul3A_90 : i32
      %add3A_92 = arith.constant 4 : i32
      %add3A_93 = arith.addi %mul3A_91, %add3A_92 : i32
      %mul3A_94 = arith.constant 40 : i32
      %mul3A_95 = arith.muli %add3A_93, %mul3A_94 : i32
      %dma_start3A_96 = tpu.memref_slice %arg7[%mul3A_95] : memref<10000xi32, #tpu.memory_space<vmem>> -> memref<40xi32, #tpu.memory_space<vmem>>
      %dma_start3A_97 = arith.constant 0 : i32
      %dma_start3A_98 = arith.constant 0 : i32
      %dma_start3A_99 = tpu.memref_slice %arg2[%dma_start3A_97, %dma_start3A_98] : memref<10000x128xf32, #tpu.memory_space<hbm>> -> memref<10000x128xf32, #tpu.memory_space<hbm>>
      tpu.enqueue_indirect_dma source(%dma_start3A_99 : memref<10000x128xf32, #tpu.memory_space<hbm>>) target(%arg13 : memref<40x128xf32, #tpu.memory_space<vmem>>) offsets(%dma_start3A_96 : memref<40xi32, #tpu.memory_space<vmem>>) semaphore(%arg19 : memref<!tpu.dma_semaphore, #tpu.memory_space<semaphore_mem>>)
      %dma_wait3A_100 = tpu.memref_slice %arg7[%mul3A_56] : memref<10000xi32, #tpu.memory_space<vmem>> -> memref<40xi32, #tpu.memory_space<vmem>>
      %dma_wait3A_101 = arith.constant 0 : i32
      %dma_wait3A_102 = arith.constant 0 : i32
      %dma_wait3A_103 = tpu.memref_slice %arg2[%dma_wait3A_101, %dma_wait3A_102] : memref<10000x128xf32, #tpu.memory_space<hbm>> -> memref<10000x128xf32, #tpu.memory_space<hbm>>
      tpu.wait_indirect_dma semaphore(%arg15 : memref<!tpu.dma_semaphore, #tpu.memory_space<semaphore_mem>>) src(%dma_wait3A_103 : memref<10000x128xf32, #tpu.memory_space<hbm>>) dst(%arg9 : memref<40x128xf32, #tpu.memory_space<vmem>>)
      %mul3A_104 = arith.constant 5 : i32
      %mul3A_105 = arith.muli %scan3A_46, %mul3A_104 : i32
      %add3A_106 = arith.constant 0 : i32
      %add3A_107 = arith.addi %mul3A_105, %add3A_106 : i32
      %mul3A_108 = arith.constant 40 : i32
      %mul3A_109 = arith.muli %add3A_107, %mul3A_108 : i32
      %dma_start3A_110 = tpu.memref_slice %arg8[%mul3A_109] : memref<10000xi32, #tpu.memory_space<vmem>> -> memref<40xi32, #tpu.memory_space<vmem>>
      %dma_start3A_111 = arith.constant 0 : i32
      %dma_start3A_112 = arith.constant 0 : i32
      %dma_start3A_113 = tpu.memref_slice %arg14[%dma_start3A_111, %dma_start3A_112] : memref<10240x128xf32, #tpu.memory_space<vmem_shared>> -> memref<10240x128xf32, #tpu.memory_space<vmem_shared>>
      tpu.enqueue_indirect_dma source(%arg9 : memref<40x128xf32, #tpu.memory_space<vmem>>) target(%dma_start3A_113 : memref<10240x128xf32, #tpu.memory_space<vmem_shared>>) offsets(%dma_start3A_110 : memref<40xi32, #tpu.memory_space<vmem>>) semaphore(%arg20 : memref<!tpu.dma_semaphore, #tpu.memory_space<semaphore_mem>>) {add = true}
      %dma_wait3A_114 = tpu.memref_slice %arg7[%mul3A_65] : memref<10000xi32, #tpu.memory_space<vmem>> -> memref<40xi32, #tpu.memory_space<vmem>>
      %dma_wait3A_115 = arith.constant 0 : i32
      %dma_wait3A_116 = arith.constant 0 : i32
      %dma_wait3A_117 = tpu.memref_slice %arg2[%dma_wait3A_115, %dma_wait3A_116] : memref<10000x128xf32, #tpu.memory_space<hbm>> -> memref<10000x128xf32, #tpu.memory_space<hbm>>
      tpu.wait_indirect_dma semaphore(%arg16 : memref<!tpu.dma_semaphore, #tpu.memory_space<semaphore_mem>>) src(%dma_wait3A_117 : memref<10000x128xf32, #tpu.memory_space<hbm>>) dst(%arg10 : memref<40x128xf32, #tpu.memory_space<vmem>>)
      %mul3A_118 = arith.constant 5 : i32
      %mul3A_119 = arith.muli %scan3A_46, %mul3A_118 : i32
      %add3A_120 = arith.constant 1 : i32
      %add3A_121 = arith.addi %mul3A_119, %add3A_120 : i32
      %mul3A_122 = arith.constant 40 : i32
      %mul3A_123 = arith.muli %add3A_121, %mul3A_122 : i32
      %dma_start3A_124 = tpu.memref_slice %arg8[%mul3A_123] : memref<10000xi32, #tpu.memory_space<vmem>> -> memref<40xi32, #tpu.memory_space<vmem>>
      %dma_start3A_125 = arith.constant 0 : i32
      %dma_start3A_126 = arith.constant 0 : i32
      %dma_start3A_127 = tpu.memref_slice %arg14[%dma_start3A_125, %dma_start3A_126] : memref<10240x128xf32, #tpu.memory_space<vmem_shared>> -> memref<10240x128xf32, #tpu.memory_space<vmem_shared>>
      tpu.enqueue_indirect_dma source(%arg10 : memref<40x128xf32, #tpu.memory_space<vmem>>) target(%dma_start3A_127 : memref<10240x128xf32, #tpu.memory_space<vmem_shared>>) offsets(%dma_start3A_124 : memref<40xi32, #tpu.memory_space<vmem>>) semaphore(%arg21 : memref<!tpu.dma_semaphore, #tpu.memory_space<semaphore_mem>>) {add = true}
      %dma_wait3A_128 = tpu.memref_slice %arg7[%mul3A_75] : memref<10000xi32, #tpu.memory_space<vmem>> -> memref<40xi32, #tpu.memory_space<vmem>>
      %dma_wait3A_129 = arith.constant 0 : i32
      %dma_wait3A_130 = arith.constant 0 : i32
      %dma_wait3A_131 = tpu.memref_slice %arg2[%dma_wait3A_129, %dma_wait3A_130] : memref<10000x128xf32, #tpu.memory_space<hbm>> -> memref<10000x128xf32, #tpu.memory_space<hbm>>
      tpu.wait_indirect_dma semaphore(%arg17 : memref<!tpu.dma_semaphore, #tpu.memory_space<semaphore_mem>>) src(%dma_wait3A_131 : memref<10000x128xf32, #tpu.memory_space<hbm>>) dst(%arg11 : memref<40x128xf32, #tpu.memory_space<vmem>>)
      %mul3A_132 = arith.constant 5 : i32
      %mul3A_133 = arith.muli %scan3A_46, %mul3A_132 : i32
      %add3A_134 = arith.constant 2 : i32
      %add3A_135 = arith.addi %mul3A_133, %add3A_134 : i32
      %mul3A_136 = arith.constant 40 : i32
      %mul3A_137 = arith.muli %add3A_135, %mul3A_136 : i32
      %dma_start3A_138 = tpu.memref_slice %arg8[%mul3A_137] : memref<10000xi32, #tpu.memory_space<vmem>> -> memref<40xi32, #tpu.memory_space<vmem>>
      %dma_start3A_139 = arith.constant 0 : i32
      %dma_start3A_140 = arith.constant 0 : i32
      %dma_start3A_141 = tpu.memref_slice %arg14[%dma_start3A_139, %dma_start3A_140] : memref<10240x128xf32, #tpu.memory_space<vmem_shared>> -> memref<10240x128xf32, #tpu.memory_space<vmem_shared>>
      tpu.enqueue_indirect_dma source(%arg11 : memref<40x128xf32, #tpu.memory_space<vmem>>) target(%dma_start3A_141 : memref<10240x128xf32, #tpu.memory_space<vmem_shared>>) offsets(%dma_start3A_138 : memref<40xi32, #tpu.memory_space<vmem>>) semaphore(%arg22 : memref<!tpu.dma_semaphore, #tpu.memory_space<semaphore_mem>>) {add = true}
      %dma_wait3A_142 = tpu.memref_slice %arg7[%mul3A_85] : memref<10000xi32, #tpu.memory_space<vmem>> -> memref<40xi32, #tpu.memory_space<vmem>>
      %dma_wait3A_143 = arith.constant 0 : i32
      %dma_wait3A_144 = arith.constant 0 : i32
      %dma_wait3A_145 = tpu.memref_slice %arg2[%dma_wait3A_143, %dma_wait3A_144] : memref<10000x128xf32, #tpu.memory_space<hbm>> -> memref<10000x128xf32, #tpu.memory_space<hbm>>
      tpu.wait_indirect_dma semaphore(%arg18 : memref<!tpu.dma_semaphore, #tpu.memory_space<semaphore_mem>>) src(%dma_wait3A_145 : memref<10000x128xf32, #tpu.memory_space<hbm>>) dst(%arg12 : memref<40x128xf32, #tpu.memory_space<vmem>>)
      %mul3A_146 = arith.constant 5 : i32
      %mul3A_147 = arith.muli %scan3A_46, %mul3A_146 : i32
      %add3A_148 = arith.constant 3 : i32
      %add3A_149 = arith.addi %mul3A_147, %add3A_148 : i32
      %mul3A_150 = arith.constant 40 : i32
      %mul3A_151 = arith.muli %add3A_149, %mul3A_150 : i32
      %dma_start3A_152 = tpu.memref_slice %arg8[%mul3A_151] : memref<10000xi32, #tpu.memory_space<vmem>> -> memref<40xi32, #tpu.memory_space<vmem>>
      %dma_start3A_153 = arith.constant 0 : i32
      %dma_start3A_154 = arith.constant 0 : i32
      %dma_start3A_155 = tpu.memref_slice %arg14[%dma_start3A_153, %dma_start3A_154] : memref<10240x128xf32, #tpu.memory_space<vmem_shared>> -> memref<10240x128xf32, #tpu.memory_space<vmem_shared>>
      tpu.enqueue_indirect_dma source(%arg12 : memref<40x128xf32, #tpu.memory_space<vmem>>) target(%dma_start3A_155 : memref<10240x128xf32, #tpu.memory_space<vmem_shared>>) offsets(%dma_start3A_152 : memref<40xi32, #tpu.memory_space<vmem>>) semaphore(%arg23 : memref<!tpu.dma_semaphore, #tpu.memory_space<semaphore_mem>>) {add = true}
      %dma_wait3A_156 = tpu.memref_slice %arg7[%mul3A_95] : memref<10000xi32, #tpu.memory_space<vmem>> -> memref<40xi32, #tpu.memory_space<vmem>>
      %dma_wait3A_157 = arith.constant 0 : i32
      %dma_wait3A_158 = arith.constant 0 : i32
      %dma_wait3A_159 = tpu.memref_slice %arg2[%dma_wait3A_157, %dma_wait3A_158] : memref<10000x128xf32, #tpu.memory_space<hbm>> -> memref<10000x128xf32, #tpu.memory_space<hbm>>
      tpu.wait_indirect_dma semaphore(%arg19 : memref<!tpu.dma_semaphore, #tpu.memory_space<semaphore_mem>>) src(%dma_wait3A_159 : memref<10000x128xf32, #tpu.memory_space<hbm>>) dst(%arg13 : memref<40x128xf32, #tpu.memory_space<vmem>>)
      %mul3A_160 = arith.constant 5 : i32
      %mul3A_161 = arith.muli %scan3A_46, %mul3A_160 : i32
      %add3A_162 = arith.constant 4 : i32
      %add3A_163 = arith.addi %mul3A_161, %add3A_162 : i32
      %mul3A_164 = arith.constant 40 : i32
      %mul3A_165 = arith.muli %add3A_163, %mul3A_164 : i32
      %dma_start3A_166 = tpu.memref_slice %arg8[%mul3A_165] : memref<10000xi32, #tpu.memory_space<vmem>> -> memref<40xi32, #tpu.memory_space<vmem>>
      %dma_start3A_167 = arith.constant 0 : i32
      %dma_start3A_168 = arith.constant 0 : i32
      %dma_start3A_169 = tpu.memref_slice %arg14[%dma_start3A_167, %dma_start3A_168] : memref<10240x128xf32, #tpu.memory_space<vmem_shared>> -> memref<10240x128xf32, #tpu.memory_space<vmem_shared>>
      tpu.enqueue_indirect_dma source(%arg13 : memref<40x128xf32, #tpu.memory_space<vmem>>) target(%dma_start3A_169 : memref<10240x128xf32, #tpu.memory_space<vmem_shared>>) offsets(%dma_start3A_166 : memref<40xi32, #tpu.memory_space<vmem>>) semaphore(%arg24 : memref<!tpu.dma_semaphore, #tpu.memory_space<semaphore_mem>>) {add = true}
    }
    %scan3A_9 = arith.constant 50 : i32
    %dma_wait3A = arith.constant 0 : i32
    %dma_wait3A_10 = arith.constant 0 : i32
    %dma_wait3A_11 = tpu.memref_slice %arg2[%dma_wait3A, %dma_wait3A_10] : memref<10000x128xf32, #tpu.memory_space<hbm>> -> memref<40x128xf32, #tpu.memory_space<hbm>>
    %dma_wait3A_12 = arith.constant 0 : i32
    %dma_wait3A_13 = arith.constant 0 : i32
    %dma_wait3A_14 = tpu.memref_slice %arg2[%dma_wait3A_12, %dma_wait3A_13] : memref<10000x128xf32, #tpu.memory_space<hbm>> -> memref<40x128xf32, #tpu.memory_space<hbm>>
    tpu.wait_dma2 semaphore(%arg20 : memref<!tpu.dma_semaphore, #tpu.memory_space<semaphore_mem>>) src(%dma_wait3A_14 : memref<40x128xf32, #tpu.memory_space<hbm>>) dst(%arg9 : memref<40x128xf32, #tpu.memory_space<vmem>>)
    %dma_wait3A_15 = arith.constant 0 : i32
    %dma_wait3A_16 = arith.constant 0 : i32
    %dma_wait3A_17 = tpu.memref_slice %arg2[%dma_wait3A_15, %dma_wait3A_16] : memref<10000x128xf32, #tpu.memory_space<hbm>> -> memref<40x128xf32, #tpu.memory_space<hbm>>
    %dma_wait3A_18 = arith.constant 0 : i32
    %dma_wait3A_19 = arith.constant 0 : i32
    %dma_wait3A_20 = tpu.memref_slice %arg2[%dma_wait3A_18, %dma_wait3A_19] : memref<10000x128xf32, #tpu.memory_space<hbm>> -> memref<40x128xf32, #tpu.memory_space<hbm>>
    tpu.wait_dma2 semaphore(%arg21 : memref<!tpu.dma_semaphore, #tpu.memory_space<semaphore_mem>>) src(%dma_wait3A_20 : memref<40x128xf32, #tpu.memory_space<hbm>>) dst(%arg10 : memref<40x128xf32, #tpu.memory_space<vmem>>)
    %dma_wait3A_21 = arith.constant 0 : i32
    %dma_wait3A_22 = arith.constant 0 : i32
    %dma_wait3A_23 = tpu.memref_slice %arg2[%dma_wait3A_21, %dma_wait3A_22] : memref<10000x128xf32, #tpu.memory_space<hbm>> -> memref<40x128xf32, #tpu.memory_space<hbm>>
    %dma_wait3A_24 = arith.constant 0 : i32
    %dma_wait3A_25 = arith.constant 0 : i32
    %dma_wait3A_26 = tpu.memref_slice %arg2[%dma_wait3A_24, %dma_wait3A_25] : memref<10000x128xf32, #tpu.memory_space<hbm>> -> memref<40x128xf32, #tpu.memory_space<hbm>>
    tpu.wait_dma2 semaphore(%arg22 : memref<!tpu.dma_semaphore, #tpu.memory_space<semaphore_mem>>) src(%dma_wait3A_26 : memref<40x128xf32, #tpu.memory_space<hbm>>) dst(%arg11 : memref<40x128xf32, #tpu.memory_space<vmem>>)
    %dma_wait3A_27 = arith.constant 0 : i32
    %dma_wait3A_28 = arith.constant 0 : i32
    %dma_wait3A_29 = tpu.memref_slice %arg2[%dma_wait3A_27, %dma_wait3A_28] : memref<10000x128xf32, #tpu.memory_space<hbm>> -> memref<40x128xf32, #tpu.memory_space<hbm>>
    %dma_wait3A_30 = arith.constant 0 : i32
    %dma_wait3A_31 = arith.constant 0 : i32
    %dma_wait3A_32 = tpu.memref_slice %arg2[%dma_wait3A_30, %dma_wait3A_31] : memref<10000x128xf32, #tpu.memory_space<hbm>> -> memref<40x128xf32, #tpu.memory_space<hbm>>
    tpu.wait_dma2 semaphore(%arg23 : memref<!tpu.dma_semaphore, #tpu.memory_space<semaphore_mem>>) src(%dma_wait3A_32 : memref<40x128xf32, #tpu.memory_space<hbm>>) dst(%arg12 : memref<40x128xf32, #tpu.memory_space<vmem>>)
    %dma_wait3A_33 = arith.constant 0 : i32
    %dma_wait3A_34 = arith.constant 0 : i32
    %dma_wait3A_35 = tpu.memref_slice %arg2[%dma_wait3A_33, %dma_wait3A_34] : memref<10000x128xf32, #tpu.memory_space<hbm>> -> memref<40x128xf32, #tpu.memory_space<hbm>>
    %dma_wait3A_36 = arith.constant 0 : i32
    %dma_wait3A_37 = arith.constant 0 : i32
    %dma_wait3A_38 = tpu.memref_slice %arg2[%dma_wait3A_36, %dma_wait3A_37] : memref<10000x128xf32, #tpu.memory_space<hbm>> -> memref<40x128xf32, #tpu.memory_space<hbm>>
    tpu.wait_dma2 semaphore(%arg24 : memref<!tpu.dma_semaphore, #tpu.memory_space<semaphore_mem>>) src(%dma_wait3A_38 : memref<40x128xf32, #tpu.memory_space<hbm>>) dst(%arg13 : memref<40x128xf32, #tpu.memory_space<vmem>>)
    %barrier3A_39 = arith.constant 0 : index
    tpu.barrier barrier_id(%barrier3A_39)
    %lt3A = arith.constant 15 : i32
    %lt3A_40 = arith.cmpi slt, %arg1, %lt3A : i32
    %convert_element_type3A = arith.extui %lt3A_40 : i1 to i32
    %cond3A = arith.constant 0 : i32
    %cond3A_41 = arith.cmpi ne, %convert_element_type3A, %cond3A : i32
    scf.if %cond3A_41 {
      "tpu.region"() ({
        %run_scoped3A = tpu.sem_alloc : memref<!tpu.dma_semaphore, #tpu.memory_space<semaphore_mem>>
        %dma_start3A = arith.constant 0 : i32
        %dma_start3A_46 = tpu.memref_slice %arg6[%arg0, %multiple_of3A, %dma_start3A] : memref<2x10000x128xf32, #tpu.memory_space<hbm>> -> memref<1x640x128xf32, #tpu.memory_space<hbm>>
        %dma_start3A_47 = tpu.memref_squeeze %dma_start3A_46 : memref<1x640x128xf32, #tpu.memory_space<hbm>> -> memref<640x128xf32, #tpu.memory_space<hbm>>
        %dma_start3A_48 = arith.constant 0 : i32
        %dma_start3A_49 = tpu.memref_slice %arg14[%multiple_of3A, %dma_start3A_48] : memref<10240x128xf32, #tpu.memory_space<vmem_shared>> -> memref<640x128xf32, #tpu.memory_space<vmem_shared>>
        tpu.enqueue_dma source(%dma_start3A_49 : memref<640x128xf32, #tpu.memory_space<vmem_shared>>) target(%dma_start3A_47 : memref<640x128xf32, #tpu.memory_space<hbm>>) target_semaphore(%run_scoped3A : memref<!tpu.dma_semaphore, #tpu.memory_space<semaphore_mem>>)
        %dma_wait3A_50 = arith.constant 0 : i32
        %dma_wait3A_51 = tpu.memref_slice %arg6[%arg0, %multiple_of3A, %dma_wait3A_50] : memref<2x10000x128xf32, #tpu.memory_space<hbm>> -> memref<1x640x128xf32, #tpu.memory_space<hbm>>
        %dma_wait3A_52 = tpu.memref_squeeze %dma_wait3A_51 : memref<1x640x128xf32, #tpu.memory_space<hbm>> -> memref<640x128xf32, #tpu.memory_space<hbm>>
        %dma_wait3A_53 = arith.constant 0 : i32
        %dma_wait3A_54 = tpu.memref_slice %arg14[%multiple_of3A, %dma_wait3A_53] : memref<10240x128xf32, #tpu.memory_space<vmem_shared>> -> memref<640x128xf32, #tpu.memory_space<vmem_shared>>
        tpu.wait_dma2 semaphore(%run_scoped3A : memref<!tpu.dma_semaphore, #tpu.memory_space<semaphore_mem>>) src(%dma_wait3A_54 : memref<640x128xf32, #tpu.memory_space<vmem_shared>>) dst(%dma_wait3A_52 : memref<640x128xf32, #tpu.memory_space<hbm>>)
        tpu.yield
      }) : () -> ()
    } else {
    }
    %eq3A = arith.constant 15 : i32
    %eq3A_42 = arith.cmpi eq, %arg1, %eq3A : i32
    %convert_element_type3A_43 = arith.extui %eq3A_42 : i1 to i32
    %cond3A_44 = arith.constant 0 : i32
    %cond3A_45 = arith.cmpi ne, %convert_element_type3A_43, %cond3A_44 : i32
    scf.if %cond3A_45 {
      "tpu.region"() ({
        %run_scoped3A = tpu.sem_alloc : memref<!tpu.dma_semaphore, #tpu.memory_space<semaphore_mem>>
        %dma_start3A = arith.constant 9600 : i32
        %dma_start3A_46 = arith.constant 0 : i32
        %dma_start3A_47 = tpu.memref_slice %arg6[%arg0, %dma_start3A, %dma_start3A_46] : memref<2x10000x128xf32, #tpu.memory_space<hbm>> -> memref<1x400x128xf32, #tpu.memory_space<hbm>>
        %dma_start3A_48 = tpu.memref_squeeze %dma_start3A_47 : memref<1x400x128xf32, #tpu.memory_space<hbm>> -> memref<400x128xf32, #tpu.memory_space<hbm>>
        %dma_start3A_49 = arith.constant 9600 : i32
        %dma_start3A_50 = arith.constant 0 : i32
        %dma_start3A_51 = tpu.memref_slice %arg14[%dma_start3A_49, %dma_start3A_50] : memref<10240x128xf32, #tpu.memory_space<vmem_shared>> -> memref<400x128xf32, #tpu.memory_space<vmem_shared>>
        tpu.enqueue_dma source(%dma_start3A_51 : memref<400x128xf32, #tpu.memory_space<vmem_shared>>) target(%dma_start3A_48 : memref<400x128xf32, #tpu.memory_space<hbm>>) target_semaphore(%run_scoped3A : memref<!tpu.dma_semaphore, #tpu.memory_space<semaphore_mem>>)
        %dma_wait3A_52 = arith.constant 9600 : i32
        %dma_wait3A_53 = arith.constant 0 : i32
        %dma_wait3A_54 = tpu.memref_slice %arg6[%arg0, %dma_wait3A_52, %dma_wait3A_53] : memref<2x10000x128xf32, #tpu.memory_space<hbm>> -> memref<1x400x128xf32, #tpu.memory_space<hbm>>
        %dma_wait3A_55 = tpu.memref_squeeze %dma_wait3A_54 : memref<1x400x128xf32, #tpu.memory_space<hbm>> -> memref<400x128xf32, #tpu.memory_space<hbm>>
        %dma_wait3A_56 = arith.constant 9600 : i32
        %dma_wait3A_57 = arith.constant 0 : i32
        %dma_wait3A_58 = tpu.memref_slice %arg14[%dma_wait3A_56, %dma_wait3A_57] : memref<10240x128xf32, #tpu.memory_space<vmem_shared>> -> memref<400x128xf32, #tpu.memory_space<vmem_shared>>
        tpu.wait_dma2 semaphore(%run_scoped3A : memref<!tpu.dma_semaphore, #tpu.memory_space<semaphore_mem>>) src(%dma_wait3A_58 : memref<400x128xf32, #tpu.memory_space<vmem_shared>>) dst(%dma_wait3A_55 : memref<400x128xf32, #tpu.memory_space<hbm>>)
        tpu.yield
      }) : () -> ()
    } else {
    }
    return
  }
}

module attributes {stable_mosaic.version = 14 : i64} {
  func.func @_k0_body(%arg0: i32, %arg1: memref<400x128xf32, #tpu.memory_space<vmem>>, %arg2: memref<128x128xf32, #tpu.memory_space<vmem>>, %arg3: memref<1x128xf32, #tpu.memory_space<vmem>>, %arg4: memref<400x128xf32, #tpu.memory_space<vmem>>) attributes {dimension_semantics = [#tpu.dimension_semantics<arbitrary>], iteration_bounds = array<i64: 25>, scalar_prefetch = 0 : i64, scratch_operands = 0 : i64, tpu.core_type = #tpu.core_type<tc>, window_params = [{transform_indices = @transform_0, window_bounds = array<i64: 400, 128>}, {pipeline_mode = #tpu.pipeline_mode<synchronous>, transform_indices = @transform_1, window_bounds = array<i64: 128, 128>}, {pipeline_mode = #tpu.pipeline_mode<synchronous>, transform_indices = @transform_2, window_bounds = array<i64: 1, 128>}, {transform_indices = @transform_3, window_bounds = array<i64: 400, 128>}]} {
    %get3A = arith.constant 0 : index
    %get3A_0 = arith.constant 0 : index
    %get3A_1 = vector.load %arg1[%get3A, %get3A_0] : memref<400x128xf32, #tpu.memory_space<vmem>>, vector<400x128xf32>
    %get3A_2 = arith.constant 0 : index
    %get3A_3 = arith.constant 0 : index
    %get3A_4 = vector.load %arg2[%get3A_2, %get3A_3] : memref<128x128xf32, #tpu.memory_space<vmem>>, vector<128x128xf32>
    %dot_general3A = arith.constant dense<0.000000e+00> : vector<400x128xf32>
    %dot_general3A_5 = tpu.matmul %get3A_1, %get3A_4, %dot_general3A {dimension_numbers = #tpu.dot_dimension_numbers<[1], [0], [0], [1], [0, 0, 1, 1], [], []>, transpose_lhs_hint = false} : vector<400x128xf32>, vector<128x128xf32>, vector<400x128xf32> -> vector<400x128xf32>
    %get3A_6 = arith.constant 0 : index
    %get3A_7 = arith.constant 0 : index
    %get3A_8 = vector.load %arg3[%get3A_6, %get3A_7] : memref<1x128xf32, #tpu.memory_space<vmem>>, vector<1x128xf32>
    %add3A = vector.broadcast %get3A_8 : vector<1x128xf32> to vector<400x128xf32>
    %add3A_9 = arith.addf %dot_general3A_5, %add3A : vector<400x128xf32>
    %swap3A = arith.constant 0 : index
    %swap3A_10 = arith.constant 0 : index
    %swap3A_11 = vector.load %arg4[%swap3A, %swap3A_10] : memref<400x128xf32, #tpu.memory_space<vmem>>, vector<400x128xf32>
    tpu.vector_store %arg4[%swap3A, %swap3A_10], %add3A_9 {strides = array<i32>} : memref<400x128xf32, #tpu.memory_space<vmem>>, vector<400x128xf32>,
    return
  }
  func.func @transform_0(%arg0: i32) -> (i32, i32) {
    %c0_i32 = arith.constant 0 : i32
    %c0_i32_0 = arith.constant 0 : i32
    return %arg0, %c0_i32 : i32, i32
  }
  func.func @transform_1(%arg0: i32) -> (i32, i32) {
    %c0_i32 = arith.constant 0 : i32
    %c0_i32_0 = arith.constant 0 : i32
    %c0_i32_1 = arith.constant 0 : i32
    return %c0_i32, %c0_i32_0 : i32, i32
  }
  func.func @transform_2(%arg0: i32) -> (i32, i32) {
    %c0_i32 = arith.constant 0 : i32
    %c0_i32_0 = arith.constant 0 : i32
    %c0_i32_1 = arith.constant 0 : i32
    return %c0_i32, %c0_i32_0 : i32, i32
  }
  func.func @transform_3(%arg0: i32) -> (i32, i32) {
    %c0_i32 = arith.constant 0 : i32
    %c0_i32_0 = arith.constant 0 : i32
    return %arg0, %c0_i32 : i32, i32
  }
}

module attributes {stable_mosaic.version = 14 : i64} {
  func.func @_k1_body(%arg0: i32, %arg1: memref<400x128xf32, #tpu.memory_space<vmem>>, %arg2: memref<128x128xf32, #tpu.memory_space<vmem>>, %arg3: memref<400x2xf32, #tpu.memory_space<vmem>>, %arg4: memref<400x128xf32, #tpu.memory_space<vmem>>, %arg5: memref<400x1xf32, #tpu.memory_space<vmem>>) attributes {dimension_semantics = [#tpu.dimension_semantics<arbitrary>], iteration_bounds = array<i64: 25>, scalar_prefetch = 0 : i64, scratch_operands = 0 : i64, tpu.core_type = #tpu.core_type<tc>, window_params = [{transform_indices = @transform_0, window_bounds = array<i64: 400, 128>}, {pipeline_mode = #tpu.pipeline_mode<synchronous>, transform_indices = @transform_1, window_bounds = array<i64: 128, 128>}, {transform_indices = @transform_2, window_bounds = array<i64: 400, 2>}, {transform_indices = @transform_3, window_bounds = array<i64: 400, 128>}, {transform_indices = @transform_4, window_bounds = array<i64: 400, 1>}]} {
    %get3A = arith.constant 0 : index
    %get3A_0 = arith.constant 0 : index
    %get3A_1 = vector.load %arg3[%get3A, %get3A_0] : memref<400x2xf32, #tpu.memory_space<vmem>>, vector<400x2xf32>
    %slice3A = vector.extract_strided_slice %get3A_1 {offsets = [0, 0], sizes = [400, 1], strides = [1, 1]} : vector<400x2xf32> to vector<400x1xf32>
    %squeeze3A = vector.shape_cast %slice3A : vector<400x1xf32> to vector<400xf32>
    %get3A_2 = arith.constant 0 : index
    %get3A_3 = arith.constant 0 : index
    %get3A_4 = vector.load %arg3[%get3A_2, %get3A_3] : memref<400x2xf32, #tpu.memory_space<vmem>>, vector<400x2xf32>
    %slice3A_5 = vector.extract_strided_slice %get3A_4 {offsets = [0, 1], sizes = [400, 1], strides = [1, 1]} : vector<400x2xf32> to vector<400x1xf32>
    %squeeze3A_6 = vector.shape_cast %slice3A_5 : vector<400x1xf32> to vector<400xf32>
    %add3A = arith.addf %squeeze3A, %squeeze3A_6 : vector<400xf32>
    %add3A_7 = arith.constant 1.000000e+00 : f32
    %add3A_8 = vector.broadcast %add3A_7 : f32 to vector<400xf32>
    %add3A_9 = arith.addf %add3A, %add3A_8 : vector<400xf32>
    %rsqrt3A = math.rsqrt %add3A_9 : vector<400xf32>
    %get3A_10 = arith.constant 0 : index
    %get3A_11 = arith.constant 0 : index
    %get3A_12 = vector.load %arg1[%get3A_10, %get3A_11] : memref<400x128xf32, #tpu.memory_space<vmem>>, vector<400x128xf32>
    %get3A_13 = arith.constant 0 : index
    %get3A_14 = arith.constant 0 : index
    %get3A_15 = vector.load %arg2[%get3A_13, %get3A_14] : memref<128x128xf32, #tpu.memory_space<vmem>>, vector<128x128xf32>
    %dot_general3A = arith.constant dense<0.000000e+00> : vector<400x128xf32>
    %dot_general3A_16 = tpu.matmul %get3A_12, %get3A_15, %dot_general3A {dimension_numbers = #tpu.dot_dimension_numbers<[1], [0], [0], [1], [0, 0, 1, 1], [], []>, transpose_lhs_hint = false} : vector<400x128xf32>, vector<128x128xf32>, vector<400x128xf32> -> vector<400x128xf32>
    %broadcast_in_dim3A = vector.shape_cast %rsqrt3A : vector<400xf32> to vector<400x1xf32>
    %mul3A = vector.broadcast %broadcast_in_dim3A : vector<400x1xf32> to vector<400x128xf32>
    %mul3A_17 = arith.mulf %dot_general3A_16, %mul3A : vector<400x128xf32>
    %swap3A = arith.constant 0 : index
    %swap3A_18 = arith.constant 0 : index
    %swap3A_19 = vector.load %arg4[%swap3A, %swap3A_18] : memref<400x128xf32, #tpu.memory_space<vmem>>, vector<400x128xf32>
    tpu.vector_store %arg4[%swap3A, %swap3A_18], %mul3A_17 {strides = array<i32>} : memref<400x128xf32, #tpu.memory_space<vmem>>, vector<400x128xf32>,
    %broadcast_in_dim3A_20 = vector.shape_cast %rsqrt3A : vector<400xf32> to vector<400x1xf32>
    %swap3A_21 = arith.constant 0 : index
    %swap3A_22 = arith.constant 0 : index
    %swap3A_23 = vector.load %arg5[%swap3A_21, %swap3A_22] : memref<400x1xf32, #tpu.memory_space<vmem>>, vector<400x1xf32>
    tpu.vector_store %arg5[%swap3A_21, %swap3A_22], %broadcast_in_dim3A_20 {strides = array<i32>} : memref<400x1xf32, #tpu.memory_space<vmem>>, vector<400x1xf32>,
    return
  }
  func.func @transform_0(%arg0: i32) -> (i32, i32) {
    %c0_i32 = arith.constant 0 : i32
    %c0_i32_0 = arith.constant 0 : i32
    return %arg0, %c0_i32 : i32, i32
  }
  func.func @transform_1(%arg0: i32) -> (i32, i32) {
    %c0_i32 = arith.constant 0 : i32
    %c0_i32_0 = arith.constant 0 : i32
    %c0_i32_1 = arith.constant 0 : i32
    return %c0_i32, %c0_i32_0 : i32, i32
  }
  func.func @transform_2(%arg0: i32) -> (i32, i32) {
    %c0_i32 = arith.constant 0 : i32
    %c0_i32_0 = arith.constant 0 : i32
    return %arg0, %c0_i32 : i32, i32
  }
  func.func @transform_3(%arg0: i32) -> (i32, i32) {
    %c0_i32 = arith.constant 0 : i32
    %c0_i32_0 = arith.constant 0 : i32
    return %arg0, %c0_i32 : i32, i32
  }
  func.func @transform_4(%arg0: i32) -> (i32, i32) {
    %c0_i32 = arith.constant 0 : i32
    %c0_i32_0 = arith.constant 0 : i32
    return %arg0, %c0_i32 : i32, i32
  }
}

module attributes {stable_mosaic.version = 14 : i64} {
  func.func @_k2_body(%arg0: i32, %arg1: memref<2x400x128xf32, #tpu.memory_space<vmem>>, %arg2: memref<400x128xf32, #tpu.memory_space<vmem>>, %arg3: memref<400x1xf32, #tpu.memory_space<vmem>>, %arg4: memref<1x128xf32, #tpu.memory_space<vmem>>, %arg5: memref<128x128xf32, #tpu.memory_space<vmem>>, %arg6: memref<400x128xf32, #tpu.memory_space<vmem>>) attributes {dimension_semantics = [#tpu.dimension_semantics<arbitrary>], iteration_bounds = array<i64: 25>, scalar_prefetch = 0 : i64, scratch_operands = 0 : i64, tpu.core_type = #tpu.core_type<tc>, window_params = [{transform_indices = @transform_0, window_bounds = array<i64: 2, 400, 128>}, {transform_indices = @transform_1, window_bounds = array<i64: 400, 128>}, {transform_indices = @transform_2, window_bounds = array<i64: 400, 1>}, {pipeline_mode = #tpu.pipeline_mode<synchronous>, transform_indices = @transform_3, window_bounds = array<i64: 1, 128>}, {pipeline_mode = #tpu.pipeline_mode<synchronous>, transform_indices = @transform_4, window_bounds = array<i64: 128, 128>}, {transform_indices = @transform_5, window_bounds = array<i64: 400, 128>}]} {
    %get3A = arith.constant 0 : index
    %get3A_0 = arith.constant 0 : index
    %get3A_1 = arith.constant 0 : index
    %get3A_2 = vector.load %arg1[%get3A, %get3A_0, %get3A_1] : memref<2x400x128xf32, #tpu.memory_space<vmem>>, vector<2x400x128xf32>
    %slice3A = vector.extract_strided_slice %get3A_2 {offsets = [0, 0, 0], sizes = [1, 400, 128], strides = [1, 1, 1]} : vector<2x400x128xf32> to vector<1x400x128xf32>
    %squeeze3A = vector.shape_cast %slice3A : vector<1x400x128xf32> to vector<400x128xf32>
    %get3A_3 = arith.constant 0 : index
    %get3A_4 = arith.constant 0 : index
    %get3A_5 = arith.constant 0 : index
    %get3A_6 = vector.load %arg1[%get3A_3, %get3A_4, %get3A_5] : memref<2x400x128xf32, #tpu.memory_space<vmem>>, vector<2x400x128xf32>
    %slice3A_7 = vector.extract_strided_slice %get3A_6 {offsets = [1, 0, 0], sizes = [1, 400, 128], strides = [1, 1, 1]} : vector<2x400x128xf32> to vector<1x400x128xf32>
    %squeeze3A_8 = vector.shape_cast %slice3A_7 : vector<1x400x128xf32> to vector<400x128xf32>
    %add3A = arith.addf %squeeze3A, %squeeze3A_8 : vector<400x128xf32>
    %get3A_9 = arith.constant 0 : index
    %get3A_10 = arith.constant 0 : index
    %get3A_11 = vector.load %arg2[%get3A_9, %get3A_10] : memref<400x128xf32, #tpu.memory_space<vmem>>, vector<400x128xf32>
    %add3A_12 = arith.addf %add3A, %get3A_11 : vector<400x128xf32>
    %get3A_13 = arith.constant 0 : index
    %get3A_14 = arith.constant 0 : index
    %get3A_15 = vector.load %arg3[%get3A_13, %get3A_14] : memref<400x1xf32, #tpu.memory_space<vmem>>, vector<400x1xf32>
    %mul3A = vector.broadcast %get3A_15 : vector<400x1xf32> to vector<400x128xf32>
    %mul3A_16 = arith.mulf %add3A_12, %mul3A : vector<400x128xf32>
    %get3A_17 = arith.constant 0 : index
    %get3A_18 = arith.constant 0 : index
    %get3A_19 = vector.load %arg4[%get3A_17, %get3A_18] : memref<1x128xf32, #tpu.memory_space<vmem>>, vector<1x128xf32>
    %add3A_20 = vector.broadcast %get3A_19 : vector<1x128xf32> to vector<400x128xf32>
    %add3A_21 = arith.addf %mul3A_16, %add3A_20 : vector<400x128xf32>
    %max3A = arith.constant 0.000000e+00 : f32
    %max3A_22 = vector.broadcast %max3A : f32 to vector<400x128xf32>
    %max3A_23 = arith.maximumf %add3A_21, %max3A_22 : vector<400x128xf32>
    %get3A_24 = arith.constant 0 : index
    %get3A_25 = arith.constant 0 : index
    %get3A_26 = vector.load %arg5[%get3A_24, %get3A_25] : memref<128x128xf32, #tpu.memory_space<vmem>>, vector<128x128xf32>
    %dot_general3A = arith.constant dense<0.000000e+00> : vector<400x128xf32>
    %dot_general3A_27 = tpu.matmul %max3A_23, %get3A_26, %dot_general3A {dimension_numbers = #tpu.dot_dimension_numbers<[1], [0], [0], [1], [0, 0, 1, 1], [], []>, transpose_lhs_hint = false} : vector<400x128xf32>, vector<128x128xf32>, vector<400x128xf32> -> vector<400x128xf32>
    %mul3A_28 = vector.broadcast %get3A_15 : vector<400x1xf32> to vector<400x128xf32>
    %mul3A_29 = arith.mulf %dot_general3A_27, %mul3A_28 : vector<400x128xf32>
    %swap3A = arith.constant 0 : index
    %swap3A_30 = arith.constant 0 : index
    %swap3A_31 = vector.load %arg6[%swap3A, %swap3A_30] : memref<400x128xf32, #tpu.memory_space<vmem>>, vector<400x128xf32>
    tpu.vector_store %arg6[%swap3A, %swap3A_30], %mul3A_29 {strides = array<i32>} : memref<400x128xf32, #tpu.memory_space<vmem>>, vector<400x128xf32>,
    return
  }
  func.func @transform_0(%arg0: i32) -> (i32, i32, i32) {
    %c0_i32 = arith.constant 0 : i32
    %c0_i32_0 = arith.constant 0 : i32
    %c0_i32_1 = arith.constant 0 : i32
    return %c0_i32, %arg0, %c0_i32_0 : i32, i32, i32
  }
  func.func @transform_1(%arg0: i32) -> (i32, i32) {
    %c0_i32 = arith.constant 0 : i32
    %c0_i32_0 = arith.constant 0 : i32
    return %arg0, %c0_i32 : i32, i32
  }
  func.func @transform_2(%arg0: i32) -> (i32, i32) {
    %c0_i32 = arith.constant 0 : i32
    %c0_i32_0 = arith.constant 0 : i32
    return %arg0, %c0_i32 : i32, i32
  }
  func.func @transform_3(%arg0: i32) -> (i32, i32) {
    %c0_i32 = arith.constant 0 : i32
    %c0_i32_0 = arith.constant 0 : i32
    %c0_i32_1 = arith.constant 0 : i32
    return %c0_i32, %c0_i32_0 : i32, i32
  }
  func.func @transform_4(%arg0: i32) -> (i32, i32) {
    %c0_i32 = arith.constant 0 : i32
    %c0_i32_0 = arith.constant 0 : i32
    %c0_i32_1 = arith.constant 0 : i32
    return %c0_i32, %c0_i32_0 : i32, i32
  }
  func.func @transform_5(%arg0: i32) -> (i32, i32) {
    %c0_i32 = arith.constant 0 : i32
    %c0_i32_0 = arith.constant 0 : i32
    return %arg0, %c0_i32 : i32, i32
  }
}

module attributes {stable_mosaic.version = 14 : i64} {
  func.func @_k3_body(%arg0: i32, %arg1: memref<2x400x128xf32, #tpu.memory_space<vmem>>, %arg2: memref<400x128xf32, #tpu.memory_space<vmem>>, %arg3: memref<400x1xf32, #tpu.memory_space<vmem>>, %arg4: memref<1x128xf32, #tpu.memory_space<vmem>>, %arg5: memref<400x128xf32, #tpu.memory_space<vmem>>) attributes {dimension_semantics = [#tpu.dimension_semantics<arbitrary>], iteration_bounds = array<i64: 25>, scalar_prefetch = 0 : i64, scratch_operands = 0 : i64, tpu.core_type = #tpu.core_type<tc>, window_params = [{transform_indices = @transform_0, window_bounds = array<i64: 2, 400, 128>}, {transform_indices = @transform_1, window_bounds = array<i64: 400, 128>}, {transform_indices = @transform_2, window_bounds = array<i64: 400, 1>}, {pipeline_mode = #tpu.pipeline_mode<synchronous>, transform_indices = @transform_3, window_bounds = array<i64: 1, 128>}, {transform_indices = @transform_4, window_bounds = array<i64: 400, 128>}]} {
    %get3A = arith.constant 0 : index
    %get3A_0 = arith.constant 0 : index
    %get3A_1 = arith.constant 0 : index
    %get3A_2 = vector.load %arg1[%get3A, %get3A_0, %get3A_1] : memref<2x400x128xf32, #tpu.memory_space<vmem>>, vector<2x400x128xf32>
    %slice3A = vector.extract_strided_slice %get3A_2 {offsets = [0, 0, 0], sizes = [1, 400, 128], strides = [1, 1, 1]} : vector<2x400x128xf32> to vector<1x400x128xf32>
    %squeeze3A = vector.shape_cast %slice3A : vector<1x400x128xf32> to vector<400x128xf32>
    %get3A_3 = arith.constant 0 : index
    %get3A_4 = arith.constant 0 : index
    %get3A_5 = arith.constant 0 : index
    %get3A_6 = vector.load %arg1[%get3A_3, %get3A_4, %get3A_5] : memref<2x400x128xf32, #tpu.memory_space<vmem>>, vector<2x400x128xf32>
    %slice3A_7 = vector.extract_strided_slice %get3A_6 {offsets = [1, 0, 0], sizes = [1, 400, 128], strides = [1, 1, 1]} : vector<2x400x128xf32> to vector<1x400x128xf32>
    %squeeze3A_8 = vector.shape_cast %slice3A_7 : vector<1x400x128xf32> to vector<400x128xf32>
    %add3A = arith.addf %squeeze3A, %squeeze3A_8 : vector<400x128xf32>
    %get3A_9 = arith.constant 0 : index
    %get3A_10 = arith.constant 0 : index
    %get3A_11 = vector.load %arg2[%get3A_9, %get3A_10] : memref<400x128xf32, #tpu.memory_space<vmem>>, vector<400x128xf32>
    %add3A_12 = arith.addf %add3A, %get3A_11 : vector<400x128xf32>
    %get3A_13 = arith.constant 0 : index
    %get3A_14 = arith.constant 0 : index
    %get3A_15 = vector.load %arg3[%get3A_13, %get3A_14] : memref<400x1xf32, #tpu.memory_space<vmem>>, vector<400x1xf32>
    %mul3A = vector.broadcast %get3A_15 : vector<400x1xf32> to vector<400x128xf32>
    %mul3A_16 = arith.mulf %add3A_12, %mul3A : vector<400x128xf32>
    %get3A_17 = arith.constant 0 : index
    %get3A_18 = arith.constant 0 : index
    %get3A_19 = vector.load %arg4[%get3A_17, %get3A_18] : memref<1x128xf32, #tpu.memory_space<vmem>>, vector<1x128xf32>
    %add3A_20 = vector.broadcast %get3A_19 : vector<1x128xf32> to vector<400x128xf32>
    %add3A_21 = arith.addf %mul3A_16, %add3A_20 : vector<400x128xf32>
    %max3A = arith.constant 0.000000e+00 : f32
    %max3A_22 = vector.broadcast %max3A : f32 to vector<400x128xf32>
    %max3A_23 = arith.maximumf %add3A_21, %max3A_22 : vector<400x128xf32>
    %mul3A_24 = vector.broadcast %get3A_15 : vector<400x1xf32> to vector<400x128xf32>
    %mul3A_25 = arith.mulf %max3A_23, %mul3A_24 : vector<400x128xf32>
    %swap3A = arith.constant 0 : index
    %swap3A_26 = arith.constant 0 : index
    %swap3A_27 = vector.load %arg5[%swap3A, %swap3A_26] : memref<400x128xf32, #tpu.memory_space<vmem>>, vector<400x128xf32>
    tpu.vector_store %arg5[%swap3A, %swap3A_26], %mul3A_25 {strides = array<i32>} : memref<400x128xf32, #tpu.memory_space<vmem>>, vector<400x128xf32>,
    return
  }
  func.func @transform_0(%arg0: i32) -> (i32, i32, i32) {
    %c0_i32 = arith.constant 0 : i32
    %c0_i32_0 = arith.constant 0 : i32
    %c0_i32_1 = arith.constant 0 : i32
    return %c0_i32, %arg0, %c0_i32_0 : i32, i32, i32
  }
  func.func @transform_1(%arg0: i32) -> (i32, i32) {
    %c0_i32 = arith.constant 0 : i32
    %c0_i32_0 = arith.constant 0 : i32
    return %arg0, %c0_i32 : i32, i32
  }
  func.func @transform_2(%arg0: i32) -> (i32, i32) {
    %c0_i32 = arith.constant 0 : i32
    %c0_i32_0 = arith.constant 0 : i32
    return %arg0, %c0_i32 : i32, i32
  }
  func.func @transform_3(%arg0: i32) -> (i32, i32) {
    %c0_i32 = arith.constant 0 : i32
    %c0_i32_0 = arith.constant 0 : i32
    %c0_i32_1 = arith.constant 0 : i32
    return %c0_i32, %c0_i32_0 : i32, i32
  }
  func.func @transform_4(%arg0: i32) -> (i32, i32) {
    %c0_i32 = arith.constant 0 : i32
    %c0_i32_0 = arith.constant 0 : i32
    return %arg0, %c0_i32 : i32, i32
  }
}

module attributes {stable_mosaic.version = 14 : i64} {
  func.func @_k4_body(%arg0: i32, %arg1: memref<2x400x128xf32, #tpu.memory_space<vmem>>, %arg2: memref<400x128xf32, #tpu.memory_space<vmem>>, %arg3: memref<400x1xf32, #tpu.memory_space<vmem>>, %arg4: memref<128x16xf32, #tpu.memory_space<vmem>>, %arg5: memref<1x16xf32, #tpu.memory_space<vmem>>, %arg6: memref<128x16xf32, #tpu.memory_space<vmem>>, %arg7: memref<1x16xf32, #tpu.memory_space<vmem>>, %arg8: memref<400x16xf32, #tpu.memory_space<vmem>>, %arg9: memref<400x16xf32, #tpu.memory_space<vmem>>) attributes {dimension_semantics = [#tpu.dimension_semantics<arbitrary>], iteration_bounds = array<i64: 25>, scalar_prefetch = 0 : i64, scratch_operands = 0 : i64, tpu.core_type = #tpu.core_type<tc>, window_params = [{transform_indices = @transform_0, window_bounds = array<i64: 2, 400, 128>}, {transform_indices = @transform_1, window_bounds = array<i64: 400, 128>}, {transform_indices = @transform_2, window_bounds = array<i64: 400, 1>}, {pipeline_mode = #tpu.pipeline_mode<synchronous>, transform_indices = @transform_3, window_bounds = array<i64: 128, 16>}, {pipeline_mode = #tpu.pipeline_mode<synchronous>, transform_indices = @transform_4, window_bounds = array<i64: 1, 16>}, {pipeline_mode = #tpu.pipeline_mode<synchronous>, transform_indices = @transform_5, window_bounds = array<i64: 128, 16>}, {pipeline_mode = #tpu.pipeline_mode<synchronous>, transform_indices = @transform_6, window_bounds = array<i64: 1, 16>}, {transform_indices = @transform_7, window_bounds = array<i64: 400, 16>}, {transform_indices = @transform_8, window_bounds = array<i64: 400, 16>}]} {
    %get3A = arith.constant 0 : index
    %get3A_0 = arith.constant 0 : index
    %get3A_1 = arith.constant 0 : index
    %get3A_2 = vector.load %arg1[%get3A, %get3A_0, %get3A_1] : memref<2x400x128xf32, #tpu.memory_space<vmem>>, vector<2x400x128xf32>
    %slice3A = vector.extract_strided_slice %get3A_2 {offsets = [0, 0, 0], sizes = [1, 400, 128], strides = [1, 1, 1]} : vector<2x400x128xf32> to vector<1x400x128xf32>
    %squeeze3A = vector.shape_cast %slice3A : vector<1x400x128xf32> to vector<400x128xf32>
    %get3A_3 = arith.constant 0 : index
    %get3A_4 = arith.constant 0 : index
    %get3A_5 = arith.constant 0 : index
    %get3A_6 = vector.load %arg1[%get3A_3, %get3A_4, %get3A_5] : memref<2x400x128xf32, #tpu.memory_space<vmem>>, vector<2x400x128xf32>
    %slice3A_7 = vector.extract_strided_slice %get3A_6 {offsets = [1, 0, 0], sizes = [1, 400, 128], strides = [1, 1, 1]} : vector<2x400x128xf32> to vector<1x400x128xf32>
    %squeeze3A_8 = vector.shape_cast %slice3A_7 : vector<1x400x128xf32> to vector<400x128xf32>
    %add3A = arith.addf %squeeze3A, %squeeze3A_8 : vector<400x128xf32>
    %get3A_9 = arith.constant 0 : index
    %get3A_10 = arith.constant 0 : index
    %get3A_11 = vector.load %arg2[%get3A_9, %get3A_10] : memref<400x128xf32, #tpu.memory_space<vmem>>, vector<400x128xf32>
    %add3A_12 = arith.addf %add3A, %get3A_11 : vector<400x128xf32>
    %get3A_13 = arith.constant 0 : index
    %get3A_14 = arith.constant 0 : index
    %get3A_15 = vector.load %arg3[%get3A_13, %get3A_14] : memref<400x1xf32, #tpu.memory_space<vmem>>, vector<400x1xf32>
    %mul3A = vector.broadcast %get3A_15 : vector<400x1xf32> to vector<400x128xf32>
    %mul3A_16 = arith.mulf %add3A_12, %mul3A : vector<400x128xf32>
    %get3A_17 = arith.constant 0 : index
    %get3A_18 = arith.constant 0 : index
    %get3A_19 = vector.load %arg4[%get3A_17, %get3A_18] : memref<128x16xf32, #tpu.memory_space<vmem>>, vector<128x16xf32>
    %dot_general3A = arith.constant dense<0.000000e+00> : vector<400x16xf32>
    %dot_general3A_20 = tpu.matmul %mul3A_16, %get3A_19, %dot_general3A {dimension_numbers = #tpu.dot_dimension_numbers<[1], [0], [0], [1], [0, 0, 1, 1], [], []>, transpose_lhs_hint = false} : vector<400x128xf32>, vector<128x16xf32>, vector<400x16xf32> -> vector<400x16xf32>
    %get3A_21 = arith.constant 0 : index
    %get3A_22 = arith.constant 0 : index
    %get3A_23 = vector.load %arg5[%get3A_21, %get3A_22] : memref<1x16xf32, #tpu.memory_space<vmem>>, vector<1x16xf32>
    %add3A_24 = vector.broadcast %get3A_23 : vector<1x16xf32> to vector<400x16xf32>
    %add3A_25 = arith.addf %dot_general3A_20, %add3A_24 : vector<400x16xf32>
    %max3A = arith.constant 0.000000e+00 : f32
    %max3A_26 = vector.broadcast %max3A : f32 to vector<400x16xf32>
    %max3A_27 = arith.maximumf %add3A_25, %max3A_26 : vector<400x16xf32>
    %get3A_28 = arith.constant 0 : index
    %get3A_29 = arith.constant 0 : index
    %get3A_30 = vector.load %arg6[%get3A_28, %get3A_29] : memref<128x16xf32, #tpu.memory_space<vmem>>, vector<128x16xf32>
    %dot_general3A_31 = arith.constant dense<0.000000e+00> : vector<400x16xf32>
    %dot_general3A_32 = tpu.matmul %mul3A_16, %get3A_30, %dot_general3A_31 {dimension_numbers = #tpu.dot_dimension_numbers<[1], [0], [0], [1], [0, 0, 1, 1], [], []>, transpose_lhs_hint = false} : vector<400x128xf32>, vector<128x16xf32>, vector<400x16xf32> -> vector<400x16xf32>
    %get3A_33 = arith.constant 0 : index
    %get3A_34 = arith.constant 0 : index
    %get3A_35 = vector.load %arg7[%get3A_33, %get3A_34] : memref<1x16xf32, #tpu.memory_space<vmem>>, vector<1x16xf32>
    %add3A_36 = vector.broadcast %get3A_35 : vector<1x16xf32> to vector<400x16xf32>
    %add3A_37 = arith.addf %dot_general3A_32, %add3A_36 : vector<400x16xf32>
    %max3A_38 = arith.constant 0.000000e+00 : f32
    %max3A_39 = vector.broadcast %max3A_38 : f32 to vector<400x16xf32>
    %max3A_40 = arith.maximumf %add3A_37, %max3A_39 : vector<400x16xf32>
    %get3A_41 = arith.constant 0 : index
    %get3A_42 = arith.constant 0 : index
    %get3A_43 = vector.load %arg8[%get3A_41, %get3A_42] : memref<400x16xf32, #tpu.memory_space<vmem>>, vector<400x16xf32>
    %exp3A = math.exp %max3A_40 : vector<400x16xf32>
    %mul3A_44 = arith.mulf %get3A_43, %exp3A : vector<400x16xf32>
    %add3A_45 = arith.addf %mul3A_44, %max3A_27 : vector<400x16xf32>
    %swap3A = arith.constant 0 : index
    %swap3A_46 = arith.constant 0 : index
    %swap3A_47 = vector.load %arg9[%swap3A, %swap3A_46] : memref<400x16xf32, #tpu.memory_space<vmem>>, vector<400x16xf32>
    tpu.vector_store %arg9[%swap3A, %swap3A_46], %add3A_45 {strides = array<i32>} : memref<400x16xf32, #tpu.memory_space<vmem>>, vector<400x16xf32>,
    return
  }
  func.func @transform_0(%arg0: i32) -> (i32, i32, i32) {
    %c0_i32 = arith.constant 0 : i32
    %c0_i32_0 = arith.constant 0 : i32
    %c0_i32_1 = arith.constant 0 : i32
    return %c0_i32, %arg0, %c0_i32_0 : i32, i32, i32
  }
  func.func @transform_1(%arg0: i32) -> (i32, i32) {
    %c0_i32 = arith.constant 0 : i32
    %c0_i32_0 = arith.constant 0 : i32
    return %arg0, %c0_i32 : i32, i32
  }
  func.func @transform_2(%arg0: i32) -> (i32, i32) {
    %c0_i32 = arith.constant 0 : i32
    %c0_i32_0 = arith.constant 0 : i32
    return %arg0, %c0_i32 : i32, i32
  }
  func.func @transform_3(%arg0: i32) -> (i32, i32) {
    %c0_i32 = arith.constant 0 : i32
    %c0_i32_0 = arith.constant 0 : i32
    %c0_i32_1 = arith.constant 0 : i32
    return %c0_i32, %c0_i32_0 : i32, i32
  }
  func.func @transform_4(%arg0: i32) -> (i32, i32) {
    %c0_i32 = arith.constant 0 : i32
    %c0_i32_0 = arith.constant 0 : i32
    %c0_i32_1 = arith.constant 0 : i32
    return %c0_i32, %c0_i32_0 : i32, i32
  }
  func.func @transform_5(%arg0: i32) -> (i32, i32) {
    %c0_i32 = arith.constant 0 : i32
    %c0_i32_0 = arith.constant 0 : i32
    %c0_i32_1 = arith.constant 0 : i32
    return %c0_i32, %c0_i32_0 : i32, i32
  }
  func.func @transform_6(%arg0: i32) -> (i32, i32) {
    %c0_i32 = arith.constant 0 : i32
    %c0_i32_0 = arith.constant 0 : i32
    %c0_i32_1 = arith.constant 0 : i32
    return %c0_i32, %c0_i32_0 : i32, i32
  }
  func.func @transform_7(%arg0: i32) -> (i32, i32) {
    %c0_i32 = arith.constant 0 : i32
    %c0_i32_0 = arith.constant 0 : i32
    return %arg0, %c0_i32 : i32, i32
  }
  func.func @transform_8(%arg0: i32) -> (i32, i32) {
    %c0_i32 = arith.constant 0 : i32
    %c0_i32_0 = arith.constant 0 : i32
    return %arg0, %c0_i32 : i32, i32
  }
}

module attributes {stable_mosaic.version = 14 : i64} {
  func.func @_k5_body(%arg0: i32, %arg1: i32, %arg2: memref<1024x16xf32, #tpu.memory_space<vmem>>, %arg3: memref<16x1024xf32, #tpu.memory_space<vmem>>, %arg4: memref<1024x1024xf32, #tpu.memory_space<vmem>>) attributes {dimension_semantics = [#tpu.dimension_semantics<arbitrary>, #tpu.dimension_semantics<arbitrary>], iteration_bounds = array<i64: 10, 10>, scalar_prefetch = 0 : i64, scratch_operands = 0 : i64, tpu.core_type = #tpu.core_type<tc>, window_params = [{transform_indices = @transform_0, window_bounds = array<i64: 1024, 16>}, {transform_indices = @transform_1, window_bounds = array<i64: 16, 1024>}, {transform_indices = @transform_2, window_bounds = array<i64: 1024, 1024>}]} {
    %mul3A = arith.constant 1024 : i32
    %mul3A_0 = arith.muli %arg0, %mul3A : i32
    %mul3A_1 = arith.constant 1024 : i32
    %mul3A_2 = arith.muli %arg1, %mul3A_1 : i32
    %add3A = arith.constant 1024 : i32
    %add3A_3 = arith.addi %mul3A_2, %add3A : i32
    %sub3A = arith.constant 1 : i32
    %sub3A_4 = arith.subi %add3A_3, %sub3A : i32
    %le3A = arith.cmpi sle, %sub3A_4, %mul3A_0 : i32
    %add3A_5 = arith.constant 1024 : i32
    %add3A_6 = arith.addi %mul3A_0, %add3A_5 : i32
    %sub3A_7 = arith.constant 1 : i32
    %sub3A_8 = arith.subi %add3A_6, %sub3A_7 : i32
    %lt3A = arith.cmpi slt, %sub3A_8, %mul3A_2 : i32
    %convert_element_type3A = arith.extui %le3A : i1 to i32
    %cond3A = arith.constant 0 : i32
    %cond3A_9 = arith.cmpi ne, %convert_element_type3A, %cond3A : i32
    scf.if %cond3A_9 {
      %broadcast_in_dim3A = arith.constant 0.000000e+00 : f32
      %broadcast_in_dim3A_17 = vector.broadcast %broadcast_in_dim3A : f32 to vector<1024x1024xf32>
      %swap3A = arith.constant 0 : index
      %swap3A_18 = arith.constant 0 : index
      %swap3A_19 = vector.load %arg4[%swap3A, %swap3A_18] : memref<1024x1024xf32, #tpu.memory_space<vmem>>, vector<1024x1024xf32>
      tpu.vector_store %arg4[%swap3A, %swap3A_18], %broadcast_in_dim3A_17 {strides = array<i32>} : memref<1024x1024xf32, #tpu.memory_space<vmem>>, vector<1024x1024xf32>,
    } else {
    }
    %convert_element_type3A_10 = arith.extui %lt3A : i1 to i32
    %cond3A_11 = arith.constant 0 : i32
    %cond3A_12 = arith.cmpi ne, %convert_element_type3A_10, %cond3A_11 : i32
    scf.if %cond3A_12 {
      %get3A = arith.constant 0 : index
      %get3A_17 = arith.constant 0 : index
      %get3A_18 = vector.load %arg2[%get3A, %get3A_17] : memref<1024x16xf32, #tpu.memory_space<vmem>>, vector<1024x16xf32>
      %get3A_19 = arith.constant 0 : index
      %get3A_20 = arith.constant 0 : index
      %get3A_21 = vector.load %arg3[%get3A_19, %get3A_20] : memref<16x1024xf32, #tpu.memory_space<vmem>>, vector<16x1024xf32>
      %dot_general3A = arith.constant dense<0.000000e+00> : vector<1024x1024xf32>
      %dot_general3A_22 = tpu.matmul %get3A_18, %get3A_21, %dot_general3A {dimension_numbers = #tpu.dot_dimension_numbers<[1], [0], [0], [1], [0, 0, 1, 1], [], []>, transpose_lhs_hint = false} : vector<1024x16xf32>, vector<16x1024xf32>, vector<1024x1024xf32> -> vector<1024x1024xf32>
      %logistic3A = arith.negf %dot_general3A_22 : vector<1024x1024xf32>
      %logistic3A_23 = math.exp %logistic3A : vector<1024x1024xf32>
      %logistic3A_24 = arith.constant 1.000000e+00 : f32
      %logistic3A_25 = vector.broadcast %logistic3A_24 : f32 to vector<1024x1024xf32>
      %logistic3A_26 = arith.addf %logistic3A_25, %logistic3A_23 : vector<1024x1024xf32>
      %logistic3A_27 = arith.divf %logistic3A_25, %logistic3A_26 : vector<1024x1024xf32>
      %swap3A = arith.constant 0 : index
      %swap3A_28 = arith.constant 0 : index
      %swap3A_29 = vector.load %arg4[%swap3A, %swap3A_28] : memref<1024x1024xf32, #tpu.memory_space<vmem>>, vector<1024x1024xf32>
      tpu.vector_store %arg4[%swap3A, %swap3A_28], %logistic3A_27 {strides = array<i32>} : memref<1024x1024xf32, #tpu.memory_space<vmem>>, vector<1024x1024xf32>,
    } else {
    }
    %or3A = arith.ori %le3A, %lt3A : i1
    %not3A = arith.constant true
    %not3A_13 = arith.xori %or3A, %not3A : i1
    %convert_element_type3A_14 = arith.extui %not3A_13 : i1 to i32
    %cond3A_15 = arith.constant 0 : i32
    %cond3A_16 = arith.cmpi ne, %convert_element_type3A_14, %cond3A_15 : i32
    scf.if %cond3A_16 {
      %get3A = arith.constant 0 : index
      %get3A_17 = arith.constant 0 : index
      %get3A_18 = vector.load %arg2[%get3A, %get3A_17] : memref<1024x16xf32, #tpu.memory_space<vmem>>, vector<1024x16xf32>
      %get3A_19 = arith.constant 0 : index
      %get3A_20 = arith.constant 0 : index
      %get3A_21 = vector.load %arg3[%get3A_19, %get3A_20] : memref<16x1024xf32, #tpu.memory_space<vmem>>, vector<16x1024xf32>
      %dot_general3A = arith.constant dense<0.000000e+00> : vector<1024x1024xf32>
      %dot_general3A_22 = tpu.matmul %get3A_18, %get3A_21, %dot_general3A {dimension_numbers = #tpu.dot_dimension_numbers<[1], [0], [0], [1], [0, 0, 1, 1], [], []>, transpose_lhs_hint = false} : vector<1024x16xf32>, vector<16x1024xf32>, vector<1024x1024xf32> -> vector<1024x1024xf32>
      %iota3A = tpu.iota {dimensions = array<i32: 0>} : vector<1024x1024xi32>
      %add3A_23 = vector.broadcast %mul3A_0 : i32 to vector<1024x1024xi32>
      %add3A_24 = arith.addi %add3A_23, %iota3A : vector<1024x1024xi32>
      %iota3A_25 = tpu.iota {dimensions = array<i32: 1>} : vector<1024x1024xi32>
      %add3A_26 = vector.broadcast %mul3A_2 : i32 to vector<1024x1024xi32>
      %add3A_27 = arith.addi %add3A_26, %iota3A_25 : vector<1024x1024xi32>
      %gt3A = arith.cmpi sgt, %add3A_27, %add3A_24 : vector<1024x1024xi32>
      %logistic3A = arith.negf %dot_general3A_22 : vector<1024x1024xf32>
      %logistic3A_28 = math.exp %logistic3A : vector<1024x1024xf32>
      %logistic3A_29 = arith.constant 1.000000e+00 : f32
      %logistic3A_30 = vector.broadcast %logistic3A_29 : f32 to vector<1024x1024xf32>
      %logistic3A_31 = arith.addf %logistic3A_30, %logistic3A_28 : vector<1024x1024xf32>
      %logistic3A_32 = arith.divf %logistic3A_30, %logistic3A_31 : vector<1024x1024xf32>
      %jit3A = arith.constant 0.000000e+00 : f32
      %broadcast_in_dim3A = vector.broadcast %jit3A : f32 to vector<1024x1024xf32>
      %select_n3A = arith.select %gt3A, %logistic3A_32, %broadcast_in_dim3A : vector<1024x1024xi1>, vector<1024x1024xf32>
      %swap3A = arith.constant 0 : index
      %swap3A_33 = arith.constant 0 : index
      %swap3A_34 = vector.load %arg4[%swap3A, %swap3A_33] : memref<1024x1024xf32, #tpu.memory_space<vmem>>, vector<1024x1024xf32>
      tpu.vector_store %arg4[%swap3A, %swap3A_33], %select_n3A {strides = array<i32>} : memref<1024x1024xf32, #tpu.memory_space<vmem>>, vector<1024x1024xf32>,
    } else {
    }
    return
  }
  func.func @transform_0(%arg0: i32, %arg1: i32) -> (i32, i32) {
    %c0_i32 = arith.constant 0 : i32
    %c0_i32_0 = arith.constant 0 : i32
    return %arg0, %c0_i32 : i32, i32
  }
  func.func @transform_1(%arg0: i32, %arg1: i32) -> (i32, i32) {
    %c0_i32 = arith.constant 0 : i32
    %c0_i32_0 = arith.constant 0 : i32
    return %c0_i32, %arg1 : i32, i32
  }
  func.func @transform_2(%arg0: i32, %arg1: i32) -> (i32, i32) {
    %c0_i32 = arith.constant 0 : i32
    return %arg0, %arg1 : i32, i32
  }
}

</mosaic_0001>

<sc_bundles>
// kernel: kernel.12.cloned.1.call-start
scs
__scs_entry_jumppad:
0x0: {  	(pc) =	sbr.rel $0x88, $3  }
0x1: {  	(tag) =	ssettag $0x0;
	lr =	simm.s32 $0x1  }
0x2: {  	[smem:$0x3F94] =	sst lr;
	_ =	strace $0xD0000000  }
0x3: {  	_ = 	snop  }
0x4: {  	_ = 	snop  }
0x5: {  	_ = 	snop  }
0x6: {  	_ = 	snop  }
0x7: {  	_ = 	snop  }
__scs_overlays_trampoline_lowered:
0x8: {  	[smem:$0x3FA3] =	sst s0  }
0x9: {  	[smem:$0x3FA4] =	sst s1  }
0xa: {  	[smem:$0x3FA5] =	sst s2  }
0xb: {  	[smem:$0x3FA6] =	sst s3  }
0xc: {  	[smem:$0x3FA7] =	sst s4  }
0xd: {  	[smem:$0x3FA8] =	sst s5  }
0xe: {  	[smem:$0x3FA9] =	sst s6  }
0xf: {  	[smem:$0x3FAA] =	sst s7  }
0x10: {  	[smem:$0x3FAB] =	sst s8  }
0x11: {  	[smem:$0x3FAC] =	sst s9;
	s0 =	simm.s32 @!p0 $0x0  }
0x12: {  	s1 =	sld [smem:$0x3F92];
	s0 =	simm.s32 @p0 $0x1  }
0x13: {  	[smem:$0x3FAD] =	sst s0;
	s0 =	simm.s32 @!p1 $0x0  }
0x14: {  	s2 =	sld [smem:$0x3F91];
	s0 =	simm.s32 @p1 $0x1  }
0x15: {  	[smem:$0x3FAE] =	sst s0;
	s0 =	simm.s32 @!p2 $0x0  }
0x16: {  	s3 =	sld [smem:$0x3FDB];
	s0 =	simm.s32 @p2 $0x1  }
0x17: {  	s4 =	simm.s32 $0x1BF5;
	[smem:$0x3FB0] =	sst s0  }
0x18: {  	s0 =	sld [smem:$0x3F93];
	_ =	swait.ge [sflag:s4], $0x0  }
0x19: {  	s7 =	sld [smem:$0x3F94]  }
0x1a: {  	s8 =	sadd.s32 $0xFFFFE003, lr  }
0x1b: {  	s9 =	sadd.s32 $0xFFFFFEF7, lr;
	s5 =	simm.s32 $0xFFFFFFFF;
	p2 =	slt.u32 s8, $0xFFFFF086  }
0x1c: {  	p1 =	slt.u32 s9, $0xF7A;
	s5 =	simm.s32 @!p2 $0x0  }
0x1d: {  	s5 =	simm.s32 @p1 $0x1;
	p0 =	seq.s32 s7, s2  }
0x1e: {  	s7 =	smul.u32 @!p0 $0xF7A, s2;
	p2 =	seq.s32 @!p0 s5, $0x0  }
0x1f: {  	s9 =	smul.u32 $0xF7A, s1;
	s8 =	simm.s32 @!p0 $0x1BF5;
	p2 =	por !p2, p0  }
0x20: {  	[sflag:s8] =	ssyncset.s32 @!p0 $0xFFFFF086;
	s6 =	sadd.s32 @!p0 s3, s7;
	s7 =	simm.s32 @!p0 $0x108  }
0x21: {  	s3 =	sadd.s32 s3, s9;
	s6 =	sadd.s32 @!p0 $0x88, s6;
	s7 =	simm.s32 @p2 $0x1082  }
0x22: {  	[simem:s7], [sflag:s8] =	dma.local @!p0 [hbm:s6], $0xF7A  }
0x23: {  	s9 =	sor.u32 $0xD0000000, s2;
	s6 =	simm.s32 $0x108;
	_ =	swait.ge @!p0 [sflag:s8], $0x0  }
0x24: {  	s3 =	sadd.s32 $0x88, s3;
	s6 =	simm.s32 @!p1 $0x1082;
	[sflag:s4] =	ssyncset.s32 $0xFFFFF086  }
0x25: {  	[simem:s6], [sflag:s4] =	dma.local [hbm:s3], $0xF7A  }
0x26: {  	[smem:$0x3F94] =	sst s1;
	(tag) =	ssettag s2;
	_ =	strace s9  }
0x27: {  	s1 =	sld [smem:$0x3FA4]  }
0x28: {  	s2 =	sld [smem:$0x3FA5]  }
0x29: {  	s4 =	sld [smem:$0x3FA7]  }
0x2a: {  	p0 =	seq.s32 s5, $0x0;
	s5 =	sld [smem:$0x3FA8]  }
0x2b: {  	s6 =	sld [smem:$0x3FA9]  }
0x2c: {  	s7 =	sld [smem:$0x3FAA]  }
0x2d: {  	s3 =	simm.s32 $0x108;
	s8 =	sld [smem:$0x3FAB]  }
0x2e: {  	s3 =	simm.s32 @!p0 $0x1082;
	s9 =	sld [smem:$0x3FAC]  }
0x2f: {  	lr =	sadd.s32 s0, s3;
	s0 =	sld [smem:$0x3FA3]  }
0x30: {  	s3 =	sld [smem:$0x3FA6]  }
0x31: {  	[smem:$0x3FAF] =	sst s10  }
0x32: {  	s10 =	sld [smem:$0x3FAD];
	_ =	sdelay $0x3  }
0x33: {  	p0 =	seq.s32 s10, $0x1;
	s10 =	sld [smem:$0x3FAF];
	_ =	sdelay $0x3  }
0x34: {  	[smem:$0x3FAF] =	sst s10  }
0x35: {  	s10 =	sld [smem:$0x3FAE];
	_ =	sdelay $0x3  }
0x36: {  	p1 =	seq.s32 s10, $0x1;
	s10 =	sld [smem:$0x3FAF];
	_ =	sdelay $0x3  }
0x37: {  	[smem:$0x3FAF] =	sst s10  }
0x38: {  	s10 =	sld [smem:$0x3FB0]  }
0x39: {  	_ = 	snop;
	(pc) =	sbr.ind lr, $3  }
0x3a: {  	_ = 	snop  }
0x3b: {  	_ = 	snop  }
0x3c: {  	p2 =	seq.s32 s10, $0x1;
	s10 =	sld [smem:$0x3FAF]  }
0x3d: {  	_ =	shalt  }
0x3e: {  	_ =	shalt  }
0x3f: {  	_ =	shalt  }
0x40: {  	_ =	shalt  }
0x41: {  	_ =	shalt  }
0x42: {  	_ =	shalt  }
0x43: {  	_ =	shalt  }
0x44: {  	_ =	shalt  }
0x45: {  	_ =	shalt  }
0x46: {  	_ =	shalt  }
0x47: {  	_ =	shalt  }
0x48: {  	_ =	shalt  }
0x49: {  	_ =	shalt  }
0x4a: {  	_ =	shalt  }
0x4b: {  	_ =	shalt  }
0x4c: {  	_ =	shalt  }
0x4d: {  	_ =	shalt  }
0x4e: {  	_ =	shalt  }
0x4f: {  	_ =	shalt  }
0x50: {  	_ =	shalt  }
0x51: {  	_ =	shalt  }
0x52: {  	_ =	shalt  }
0x53: {  	_ =	shalt  }
0x54: {  	_ =	shalt  }
0x55: {  	_ =	shalt  }
0x56: {  	_ =	shalt  }
0x57: {  	_ =	shalt  }
0x58: {  	_ =	shalt  }
0x59: {  	_ =	shalt  }
0x5a: {  	_ =	shalt  }
0x5b: {  	_ =	shalt  }
0x5c: {  	_ =	shalt  }
0x5d: {  	_ =	shalt  }
0x5e: {  	_ =	shalt  }
0x5f: {  	_ =	shalt  }
0x60: {  	_ =	shalt  }
0x61: {  	_ =	shalt  }
0x62: {  	_ =	shalt  }
0x63: {  	_ =	shalt  }
0x64: {  	_ =	shalt  }
0x65: {  	_ =	shalt  }
0x66: {  	_ =	shalt  }
0x67: {  	_ =	shalt  }
0x68: {  	_ =	shalt  }
0x69: {  	_ =	shalt  }
0x6a: {  	_ =	shalt  }
0x6b: {  	_ =	shalt  }
0x6c: {  	_ =	shalt  }
0x6d: {  	_ =	shalt  }
0x6e: {  	_ =	shalt  }
0x6f: {  	_ =	shalt  }
0x70: {  	_ =	shalt  }
0x71: {  	_ =	shalt  }
0x72: {  	_ =	shalt  }
0x73: {  	_ =	shalt  }
0x74: {  	_ =	shalt  }
0x75: {  	_ =	shalt  }
0x76: {  	_ =	shalt  }
0x77: {  	_ =	shalt  }
0x78: {  	_ =	shalt  }
0x79: {  	_ =	shalt  }
0x7a: {  	_ =	shalt  }
0x7b: {  	_ =	shalt  }
0x7c: {  	_ =	shalt  }
0x7d: {  	_ =	shalt  }
0x7e: {  	_ =	shalt  }
0x7f: {  	_ =	shalt  }
0x80: {  	_ =	shalt  }
0x81: {  	_ =	shalt  }
0x82: {  	_ =	shalt  }
0x83: {  	_ =	shalt  }
0x84: {  	_ =	shalt  }
0x85: {  	_ =	shalt  }
0x86: {  	_ =	shalt  }
0x87: {  	_ =	shalt  }
.Lfunc_end0:
.L_simem_size_0:
called_computation_lowered:
.L_overlay_start_0:
0x88: {  	s2 =	sld [smem:$0x3FD9]  }
0x89: {  	s3 =	sld [smem:$0x3FFE];
	_ =	sdelay $0x1  }
0x8a: {  	s1 =	srdreg.scid  }
0x8b: {  	s0 =	sand.u32 $0x1, s1  }
0x8c: {  	s17 =	sshll.u32 s0, $0xA;
	s2 =	sadd.s32 s3, s2  }
0x8d: {  	s2 =	sadd.s32 s2, s17  }
0x8e: {  	[smem:$0x3FBB] =	sst s2  }
0x8f: {  	_ = 	snop  }
0x90: {  	s2 =	sld [smem:$0x3FD0];
	(tm) =	ssettm $0x1  }
0x91: {  	s18 =	sld [smem:$0x3FFB];
	_ =	sdelay $0x3  }
0x92: {  	_ =	strace s18  }
0x93: {  	s3 =	sld [smem:$0x3FFC];
	_ =	sdelay $0x3  }
0x94: {  	_ =	strace s3  }
0x95: {  	s3 =	sld [smem:$0x3FFD];
	_ =	sdelay $0x3  }
0x96: {  	_ =	strace s3  }
0x97: {  	_ =	strace $0x8FFFFFFF  }
0x98: {  	s19 =	sld [smem:$0x3FDB];
	_ =	sdelay $0x1  }
0x99: {  	s4 =	simm.s32 $_scs_section_size  }
0x9a: {  	s5 =	simm.s32 $_size__tile_overlayer_lowered;
	s6 =	simm.s32 $_tile_overlayer_lowered  }
0x9b: {  	s22 =	simm.s32 $0x1BFF;
	s21 =	sshll.u32 s6, $0x1;
	s3 =	sadd.s32 s4, s19  }
0x9c: {  	s7 =	simm.s32 $0x0;
	s20 =	sshll.u32 s5, $0x1;
	s5 =	sadd.s32 s21, s3  }
0x9d: {  	[timem:s7], [sflag:s22] =	dma.local [hbm:s5], s20  }
0x9e: {  	_ =	swait.ge [sflag:s22], s20  }
0x9f: {  	s4 =	ssub.s32 $0x0, s20;
	[sflag:s22] =	ssyncset.done $0x0  }
0xa0: {  	[sflag:s22] =	ssyncadd.s32 s4;
	_ =	sdelay $0x1  }
0xa1: {  	s23 =	simm.s32 $0x1B8B  }
0xa2: {  	_ =	swait.ge [sflag:s23], $0x1  }
0xa3: {  	[sflag:s23] =	ssyncset.done $0x0  }
0xa4: {  	s25 =	simm.s32 $0x1B8E;
	s24 =	sld [smem:$0x3FFE];
	[sflag:s23] =	ssyncadd.s32 $0xFFFFFFFF  }
0xa5: {  	s26 =	simm.s32 $execute0_lowered;
	[smem:$0x3FD2] =	sst s25  }
0xa6: {  	s5 =	sshll.u32 s26, $0x1;
	_ =	strace $0x80000046;
	[dreg:$0x1] =	wrdreg $0xFFFFFFFF  }
0xa7: {  	s28 =	simm.s32 $_size_execute0_lowered;
	s3 =	sadd.s32 s3, s5;
	[dreg:$0x0] =	wrdreg $0x0  }
0xa8: {  	s5 =	sshll.u32 s28, $0x1;
	[dreg:$0x2] =	wrdreg s3  }
0xa9: {  	[dreg:$0x3] =	wrdreg s5  }
0xaa: {  	[dreg:$0x4] =	wrdreg $0xC0  }
0xab: {  	_ =	task [dreg:s7], $0x5FFFF  }
0xac: {  	[dreg:$0x1] =	wrdreg $0xFFFFFFFF  }
0xad: {  	[dreg:$0x0] =	wrdreg $0x60  }
0xae: {  	[dreg:$0x2] =	wrdreg s24  }
0xaf: {  	[dreg:$0x3] =	wrdreg s2  }
0xb0: {  	[dreg:$0x4] =	wrdreg $0x3000  }
0xb1: {  	[dreg:$0x5] =	wrdreg $0x9  }
0xb2: {  	_ =	task.clear_ibuf [dreg:s7], $0x6FFFF;
	_ =	strace $0x90000046  }
0xb3: {  	s29 =	simm.s32 $0x9;
	_ =	strace $0x80000048  }
0xb4: {  	_ =	swait.ge [sflag:s29], $0x1  }
0xb5: {  	[sflag:s29] =	ssyncadd.s32 $0xFFFFFFFF  }
0xb6: {  	_ =	strace $0x90000048  }
0xb7: {  	_ =	sfence  }
0xb8: {  	s30 =	sld [smem:$0x0];
	_ =	sdelay $0x2  }
0xb9: {  	s31 =	sshll.u32 s1, $0xD;
	s1 =	sshrl.u32 s1, $0x2  }
0xba: {  	s3 =	sand.u32 $0x4000, s31;
	s1 =	sadd.s32 s1, s30  }
0xbb: {  	s0 =	sor.u32 s3, s0;
	s1 =	sshll.u32 s1, $0x11  }
0xbc: {  	s0 =	sor.u32 s1, s0  }
0xbd: {  	s0 =	sadd.s32 $0x8F2B, s0  }
0xbe: {  	[sflag:s0] =	ssyncadd.remote.s32 $0x1  }
0xbf: {  	_ =	sfence.sel $0xFFFF  }
0xc0: {  	[dreg:$0x0] =	wrdreg $0xFFFFFFFF;
	(pc) =	sbr.abs _section_cstart, $3  }
0xc1: {  	[dreg:$0x1] =	wrdreg $0xFFFFFFFF  }
0xc2: {  	_ =	task.clear_ibuf [dreg:s7], $0x2FFFF;
	_ =	strace $0x9FFFFFFF  }
0xc3: {  	(tm) =	ssettm $0x7FFFFFFF  }
tec
execute0_lowered:
.L_overlay_start_1:
0x0: {  	(tag) =	ssettag $0x1  }
0x1: {  	s3 =	rddreg [dreg:$0x0]  }
0x2: {  	s4 =	rddreg [dreg:$0x1]  }
0x3: {  	s1 =	rddreg [dreg:$0x2]  }
0x4: {  	s0 =	rddreg [dreg:$0x3];
	s2 =	simm.s32 $0x0  }
0x5: {  	s5 =	srdreg.scid;
	s10 =	stileid.u32;
	s14 =	simm.s32 $0x180  }
0x6: {  	s15 =	simm.s32 $0x200;
	s16 =	simm.s32 $0x1;
	s17 =	simm.s32 $0x28  }
0x7: {  	s18 =	simm.s32 $0x280;
	s19 =	simm.s32 $0x6;
	s20 =	simm.s32 $0x2  }
0x8: {  	s21 =	simm.s32 $0x3;
	s22 =	simm.s32 $0x4;
	s23 =	simm.s32 $0x5  }
0x9: {  	s24 =	simm.s32 $0x0;
	[smem:$0x7FF] =	sst s2;
	s5 =	sand.u32 $0x1, s5  }
0xa: {  	s11 =	sadd.s32 $0xD200, s3;
	s8 =	smul.u32 $0x2710, s10;
	s3 =	sadd.s32 $0x17000, s3  }
0xb: {  	p0 =	sne.s32 s10, $0x0;
	s6 =	smul.u32 $0x27100, s5;
	s7 =	ssub.s32 $0x2, s5  }
0xc: {  	_ =	strace $0x80000047;
	s5 =	sshll.u32 s5, $0x4;
	s9 =	sshrl.u32 s7, $0x1  }
0xd: {  	s4 =	sadd.s32 s4, s5;
	s7 =	ssub.s32 s7, s9;
	s29 =	sadd.s32 s8, s6  }
0xe: {  	s5 =	smax.u32 s7, $0x1;
	s6 =	sshrl.u32 s29, $0x3;
	s30 =	sadd.s32 $0xA0, s29  }
0xf: {  	s8 =	sadd.s32 $0x78, s29;
	s12 =	sadd.s32 $0x50, s29;
	s13 =	sadd.s32 $0x28, s29  }
0x10: {  	s6 =	sadd.s32 s6, s11;
	s7 =	sshrl.u32 s30, $0x3;
	s8 =	sshrl.u32 s8, $0x3  }
0x11: {  	s12 =	sshrl.u32 s12, $0x3;
	s31 =	sshrl.u32 s13, $0x3;
	s13 =	simm.s32 $0x100  }
0x12: {  	s7 =	sadd.s32 s7, s11;
	s8 =	sadd.s32 s8, s11;
	s9 =	sadd.s32 s12, s11  }
0x13: {  	v0 =	vimm.f32 $1.000000000e+00;
	s10 =	sadd.s32 s31, s11;
	s11 =	sshrl.u32 @!p0 s1, $0x3;
	s12 =	simm.s32 $0x80  }
.LBB2_1:
0x14: {  	[tilespmem:$0x280] =	vst v0  }
0x15: {  	[tilespmem:$0x290] =	vst v0  }
0x16: {  	[tilespmem:$0x2A0] =	vst v0;
	s25 =	simm.s32 @!p0 $0x1C06  }
0x17: {  	[spmem:s11], [sflag:s25] =	dma.local @!p0 [hbm:s3], $0x4F0  }
0x18: {  	s25 =	simm.s32 @!p0 $0x6  }
0x19: {  	_ =	swait.ge @!p0 [sflag:s25], $0x4F0  }
0x1a: {  	[sflag:s25] =	ssyncset.done @!p0 $0x0  }
0x1b: {  	[sflag:s25] =	ssyncadd.s32 @!p0 $0xFFFFFB10  }
0x1c: {  	s31 =	sadd.s32 $0x0, s6;
	[bflag:$0x0] =	sbarrier.arrive $0xFFFF  }
0x1d: {  	[tilespmem:s2], [sflag:$0x1] =	stream.linear.gather [hbm4b:s31+s2], $0x28, $0x38;
	[tilespmem:$0x578] =	vst v63  }
0x1e: {  	s26 =	sadd.s32 $0x0, s10  }
0x1f: {  	[tilespmem:s12], [sflag:$0x2] =	stream.linear.gather [hbm4b:s26+s2], $0x28, $0x38;
	[tilespmem:$0x578] =	vst v63  }
0x20: {  	s29 =	sadd.s32 $0x0, s9  }
0x21: {  	[tilespmem:s13], [sflag:$0x3] =	stream.linear.gather [hbm4b:s29+s2], $0x28, $0x38;
	[tilespmem:$0x578] =	vst v63  }
0x22: {  	s30 =	sadd.s32 $0x0, s8  }
0x23: {  	[tilespmem:s14], [sflag:$0x4] =	stream.linear.gather [hbm4b:s30+s2], $0x28, $0x38;
	[tilespmem:$0x578] =	vst v63  }
0x24: {  	s31 =	sadd.s32 $0x0, s7  }
0x25: {  	[tilespmem:s15], [sflag:$0x5] =	stream.linear.gather [hbm4b:s31+s2], $0x28, $0x38;
	[tilespmem:$0x578] =	vst v63  }
0x26: {  	_ =	swait.ge [sflag:s16], $0x28  }
0x27: {  	[sflag:s16] =	ssyncset.done $0x0  }
0x28: {  	[sflag:s16] =	ssyncadd.s32 $0xFFFFFFD8  }
0x29: {  	[spmem:s1] =	stream.indirect.scatter.add.f32 [tilespmem:s18], [sflag:$0x6], $0x1, s2, s17, $0xb8;
	[tilespmem:$0x578] =	vst v63  }
0x2a: {  	_ =	swait.ge [sflag:s19], $0x28  }
0x2b: {  	[sflag:s19] =	ssyncset.done $0x0  }
0x2c: {  	[sflag:s19] =	ssyncadd.s32 $0xFFFFFFD8  }
0x2d: {  	_ =	swait.ge [sflag:s20], $0x28  }
0x2e: {  	[sflag:s20] =	ssyncset.done $0x0  }
0x2f: {  	[sflag:s20] =	ssyncadd.s32 $0xFFFFFFD8  }
0x30: {  	[spmem:s1] =	stream.indirect.scatter.add.f32 [tilespmem:s18], [sflag:$0x6], $0x1, s12, s17, $0xb8;
	[tilespmem:$0x578] =	vst v63  }
0x31: {  	_ =	swait.ge [sflag:s19], $0x28  }
0x32: {  	[sflag:s19] =	ssyncset.done $0x0  }
0x33: {  	[sflag:s19] =	ssyncadd.s32 $0xFFFFFFD8  }
0x34: {  	_ =	swait.ge [sflag:s21], $0x28  }
0x35: {  	[sflag:s21] =	ssyncset.done $0x0  }
0x36: {  	[sflag:s21] =	ssyncadd.s32 $0xFFFFFFD8  }
0x37: {  	[spmem:s1] =	stream.indirect.scatter.add.f32 [tilespmem:s18], [sflag:$0x6], $0x1, s13, s17, $0xb8;
	[tilespmem:$0x578] =	vst v63  }
0x38: {  	_ =	swait.ge [sflag:s19], $0x28  }
0x39: {  	[sflag:s19] =	ssyncset.done $0x0  }
0x3a: {  	[sflag:s19] =	ssyncadd.s32 $0xFFFFFFD8  }
0x3b: {  	_ =	swait.ge [sflag:s22], $0x28  }
0x3c: {  	[sflag:s22] =	ssyncset.done $0x0  }
0x3d: {  	[sflag:s22] =	ssyncadd.s32 $0xFFFFFFD8  }
0x3e: {  	[spmem:s1] =	stream.indirect.scatter.add.f32 [tilespmem:s18], [sflag:$0x6], $0x1, s14, s17, $0xb8;
	[tilespmem:$0x578] =	vst v63  }
0x3f: {  	_ =	swait.ge [sflag:s19], $0x28  }
0x40: {  	[sflag:s19] =	ssyncset.done $0x0  }
0x41: {  	[sflag:s19] =	ssyncadd.s32 $0xFFFFFFD8  }
0x42: {  	_ =	swait.ge [sflag:s23], $0x28  }
0x43: {  	[sflag:s23] =	ssyncset.done $0x0  }
0x44: {  	[sflag:s23] =	ssyncadd.s32 $0xFFFFFFD8  }
0x45: {  	[spmem:s1] =	stream.indirect.scatter.add.f32 [tilespmem:s18], [sflag:$0x6], $0x1, s15, s17, $0xb8;
	[tilespmem:$0x578] =	vst v63  }
0x46: {  	_ =	swait.ge [sflag:s19], $0x28  }
0x47: {  	s28 =	simm.s32 $0x32;
	s25 =	simm.s32 $0x19;
	[sflag:s19] =	ssyncset.done $0x0  }
.LBB2_2:
0x48: {  	s29 =	sadd.s32 s25, s6  }
0x49: {  	[sflag:s19] =	ssyncadd.s32 $0xFFFFFFD8;
	s30 =	smov.u32 s28;
	s26 =	sadd.s32 $0x19, s28  }
0x4a: {  	[tilespmem:s2], [sflag:$0x1] =	stream.linear.gather [hbm4b:s29+s2], $0x28, $0x38;
	[tilespmem:$0x578] =	vst v63  }
0x4b: {  	p1 =	sne.s32 s28, $0x4C9;
	s28 =	sadd.s32 s25, s10  }
0x4c: {  	[tilespmem:s12], [sflag:$0x2] =	stream.linear.gather [hbm4b:s28+s2], $0x28, $0x38;
	[tilespmem:$0x578] =	vst v63  }
0x4d: {  	s28 =	sadd.s32 s25, s9  }
0x4e: {  	[tilespmem:s13], [sflag:$0x3] =	stream.linear.gather [hbm4b:s28+s2], $0x28, $0x38;
	[tilespmem:$0x578] =	vst v63  }
0x4f: {  	s28 =	sadd.s32 s25, s8  }
0x50: {  	[tilespmem:s14], [sflag:$0x4] =	stream.linear.gather [hbm4b:s28+s2], $0x28, $0x38;
	[tilespmem:$0x578] =	vst v63  }
0x51: {  	s28 =	sadd.s32 s25, s7;
	s25 =	smov.u32 s30  }
0x52: {  	[tilespmem:s15], [sflag:$0x5] =	stream.linear.gather [hbm4b:s28+s2], $0x28, $0x38;
	[tilespmem:$0x578] =	vst v63  }
0x53: {  	_ =	swait.ge [sflag:s16], $0x28  }
0x54: {  	[sflag:s16] =	ssyncset.done $0x0  }
0x55: {  	[sflag:s16] =	ssyncadd.s32 $0xFFFFFFD8  }
0x56: {  	[spmem:s1] =	stream.indirect.scatter.add.f32 [tilespmem:s18], [sflag:$0x6], $0x1, s2, s17, $0xb8;
	[tilespmem:$0x578] =	vst v63  }
0x57: {  	_ =	swait.ge [sflag:s19], $0x28  }
0x58: {  	[sflag:s19] =	ssyncset.done $0x0  }
0x59: {  	[sflag:s19] =	ssyncadd.s32 $0xFFFFFFD8  }
0x5a: {  	_ =	swait.ge [sflag:s20], $0x28  }
0x5b: {  	[sflag:s20] =	ssyncset.done $0x0  }
0x5c: {  	[sflag:s20] =	ssyncadd.s32 $0xFFFFFFD8  }
0x5d: {  	[spmem:s1] =	stream.indirect.scatter.add.f32 [tilespmem:s18], [sflag:$0x6], $0x1, s12, s17, $0xb8;
	[tilespmem:$0x578] =	vst v63  }
0x5e: {  	_ =	swait.ge [sflag:s19], $0x28  }
0x5f: {  	[sflag:s19] =	ssyncset.done $0x0  }
0x60: {  	[sflag:s19] =	ssyncadd.s32 $0xFFFFFFD8  }
0x61: {  	_ =	swait.ge [sflag:s21], $0x28  }
0x62: {  	[sflag:s21] =	ssyncset.done $0x0  }
0x63: {  	[sflag:s21] =	ssyncadd.s32 $0xFFFFFFD8  }
0x64: {  	[spmem:s1] =	stream.indirect.scatter.add.f32 [tilespmem:s18], [sflag:$0x6], $0x1, s13, s17, $0xb8;
	[tilespmem:$0x578] =	vst v63  }
0x65: {  	_ =	swait.ge [sflag:s19], $0x28  }
0x66: {  	[sflag:s19] =	ssyncset.done $0x0  }
0x67: {  	[sflag:s19] =	ssyncadd.s32 $0xFFFFFFD8  }
0x68: {  	_ =	swait.ge [sflag:s22], $0x28  }
0x69: {  	[sflag:s22] =	ssyncset.done $0x0  }
0x6a: {  	[sflag:s22] =	ssyncadd.s32 $0xFFFFFFD8  }
0x6b: {  	[spmem:s1] =	stream.indirect.scatter.add.f32 [tilespmem:s18], [sflag:$0x6], $0x1, s14, s17, $0xb8;
	[tilespmem:$0x578] =	vst v63  }
0x6c: {  	_ =	swait.ge [sflag:s19], $0x28  }
0x6d: {  	[sflag:s19] =	ssyncset.done $0x0  }
0x6e: {  	[sflag:s19] =	ssyncadd.s32 $0xFFFFFFD8  }
0x6f: {  	_ =	swait.ge [sflag:s23], $0x28  }
.Ltmp0:
0x70: {  	[sflag:s23] =	ssyncset.done $0x0;
	(pc) =	sbr.rel @p1 .LBB2_2-.Ltmp0, $4  }
0x71: {  	[sflag:s23] =	ssyncadd.s32 $0xFFFFFFD8  }
0x72: {  	[spmem:s1] =	stream.indirect.scatter.add.f32 [tilespmem:s18], [sflag:$0x6], $0x1, s15, s17, $0xb8;
	[tilespmem:$0x578] =	vst v63  }
0x73: {  	_ =	swait.ge [sflag:s19], $0x28  }
0x74: {  	s28 =	smov.u32 s26;
	[sflag:s19] =	ssyncset.done $0x0  }
0x75: {  	s26 =	sadd.s32 s25, s6;
	[sflag:s19] =	ssyncadd.s32 $0xFFFFFFD8  }
0x76: {  	[tilespmem:s2], [sflag:$0x1] =	stream.linear.gather [hbm4b:s26+s2], $0x28, $0x38;
	[tilespmem:$0x578] =	vst v63  }
0x77: {  	s28 =	sadd.s32 s25, s10  }
0x78: {  	[tilespmem:s12], [sflag:$0x2] =	stream.linear.gather [hbm4b:s28+s2], $0x28, $0x38;
	[tilespmem:$0x578] =	vst v63  }
0x79: {  	s29 =	sadd.s32 s25, s9  }
0x7a: {  	[tilespmem:s13], [sflag:$0x3] =	stream.linear.gather [hbm4b:s29+s2], $0x28, $0x38;
	[tilespmem:$0x578] =	vst v63  }
0x7b: {  	s30 =	sadd.s32 s25, s8  }
0x7c: {  	[tilespmem:s14], [sflag:$0x4] =	stream.linear.gather [hbm4b:s30+s2], $0x28, $0x38;
	[tilespmem:$0x578] =	vst v63  }
0x7d: {  	s31 =	sadd.s32 s25, s7  }
0x7e: {  	[tilespmem:s15], [sflag:$0x5] =	stream.linear.gather [hbm4b:s31+s2], $0x28, $0x38;
	[tilespmem:$0x578] =	vst v63  }
0x7f: {  	_ =	swait.ge [sflag:s16], $0x28  }
0x80: {  	[sflag:s16] =	ssyncset.done $0x0  }
0x81: {  	[sflag:s16] =	ssyncadd.s32 $0xFFFFFFD8  }
0x82: {  	[spmem:s1] =	stream.indirect.scatter.add.f32 [tilespmem:s18], [sflag:$0x6], $0x1, s2, s17, $0xb8;
	[tilespmem:$0x578] =	vst v63  }
0x83: {  	_ =	swait.ge [sflag:s19], $0x28  }
0x84: {  	[sflag:s19] =	ssyncset.done $0x0  }
0x85: {  	[sflag:s19] =	ssyncadd.s32 $0xFFFFFFD8  }
0x86: {  	_ =	swait.ge [sflag:s20], $0x28  }
0x87: {  	[sflag:s20] =	ssyncset.done $0x0  }
0x88: {  	[sflag:s20] =	ssyncadd.s32 $0xFFFFFFD8  }
0x89: {  	[spmem:s1] =	stream.indirect.scatter.add.f32 [tilespmem:s18], [sflag:$0x6], $0x1, s12, s17, $0xb8;
	[tilespmem:$0x578] =	vst v63  }
0x8a: {  	_ =	swait.ge [sflag:s19], $0x28  }
0x8b: {  	[sflag:s19] =	ssyncset.done $0x0  }
0x8c: {  	[sflag:s19] =	ssyncadd.s32 $0xFFFFFFD8  }
0x8d: {  	_ =	swait.ge [sflag:s21], $0x28  }
0x8e: {  	[sflag:s21] =	ssyncset.done $0x0  }
0x8f: {  	[sflag:s21] =	ssyncadd.s32 $0xFFFFFFD8  }
0x90: {  	[spmem:s1] =	stream.indirect.scatter.add.f32 [tilespmem:s18], [sflag:$0x6], $0x1, s13, s17, $0xb8;
	[tilespmem:$0x578] =	vst v63  }
0x91: {  	_ =	swait.ge [sflag:s19], $0x28  }
0x92: {  	[sflag:s19] =	ssyncset.done $0x0  }
0x93: {  	[sflag:s19] =	ssyncadd.s32 $0xFFFFFFD8  }
0x94: {  	_ =	swait.ge [sflag:s22], $0x28  }
0x95: {  	[sflag:s22] =	ssyncset.done $0x0  }
0x96: {  	[sflag:s22] =	ssyncadd.s32 $0xFFFFFFD8  }
0x97: {  	[spmem:s1] =	stream.indirect.scatter.add.f32 [tilespmem:s18], [sflag:$0x6], $0x1, s14, s17, $0xb8;
	[tilespmem:$0x578] =	vst v63  }
0x98: {  	_ =	swait.ge [sflag:s19], $0x28  }
0x99: {  	[sflag:s19] =	ssyncset.done $0x0  }
0x9a: {  	[sflag:s19] =	ssyncadd.s32 $0xFFFFFFD8  }
0x9b: {  	_ =	swait.ge [sflag:s23], $0x28  }
0x9c: {  	[sflag:s23] =	ssyncset.done $0x0  }
0x9d: {  	[sflag:s23] =	ssyncadd.s32 $0xFFFFFFD8  }
0x9e: {  	[spmem:s1] =	stream.indirect.scatter.add.f32 [tilespmem:s18], [sflag:$0x6], $0x1, s15, s17, $0xb8;
	[tilespmem:$0x578] =	vst v63  }
0x9f: {  	_ =	swait.ge [sflag:s19], $0x28  }
0xa0: {  	s25 =	simm.s32 @!p0 $0x1;
	s24 =	sadd.s32 $0x1, s24;
	[sflag:s19] =	ssyncset.done $0x0  }
0xa1: {  	s26 =	simm.s32 @!p0 $0x20;
	p1 =	sne.s32 s24, s5;
	[sflag:s19] =	ssyncadd.s32 $0xFFFFFFD8  }
0xa2: {  	s28 =	simm.s32 @!p0 $0x10;
	s29 =	simm.s32 @!p0 $0x1C06;
	[bflag:$0x0] =	sbarrier.arrive $0xFFFF  }
0xa3: {  	[hbm:s4@s26], [sflag:s29] =	dma.strided @!p0 [spmem:s11@s28], $0x4F0, s25, $0x10   }
.Ltmp1:
0xa4: {  	_ = 	snop;
	(pc) =	sbr.rel @p1 .LBB2_1-.Ltmp1, $4  }
0xa5: {  	s25 =	simm.s32 @!p0 $0x6  }
0xa6: {  	_ =	swait.ge @!p0 [sflag:s25], $0x4F0  }
0xa7: {  	[sflag:s25] =	ssyncset.done @!p0 $0x0  }
0xa8: {  	[sflag:s25] =	ssyncadd.s32 @!p0 $0xFFFFFB10  }
0xa9: {  	_ =	sfence.sel $0x180000  }
0xaa: {  	[bflag:$0x0] =	sbarrier.arrive $0xFFFF  }
0xab: {  	_ =	strace $0x90000047  }
0xac: {  	s0 =	sadd.s32 @!p0 $0x100000, s0;
	[bflag:$0x2] =	sbarrier.arrive $0xFFFF  }
0xad: {  	[sflag:s0] =	ssyncadd.tile.s32 @!p0 $0x1;
	_ =	shalt  }
.Lfunc_end2:
_tile_overlayer_lowered:
.L_overlay_start_2:
0xae: {  	(tag) =	ssettag $0x2  }
0xaf: {  	s0 =	rddreg [dreg:$0x0];
	s2 =	stileid.u32  }
0xb0: {  	s1 =	rddreg [dreg:$0x1];
	p0 =	sne.s32 s2, $0x0  }
0xb1: {  	s3 =	rddreg [dreg:$0x2];
	[bflag:$0x3] =	sbarrier.arrive $0xFFFF;
	s2 =	simm.s32 @!p0 $0x1C06  }
0xb2: {  	[timem:s3], [sflag:s2] =	dma.local @!p0 [hbm:s0], s1  }
0xb3: {  	s0 =	simm.s32 @!p0 $0x6  }
0xb4: {  	_ =	swait.ge @!p0 [sflag:s0], s1  }
0xb5: {  	s1 =	ssub.s32 @!p0 $0x0, s1;
	[sflag:s0] =	ssyncset.done @!p0 $0x0  }
0xb6: {  	[sflag:s0] =	ssyncadd.s32 @!p0 s1  }
0xb7: {  	[bflag:$0x3] =	sbarrier.arrive $0xFFFF  }
0xb8: {  	_ =	shalt  }

// kernel: kernel.15.cloned.1.call-start
scs
__scs_entry_jumppad:
0x0: {  	(pc) =	sbr.rel $0x88, $3  }
0x1: {  	(tag) =	ssettag $0x0;
	lr =	simm.s32 $0x1  }
0x2: {  	[smem:$0x3F94] =	sst lr;
	_ =	strace $0xD0000000  }
0x3: {  	_ = 	snop  }
0x4: {  	_ = 	snop  }
0x5: {  	_ = 	snop  }
0x6: {  	_ = 	snop  }
0x7: {  	_ = 	snop  }
__scs_overlays_trampoline_lowered:
0x8: {  	[smem:$0x3FA3] =	sst s0  }
0x9: {  	[smem:$0x3FA4] =	sst s1  }
0xa: {  	[smem:$0x3FA5] =	sst s2  }
0xb: {  	[smem:$0x3FA6] =	sst s3  }
0xc: {  	[smem:$0x3FA7] =	sst s4  }
0xd: {  	[smem:$0x3FA8] =	sst s5  }
0xe: {  	[smem:$0x3FA9] =	sst s6  }
0xf: {  	[smem:$0x3FAA] =	sst s7  }
0x10: {  	[smem:$0x3FAB] =	sst s8  }
0x11: {  	[smem:$0x3FAC] =	sst s9;
	s0 =	simm.s32 @!p0 $0x0  }
0x12: {  	s1 =	sld [smem:$0x3F92];
	s0 =	simm.s32 @p0 $0x1  }
0x13: {  	[smem:$0x3FAD] =	sst s0;
	s0 =	simm.s32 @!p1 $0x0  }
0x14: {  	s2 =	sld [smem:$0x3F91];
	s0 =	simm.s32 @p1 $0x1  }
0x15: {  	[smem:$0x3FAE] =	sst s0;
	s0 =	simm.s32 @!p2 $0x0  }
0x16: {  	s3 =	sld [smem:$0x3FDB];
	s0 =	simm.s32 @p2 $0x1  }
0x17: {  	s4 =	simm.s32 $0x1BF5;
	[smem:$0x3FB0] =	sst s0  }
0x18: {  	s0 =	sld [smem:$0x3F93];
	_ =	swait.ge [sflag:s4], $0x0  }
0x19: {  	s7 =	sld [smem:$0x3F94]  }
0x1a: {  	s8 =	sadd.s32 $0xFFFFE003, lr  }
0x1b: {  	s9 =	sadd.s32 $0xFFFFFEF7, lr;
	s5 =	simm.s32 $0xFFFFFFFF;
	p2 =	slt.u32 s8, $0xFFFFF086  }
0x1c: {  	p1 =	slt.u32 s9, $0xF7A;
	s5 =	simm.s32 @!p2 $0x0  }
0x1d: {  	s5 =	simm.s32 @p1 $0x1;
	p0 =	seq.s32 s7, s2  }
0x1e: {  	s7 =	smul.u32 @!p0 $0xF7A, s2;
	p2 =	seq.s32 @!p0 s5, $0x0  }
0x1f: {  	s9 =	smul.u32 $0xF7A, s1;
	s8 =	simm.s32 @!p0 $0x1BF5;
	p2 =	por !p2, p0  }
0x20: {  	[sflag:s8] =	ssyncset.s32 @!p0 $0xFFFFF086;
	s6 =	sadd.s32 @!p0 s3, s7;
	s7 =	simm.s32 @!p0 $0x108  }
0x21: {  	s3 =	sadd.s32 s3, s9;
	s6 =	sadd.s32 @!p0 $0x88, s6;
	s7 =	simm.s32 @p2 $0x1082  }
0x22: {  	[simem:s7], [sflag:s8] =	dma.local @!p0 [hbm:s6], $0xF7A  }
0x23: {  	s9 =	sor.u32 $0xD0000000, s2;
	s6 =	simm.s32 $0x108;
	_ =	swait.ge @!p0 [sflag:s8], $0x0  }
0x24: {  	s3 =	sadd.s32 $0x88, s3;
	s6 =	simm.s32 @!p1 $0x1082;
	[sflag:s4] =	ssyncset.s32 $0xFFFFF086  }
0x25: {  	[simem:s6], [sflag:s4] =	dma.local [hbm:s3], $0xF7A  }
0x26: {  	[smem:$0x3F94] =	sst s1;
	(tag) =	ssettag s2;
	_ =	strace s9  }
0x27: {  	s1 =	sld [smem:$0x3FA4]  }
0x28: {  	s2 =	sld [smem:$0x3FA5]  }
0x29: {  	s4 =	sld [smem:$0x3FA7]  }
0x2a: {  	p0 =	seq.s32 s5, $0x0;
	s5 =	sld [smem:$0x3FA8]  }
0x2b: {  	s6 =	sld [smem:$0x3FA9]  }
0x2c: {  	s7 =	sld [smem:$0x3FAA]  }
0x2d: {  	s3 =	simm.s32 $0x108;
	s8 =	sld [smem:$0x3FAB]  }
0x2e: {  	s3 =	simm.s32 @!p0 $0x1082;
	s9 =	sld [smem:$0x3FAC]  }
0x2f: {  	lr =	sadd.s32 s0, s3;
	s0 =	sld [smem:$0x3FA3]  }
0x30: {  	s3 =	sld [smem:$0x3FA6]  }
0x31: {  	[smem:$0x3FAF] =	sst s10  }
0x32: {  	s10 =	sld [smem:$0x3FAD];
	_ =	sdelay $0x3  }
0x33: {  	p0 =	seq.s32 s10, $0x1;
	s10 =	sld [smem:$0x3FAF];
	_ =	sdelay $0x3  }
0x34: {  	[smem:$0x3FAF] =	sst s10  }
0x35: {  	s10 =	sld [smem:$0x3FAE];
	_ =	sdelay $0x3  }
0x36: {  	p1 =	seq.s32 s10, $0x1;
	s10 =	sld [smem:$0x3FAF];
	_ =	sdelay $0x3  }
0x37: {  	[smem:$0x3FAF] =	sst s10  }
0x38: {  	s10 =	sld [smem:$0x3FB0]  }
0x39: {  	_ = 	snop;
	(pc) =	sbr.ind lr, $3  }
0x3a: {  	_ = 	snop  }
0x3b: {  	_ = 	snop  }
0x3c: {  	p2 =	seq.s32 s10, $0x1;
	s10 =	sld [smem:$0x3FAF]  }
0x3d: {  	_ =	shalt  }
0x3e: {  	_ =	shalt  }
0x3f: {  	_ =	shalt  }
0x40: {  	_ =	shalt  }
0x41: {  	_ =	shalt  }
0x42: {  	_ =	shalt  }
0x43: {  	_ =	shalt  }
0x44: {  	_ =	shalt  }
0x45: {  	_ =	shalt  }
0x46: {  	_ =	shalt  }
0x47: {  	_ =	shalt  }
0x48: {  	_ =	shalt  }
0x49: {  	_ =	shalt  }
0x4a: {  	_ =	shalt  }
0x4b: {  	_ =	shalt  }
0x4c: {  	_ =	shalt  }
0x4d: {  	_ =	shalt  }
0x4e: {  	_ =	shalt  }
0x4f: {  	_ =	shalt  }
0x50: {  	_ =	shalt  }
0x51: {  	_ =	shalt  }
0x52: {  	_ =	shalt  }
0x53: {  	_ =	shalt  }
0x54: {  	_ =	shalt  }
0x55: {  	_ =	shalt  }
0x56: {  	_ =	shalt  }
0x57: {  	_ =	shalt  }
0x58: {  	_ =	shalt  }
0x59: {  	_ =	shalt  }
0x5a: {  	_ =	shalt  }
0x5b: {  	_ =	shalt  }
0x5c: {  	_ =	shalt  }
0x5d: {  	_ =	shalt  }
0x5e: {  	_ =	shalt  }
0x5f: {  	_ =	shalt  }
0x60: {  	_ =	shalt  }
0x61: {  	_ =	shalt  }
0x62: {  	_ =	shalt  }
0x63: {  	_ =	shalt  }
0x64: {  	_ =	shalt  }
0x65: {  	_ =	shalt  }
0x66: {  	_ =	shalt  }
0x67: {  	_ =	shalt  }
0x68: {  	_ =	shalt  }
0x69: {  	_ =	shalt  }
0x6a: {  	_ =	shalt  }
0x6b: {  	_ =	shalt  }
0x6c: {  	_ =	shalt  }
0x6d: {  	_ =	shalt  }
0x6e: {  	_ =	shalt  }
0x6f: {  	_ =	shalt  }
0x70: {  	_ =	shalt  }
0x71: {  	_ =	shalt  }
0x72: {  	_ =	shalt  }
0x73: {  	_ =	shalt  }
0x74: {  	_ =	shalt  }
0x75: {  	_ =	shalt  }
0x76: {  	_ =	shalt  }
0x77: {  	_ =	shalt  }
0x78: {  	_ =	shalt  }
0x79: {  	_ =	shalt  }
0x7a: {  	_ =	shalt  }
0x7b: {  	_ =	shalt  }
0x7c: {  	_ =	shalt  }
0x7d: {  	_ =	shalt  }
0x7e: {  	_ =	shalt  }
0x7f: {  	_ =	shalt  }
0x80: {  	_ =	shalt  }
0x81: {  	_ =	shalt  }
0x82: {  	_ =	shalt  }
0x83: {  	_ =	shalt  }
0x84: {  	_ =	shalt  }
0x85: {  	_ =	shalt  }
0x86: {  	_ =	shalt  }
0x87: {  	_ =	shalt  }
.Lfunc_end0:
.L_simem_size_0:
called_computation.1_lowered:
.L_overlay_start_0:
0x88: {  	s2 =	sld [smem:$0x3FD9]  }
0x89: {  	s3 =	sld [smem:$0x3FFE];
	_ =	sdelay $0x1  }
0x8a: {  	s1 =	srdreg.scid  }
0x8b: {  	s0 =	sand.u32 $0x1, s1  }
0x8c: {  	s17 =	sshll.u32 s0, $0xA;
	s2 =	sadd.s32 s3, s2  }
0x8d: {  	s2 =	sadd.s32 s2, s17  }
0x8e: {  	[smem:$0x3FBB] =	sst s2  }
0x8f: {  	_ = 	snop  }
0x90: {  	s2 =	sld [smem:$0x3FD0];
	(tm) =	ssettm $0x1  }
0x91: {  	s18 =	sld [smem:$0x3FFB];
	_ =	sdelay $0x3  }
0x92: {  	_ =	strace s18  }
0x93: {  	s3 =	sld [smem:$0x3FFC];
	_ =	sdelay $0x3  }
0x94: {  	_ =	strace s3  }
0x95: {  	s3 =	sld [smem:$0x3FFD];
	_ =	sdelay $0x3  }
0x96: {  	_ =	strace s3  }
0x97: {  	_ =	strace $0x8FFFFFFF  }
0x98: {  	s19 =	sld [smem:$0x3FDB];
	_ =	sdelay $0x1  }
0x99: {  	s4 =	simm.s32 $_scs_section_size  }
0x9a: {  	s5 =	simm.s32 $_size__tile_overlayer_lowered;
	s6 =	simm.s32 $_tile_overlayer_lowered  }
0x9b: {  	s22 =	simm.s32 $0x1BFF;
	s21 =	sshll.u32 s6, $0x1;
	s3 =	sadd.s32 s4, s19  }
0x9c: {  	s7 =	simm.s32 $0x0;
	s20 =	sshll.u32 s5, $0x1;
	s5 =	sadd.s32 s21, s3  }
0x9d: {  	[timem:s7], [sflag:s22] =	dma.local [hbm:s5], s20  }
0x9e: {  	_ =	swait.ge [sflag:s22], s20  }
0x9f: {  	s4 =	ssub.s32 $0x0, s20;
	[sflag:s22] =	ssyncset.done $0x0  }
0xa0: {  	[sflag:s22] =	ssyncadd.s32 s4;
	_ =	sdelay $0x1  }
0xa1: {  	s23 =	simm.s32 $0x1B8B  }
0xa2: {  	_ =	swait.ge [sflag:s23], $0x1  }
0xa3: {  	[sflag:s23] =	ssyncset.done $0x0  }
0xa4: {  	s25 =	simm.s32 $0x1B8E;
	s24 =	sld [smem:$0x3FFE];
	[sflag:s23] =	ssyncadd.s32 $0xFFFFFFFF  }
0xa5: {  	s26 =	simm.s32 $execute0_lowered;
	[smem:$0x3FD2] =	sst s25  }
0xa6: {  	s5 =	sshll.u32 s26, $0x1;
	_ =	strace $0x80000049;
	[dreg:$0x1] =	wrdreg $0xFFFFFFFF  }
0xa7: {  	s28 =	simm.s32 $_size_execute0_lowered;
	s3 =	sadd.s32 s3, s5;
	[dreg:$0x0] =	wrdreg $0x0  }
0xa8: {  	s5 =	sshll.u32 s28, $0x1;
	[dreg:$0x2] =	wrdreg s3  }
0xa9: {  	[dreg:$0x3] =	wrdreg s5  }
0xaa: {  	[dreg:$0x4] =	wrdreg $0xC0  }
0xab: {  	_ =	task [dreg:s7], $0x5FFFF  }
0xac: {  	[dreg:$0x1] =	wrdreg $0xFFFFFFFF  }
0xad: {  	[dreg:$0x0] =	wrdreg $0x60  }
0xae: {  	[dreg:$0x2] =	wrdreg s24  }
0xaf: {  	[dreg:$0x3] =	wrdreg s2  }
0xb0: {  	[dreg:$0x4] =	wrdreg $0xB3000  }
0xb1: {  	[dreg:$0x5] =	wrdreg $0x9  }
0xb2: {  	_ =	task.clear_ibuf [dreg:s7], $0x6FFFF;
	_ =	strace $0x90000049  }
0xb3: {  	s29 =	simm.s32 $0x9;
	_ =	strace $0x8000004B  }
0xb4: {  	_ =	swait.ge [sflag:s29], $0x1  }
0xb5: {  	[sflag:s29] =	ssyncadd.s32 $0xFFFFFFFF  }
0xb6: {  	_ =	strace $0x9000004B  }
0xb7: {  	_ =	sfence  }
0xb8: {  	s30 =	sld [smem:$0x0];
	_ =	sdelay $0x2  }
0xb9: {  	s31 =	sshll.u32 s1, $0xD;
	s1 =	sshrl.u32 s1, $0x2  }
0xba: {  	s3 =	sand.u32 $0x4000, s31;
	s1 =	sadd.s32 s1, s30  }
0xbb: {  	s0 =	sor.u32 s3, s0;
	s1 =	sshll.u32 s1, $0x11  }
0xbc: {  	s0 =	sor.u32 s1, s0  }
0xbd: {  	s0 =	sadd.s32 $0x8F2B, s0  }
0xbe: {  	[sflag:s0] =	ssyncadd.remote.s32 $0x1  }
0xbf: {  	_ =	sfence.sel $0xFFFF  }
0xc0: {  	[dreg:$0x0] =	wrdreg $0xFFFFFFFF;
	(pc) =	sbr.abs _section_cstart, $3  }
0xc1: {  	[dreg:$0x1] =	wrdreg $0xFFFFFFFF  }
0xc2: {  	_ =	task.clear_ibuf [dreg:s7], $0x2FFFF;
	_ =	strace $0x9FFFFFFF  }
0xc3: {  	(tm) =	ssettm $0x7FFFFFFF  }
tec
execute0_lowered:
.L_overlay_start_1:
0x0: {  	(tag) =	ssettag $0x1  }
0x1: {  	s0 =	rddreg [dreg:$0x0]  }
0x2: {  	s2 =	rddreg [dreg:$0x1]  }
0x3: {  	s1 =	rddreg [dreg:$0x2];
	s3 =	srdreg.scid  }
0x4: {  	s19 =	stileid.u32;
	s14 =	simm.s32 $0xB;
	s15 =	simm.s32 $0x2780  }
0x5: {  	s16 =	simm.s32 $0x28;
	s17 =	simm.s32 $0x4F00;
	s18 =	simm.s32 $0x6300  }
0x6: {  	s28 =	simm.s32 $0x2;
	s30 =	simm.s32 $0x3;
	s29 =	simm.s32 $0x7  }
0x7: {  	s31 =	simm.s32 $0x8;
	s5 =	sand.u32 $0x1, s3;
	s7 =	smul.u32 $0x2800, s19  }
0x8: {  	s3 =	simm.s32 $0x0;
	s10 =	smul.u32 $0x50000, s19;
	s22 =	sshll.u32 s19, $0x6  }
0x9: {  	s23 =	smul.u32 $0x14000, s19;
	p0 =	seq.s32 s19, $0xF;
	s4 =	sshll.u32 s5, $0x4  }
0xa: {  	[smem:$0x7FF] =	sst s3;
	s8 =	ssub.s32 $0x2, s5;
	s20 =	smul.u32 $0x138800, s5  }
0xb: {  	s4 =	sor.u32 s19, s4;
	_ =	strace $0x8000004A;
	s9 =	sshrl.u32 s8, $0x1  }
0xc: {  	s21 =	sshrl.u32 s10, $0x2;
	s19 =	simm.s32 $0x5;
	s6 =	smul.u32 $0x4E2, s4  }
0xd: {  	s4 =	sadd.s32 $0x17000, s0;
	s8 =	ssub.s32 s8, s9;
	s5 =	sadd.s32 s21, s1  }
0xe: {  	s25 =	sadd.s32 s23, s20;
	s9 =	sshrl.u32 s20, $0x3;
	s20 =	simm.s32 $0x7700  }
0xf: {  	s23 =	simm.s32 $0x6;
	s21 =	simm.s32 $0xA;
	s26 =	sadd.s32 s2, s9  }
0x10: {  	s12 =	smax.u32 s8, $0x1;
	s10 =	smov.u32 s5;
	s13 =	sshrl.u32 s5, $0x3  }
0x11: {  	s6 =	sadd.s32 s6, s0;
	s0 =	sadd.s32 s7, s0;
	s7 =	sor.u32 $0x1C0B, s22  }
0x12: {  	s11 =	sadd.s32 $0x25800, s26;
	s22 =	simm.s32 $0x8B00;
	s0 =	sadd.s32 $0x3E200, s0  }
0x13: {  	s26 =	simm.s32 $0x1;
	s24 =	sadd.s32 $0x3400, s6;
	[dreg:$0x4] =	wrdreg s0  }
0x14: {  	s6 =	sadd.s32 $0xD200, s6;
	[dreg:$0x5] =	wrdreg s24;
	s0 =	sshrl.u32 s25, $0x3  }
0x15: {  	[dreg:$0x6] =	wrdreg s6;
	s24 =	simm.s32 $0x9F00;
	s0 =	sadd.s32 s2, s0  }
0x16: {  	s6 =	simm.s32 $0x0;
	[dreg:$0x7] =	wrdreg s0;
	s0 =	sadd.s32 $0x12C000, s1  }
0x17: {  	s2 =	simm.s32 $0x9;
	s25 =	sshrl.u32 @p0 s0, $0x3;
	s0 =	simm.s32 $0x4  }
.LBB2_1:
0x18: {  	s5 =	rddreg [dreg:$0x4]  }
0x19: {  	[spmem:s13], [sflag:s7] =	dma.local [hbm:s5], $0x2800  }
0x1a: {  	_ =	swait.ge [sflag:s14], $0x2800  }
0x1b: {  	[sflag:s14] =	ssyncset.done $0x0  }
0x1c: {  	[sflag:s14] =	ssyncadd.s32 $0xFFFFD800  }
0x1d: {  	[bflag:$0x0] =	sbarrier.arrive $0xFFFF  }
0x1e: {  	s9 =	rddreg [dreg:$0x5]  }
0x1f: {  	[tilespmem:s3], [sflag:$0xB] =	stream.linear.gather [hbm4b:s9+s3], $0x2710, $0x38;
	[tilespmem:$0x1F300] =	vst v63  }
0x20: {  	_ =	swait.ge [sflag:s14], $0x2710  }
0x21: {  	[sflag:s14] =	ssyncset.done $0x0  }
0x22: {  	s8 =	rddreg [dreg:$0x6];
	[sflag:s14] =	ssyncadd.s32 $0xFFFFD8F0  }
0x23: {  	[tilespmem:s15], [sflag:$0xB] =	stream.linear.gather [hbm4b:s8+s3], $0x2710, $0x38;
	[tilespmem:$0x1F300] =	vst v63  }
0x24: {  	_ =	swait.ge [sflag:s14], $0x2710  }
0x25: {  	[sflag:s14] =	ssyncset.done $0x0  }
0x26: {  	[sflag:s14] =	ssyncadd.s32 $0xFFFFD8F0  }
0x27: {  	[tilespmem:s17], [sflag:$0x1] =	stream.indirect.gather [hbm4b:s4+s16], $0x80, s3, s16, $0xb8;
	[tilespmem:$0x1F300] =	vst v63  }
0x28: {  	_ = 	snop  }
0x29: {  	[tilespmem:s18], [sflag:$0x2] =	stream.indirect.gather [hbm4b:s4+s16], $0x80, s16, s16, $0xb8;
	[tilespmem:$0x1F300] =	vst v63  }
0x2a: {  	s9 =	simm.s32 $0x50  }
0x2b: {  	[tilespmem:s20], [sflag:$0x3] =	stream.indirect.gather [hbm4b:s4+s16], $0x80, s9, s16, $0xb8;
	[tilespmem:$0x1F300] =	vst v63  }
0x2c: {  	s8 =	simm.s32 $0x78  }
0x2d: {  	[tilespmem:s22], [sflag:$0x4] =	stream.indirect.gather [hbm4b:s4+s16], $0x80, s8, s16, $0xb8;
	[tilespmem:$0x1F300] =	vst v63  }
0x2e: {  	s9 =	simm.s32 $0xA0  }
0x2f: {  	[tilespmem:s24], [sflag:$0x5] =	stream.indirect.gather [hbm4b:s4+s16], $0x80, s9, s16, $0xb8;
	[tilespmem:$0x1F300] =	vst v63  }
0x30: {  	_ =	swait.ge [sflag:s26], $0x1400  }
0x31: {  	[sflag:s26] =	ssyncset.done $0x0  }
0x32: {  	[sflag:s26] =	ssyncadd.s32 $0xFFFFEC00  }
0x33: {  	[spmem:s1] =	stream.indirect.scatter.add.f32 [tilespmem:s17], [sflag:$0x6], $0x80, s15, s16, $0xb8;
	[tilespmem:$0x1F300] =	vst v63  }
0x34: {  	_ =	swait.ge [sflag:s28], $0x1400  }
0x35: {  	[sflag:s28] =	ssyncset.done $0x0  }
0x36: {  	s8 =	simm.s32 $0x27A8;
	[sflag:s28] =	ssyncadd.s32 $0xFFFFEC00  }
0x37: {  	[spmem:s1] =	stream.indirect.scatter.add.f32 [tilespmem:s18], [sflag:$0x7], $0x80, s8, s16, $0xb8;
	[tilespmem:$0x1F300] =	vst v63  }
0x38: {  	_ =	swait.ge [sflag:s30], $0x1400  }
0x39: {  	[sflag:s30] =	ssyncset.done $0x0  }
0x3a: {  	s9 =	simm.s32 $0x27D0;
	[sflag:s30] =	ssyncadd.s32 $0xFFFFEC00  }
0x3b: {  	[spmem:s1] =	stream.indirect.scatter.add.f32 [tilespmem:s20], [sflag:$0x8], $0x80, s9, s16, $0xb8;
	[tilespmem:$0x1F300] =	vst v63  }
0x3c: {  	_ =	swait.ge [sflag:s0], $0x1400  }
0x3d: {  	[sflag:s0] =	ssyncset.done $0x0  }
0x3e: {  	s8 =	simm.s32 $0x27F8;
	[sflag:s0] =	ssyncadd.s32 $0xFFFFEC00  }
0x3f: {  	[spmem:s1] =	stream.indirect.scatter.add.f32 [tilespmem:s22], [sflag:$0x9], $0x80, s8, s16, $0xb8;
	[tilespmem:$0x1F300] =	vst v63  }
0x40: {  	_ =	swait.ge [sflag:s19], $0x1400  }
0x41: {  	[sflag:s19] =	ssyncset.done $0x0  }
0x42: {  	s9 =	simm.s32 $0x2820;
	[sflag:s19] =	ssyncadd.s32 $0xFFFFEC00  }
0x43: {  	[spmem:s1] =	stream.indirect.scatter.add.f32 [tilespmem:s24], [sflag:$0xA], $0x80, s9, s16, $0xb8;
	[tilespmem:$0x1F300] =	vst v63  }
0x44: {  	_ =	swait.ge [sflag:s23], $0x1400  }
0x45: {  	[sflag:s23] =	ssyncset.done $0x0  }
0x46: {  	[sflag:s23] =	ssyncadd.s32 $0xFFFFEC00  }
0x47: {  	_ =	swait.ge [sflag:s29], $0x1400  }
0x48: {  	[sflag:s29] =	ssyncset.done $0x0  }
0x49: {  	[sflag:s29] =	ssyncadd.s32 $0xFFFFEC00  }
0x4a: {  	_ =	swait.ge [sflag:s31], $0x1400  }
0x4b: {  	[sflag:s31] =	ssyncset.done $0x0  }
0x4c: {  	[sflag:s31] =	ssyncadd.s32 $0xFFFFEC00  }
0x4d: {  	_ =	swait.ge [sflag:s2], $0x1400  }
0x4e: {  	[sflag:s2] =	ssyncset.done $0x0  }
0x4f: {  	[sflag:s2] =	ssyncadd.s32 $0xFFFFEC00  }
0x50: {  	_ =	swait.ge [sflag:s21], $0x1400  }
0x51: {  	[sflag:s21] =	ssyncset.done $0x0  }
0x52: {  	s8 =	simm.s32 $0xC8;
	[sflag:s21] =	ssyncadd.s32 $0xFFFFEC00  }
0x53: {  	[tilespmem:s17], [sflag:$0x1] =	stream.indirect.gather [hbm4b:s4+s16], $0x80, s8, s16, $0xb8;
	[tilespmem:$0x1F300] =	vst v63  }
0x54: {  	s5 =	simm.s32 $0xF0  }
0x55: {  	[tilespmem:s18], [sflag:$0x2] =	stream.indirect.gather [hbm4b:s4+s16], $0x80, s5, s16, $0xb8;
	[tilespmem:$0x1F300] =	vst v63  }
0x56: {  	s9 =	simm.s32 $0x118  }
0x57: {  	[tilespmem:s20], [sflag:$0x3] =	stream.indirect.gather [hbm4b:s4+s16], $0x80, s9, s16, $0xb8;
	[tilespmem:$0x1F300] =	vst v63  }
0x58: {  	s5 =	simm.s32 $0x140  }
0x59: {  	[tilespmem:s22], [sflag:$0x4] =	stream.indirect.gather [hbm4b:s4+s16], $0x80, s5, s16, $0xb8;
	[tilespmem:$0x1F300] =	vst v63  }
0x5a: {  	s9 =	simm.s32 $0x168  }
0x5b: {  	[tilespmem:s24], [sflag:$0x5] =	stream.indirect.gather [hbm4b:s4+s16], $0x80, s9, s16, $0xb8;
	[tilespmem:$0x1F300] =	vst v63  }
0x5c: {  	_ =	swait.ge [sflag:s26], $0x1400  }
0x5d: {  	[sflag:s26] =	ssyncset.done $0x0  }
0x5e: {  	s5 =	simm.s32 $0x2848;
	[sflag:s26] =	ssyncadd.s32 $0xFFFFEC00  }
0x5f: {  	[spmem:s1] =	stream.indirect.scatter.add.f32 [tilespmem:s17], [sflag:$0x6], $0x80, s5, s16, $0xb8;
	[tilespmem:$0x1F300] =	vst v63  }
0x60: {  	_ =	swait.ge [sflag:s28], $0x1400  }
0x61: {  	[sflag:s28] =	ssyncset.done $0x0  }
0x62: {  	s9 =	simm.s32 $0x2870;
	[sflag:s28] =	ssyncadd.s32 $0xFFFFEC00  }
0x63: {  	[spmem:s1] =	stream.indirect.scatter.add.f32 [tilespmem:s18], [sflag:$0x7], $0x80, s9, s16, $0xb8;
	[tilespmem:$0x1F300] =	vst v63  }
0x64: {  	_ =	swait.ge [sflag:s30], $0x1400  }
0x65: {  	[sflag:s30] =	ssyncset.done $0x0  }
0x66: {  	s5 =	simm.s32 $0x2898;
	[sflag:s30] =	ssyncadd.s32 $0xFFFFEC00  }
0x67: {  	[spmem:s1] =	stream.indirect.scatter.add.f32 [tilespmem:s20], [sflag:$0x8], $0x80, s5, s16, $0xb8;
	[tilespmem:$0x1F300] =	vst v63  }
0x68: {  	_ =	swait.ge [sflag:s0], $0x1400  }
0x69: {  	[sflag:s0] =	ssyncset.done $0x0  }
0x6a: {  	s9 =	simm.s32 $0x28C0;
	[sflag:s0] =	ssyncadd.s32 $0xFFFFEC00  }
0x6b: {  	[spmem:s1] =	stream.indirect.scatter.add.f32 [tilespmem:s22], [sflag:$0x9], $0x80, s9, s16, $0xb8;
	[tilespmem:$0x1F300] =	vst v63  }
0x6c: {  	_ =	swait.ge [sflag:s19], $0x1400  }
0x6d: {  	[sflag:s19] =	ssyncset.done $0x0  }
0x6e: {  	s8 =	simm.s32 $0x320;
	s9 =	simm.s32 $0x28E8;
	[sflag:s19] =	ssyncadd.s32 $0xFFFFEC00  }
.LBB2_2:
0x6f: {  	[spmem:s1] =	stream.indirect.scatter.add.f32 [tilespmem:s24], [sflag:$0xA], $0x80, s9, s16, $0xb8;
	[tilespmem:$0x1F300] =	vst v63  }
0x70: {  	s9 =	smov.u32 s8  }
0x71: {  	p1 =	sne.s32 s8, $0x9600;
	s8 =	sadd.s32 $0x320, s8;
	_ =	swait.ge [sflag:s23], $0x1400  }
0x72: {  	[sflag:s23] =	ssyncset.done $0x0  }
0x73: {  	[sflag:s23] =	ssyncadd.s32 $0xFFFFEC00  }
0x74: {  	_ =	swait.ge [sflag:s29], $0x1400  }
0x75: {  	[sflag:s29] =	ssyncset.done $0x0  }
0x76: {  	[sflag:s29] =	ssyncadd.s32 $0xFFFFEC00  }
0x77: {  	_ =	swait.ge [sflag:s31], $0x1400  }
0x78: {  	[sflag:s31] =	ssyncset.done $0x0  }
0x79: {  	[sflag:s31] =	ssyncadd.s32 $0xFFFFEC00  }
0x7a: {  	_ =	swait.ge [sflag:s2], $0x1400  }
0x7b: {  	[sflag:s2] =	ssyncset.done $0x0  }
0x7c: {  	[sflag:s2] =	ssyncadd.s32 $0xFFFFEC00  }
0x7d: {  	_ =	swait.ge [sflag:s21], $0x1400  }
0x7e: {  	s9 =	sshra.s32 s9, $0x2;
	[sflag:s21] =	ssyncset.done $0x0  }
0x7f: {  	s5 =	sadd.s32 $0xC8, s9;
	[sflag:s21] =	ssyncadd.s32 $0xFFFFEC00  }
0x80: {  	[tilespmem:s17], [sflag:$0x1] =	stream.indirect.gather [hbm4b:s4+s16], $0x80, s5, s16, $0xb8;
	[tilespmem:$0x1F300] =	vst v63  }
0x81: {  	s5 =	sadd.s32 $0xF0, s9  }
0x82: {  	[tilespmem:s18], [sflag:$0x2] =	stream.indirect.gather [hbm4b:s4+s16], $0x80, s5, s16, $0xb8;
	[tilespmem:$0x1F300] =	vst v63  }
0x83: {  	s5 =	sadd.s32 $0x118, s9  }
0x84: {  	[tilespmem:s20], [sflag:$0x3] =	stream.indirect.gather [hbm4b:s4+s16], $0x80, s5, s16, $0xb8;
	[tilespmem:$0x1F300] =	vst v63  }
0x85: {  	s5 =	sadd.s32 $0x140, s9  }
0x86: {  	[tilespmem:s22], [sflag:$0x4] =	stream.indirect.gather [hbm4b:s4+s16], $0x80, s5, s16, $0xb8;
	[tilespmem:$0x1F300] =	vst v63  }
0x87: {  	s5 =	sadd.s32 $0x168, s9  }
0x88: {  	[tilespmem:s24], [sflag:$0x5] =	stream.indirect.gather [hbm4b:s4+s16], $0x80, s5, s16, $0xb8;
	[tilespmem:$0x1F300] =	vst v63  }
0x89: {  	_ =	swait.ge [sflag:s26], $0x1400  }
0x8a: {  	[sflag:s26] =	ssyncset.done $0x0  }
0x8b: {  	s5 =	sadd.s32 $0x2848, s9;
	[sflag:s26] =	ssyncadd.s32 $0xFFFFEC00  }
0x8c: {  	[spmem:s1] =	stream.indirect.scatter.add.f32 [tilespmem:s17], [sflag:$0x6], $0x80, s5, s16, $0xb8;
	[tilespmem:$0x1F300] =	vst v63  }
0x8d: {  	_ =	swait.ge [sflag:s28], $0x1400  }
0x8e: {  	[sflag:s28] =	ssyncset.done $0x0  }
0x8f: {  	s5 =	sadd.s32 $0x2870, s9;
	[sflag:s28] =	ssyncadd.s32 $0xFFFFEC00  }
0x90: {  	[spmem:s1] =	stream.indirect.scatter.add.f32 [tilespmem:s18], [sflag:$0x7], $0x80, s5, s16, $0xb8;
	[tilespmem:$0x1F300] =	vst v63  }
0x91: {  	_ =	swait.ge [sflag:s30], $0x1400  }
0x92: {  	[sflag:s30] =	ssyncset.done $0x0  }
0x93: {  	s5 =	sadd.s32 $0x2898, s9;
	[sflag:s30] =	ssyncadd.s32 $0xFFFFEC00  }
0x94: {  	[spmem:s1] =	stream.indirect.scatter.add.f32 [tilespmem:s20], [sflag:$0x8], $0x80, s5, s16, $0xb8;
	[tilespmem:$0x1F300] =	vst v63  }
0x95: {  	_ =	swait.ge [sflag:s0], $0x1400  }
0x96: {  	[sflag:s0] =	ssyncset.done $0x0  }
.Ltmp0:
0x97: {  	s5 =	sadd.s32 $0x28C0, s9;
	[sflag:s0] =	ssyncadd.s32 $0xFFFFEC00;
	(pc) =	sbr.rel @p1 .LBB2_2-.Ltmp0, $4  }
0x98: {  	[spmem:s1] =	stream.indirect.scatter.add.f32 [tilespmem:s22], [sflag:$0x9], $0x80, s5, s16, $0xb8;
	[tilespmem:$0x1F300] =	vst v63  }
0x99: {  	_ =	swait.ge [sflag:s19], $0x1400  }
0x9a: {  	[sflag:s19] =	ssyncset.done $0x0  }
0x9b: {  	s9 =	sadd.s32 $0x28E8, s9;
	[sflag:s19] =	ssyncadd.s32 $0xFFFFEC00  }
0x9c: {  	[spmem:s1] =	stream.indirect.scatter.add.f32 [tilespmem:s24], [sflag:$0xA], $0x80, s9, s16, $0xb8;
	[tilespmem:$0x1F300] =	vst v63  }
0x9d: {  	_ =	swait.ge [sflag:s23], $0x1400  }
0x9e: {  	[sflag:s23] =	ssyncset.done $0x0  }
0x9f: {  	[sflag:s23] =	ssyncadd.s32 $0xFFFFEC00  }
0xa0: {  	_ =	swait.ge [sflag:s29], $0x1400  }
0xa1: {  	[sflag:s29] =	ssyncset.done $0x0  }
0xa2: {  	[sflag:s29] =	ssyncadd.s32 $0xFFFFEC00  }
0xa3: {  	_ =	swait.ge [sflag:s31], $0x1400  }
0xa4: {  	[sflag:s31] =	ssyncset.done $0x0  }
0xa5: {  	[sflag:s31] =	ssyncadd.s32 $0xFFFFEC00  }
0xa6: {  	_ =	swait.ge [sflag:s2], $0x1400  }
0xa7: {  	[sflag:s2] =	ssyncset.done $0x0  }
0xa8: {  	[sflag:s2] =	ssyncadd.s32 $0xFFFFEC00  }
0xa9: {  	_ =	swait.ge [sflag:s21], $0x1400  }
0xaa: {  	[sflag:s21] =	ssyncset.done $0x0  }
0xab: {  	[sflag:s21] =	ssyncadd.s32 $0xFFFFEC00  }
0xac: {  	s5 =	simm.s32 @p0 $0xB;
	[bflag:$0x0] =	sbarrier.arrive $0xFFFF  }
0xad: {  	[hbm:s11], [sflag:s7] =	dma.local @p0 [spmem:s25], $0x1900  }
0xae: {  	s6 =	sadd.s32 $0x1, s6;
	_ =	swait.ge @p0 [sflag:s5], $0x1900  }
0xaf: {  	p1 =	sne.s32 s6, s12;
	[sflag:s5] =	ssyncset.done @p0 $0x0  }
0xb0: {  	s8 =	rddreg [dreg:$0x7];
	[sflag:s5] =	ssyncadd.s32 @p0 $0xFFFFE700;
	s5 =	sshrl.u32 @!p0 s10, $0x3  }
0xb1: {  	[hbm:s8], [sflag:s7] =	dma.local @!p0 [spmem:s5], $0x2800  }
.Ltmp1:
0xb2: {  	_ = 	snop;
	(pc) =	sbr.rel @p1 .LBB2_1-.Ltmp1, $4  }
0xb3: {  	s5 =	simm.s32 @!p0 $0xB  }
0xb4: {  	_ =	swait.ge @!p0 [sflag:s5], $0x2800  }
0xb5: {  	[sflag:s5] =	ssyncset.done @!p0 $0x0  }
0xb6: {  	[sflag:s5] =	ssyncadd.s32 @!p0 $0xFFFFD800  }
0xb7: {  	_ =	sfence.sel $0x180000  }
0xb8: {  	[bflag:$0x0] =	sbarrier.arrive $0xFFFF  }
0xb9: {  	_ =	strace $0x9000004A  }
0xba: {  	s0 =	stileid.u32;
	[bflag:$0x2] =	sbarrier.arrive $0xFFFF  }
0xbb: {  	p0 =	sne.s32 s0, $0x0;
	s0 =	rddreg [dreg:$0x3]  }
0xbc: {  	s0 =	sadd.s32 @!p0 $0x100000, s0  }
0xbd: {  	[sflag:s0] =	ssyncadd.tile.s32 @!p0 $0x1;
	_ =	shalt  }
.Lfunc_end2:
_tile_overlayer_lowered:
.L_overlay_start_2:
0xbe: {  	(tag) =	ssettag $0x2  }
0xbf: {  	s0 =	rddreg [dreg:$0x0];
	s2 =	stileid.u32  }
0xc0: {  	s1 =	rddreg [dreg:$0x1];
	p0 =	sne.s32 s2, $0x0  }
0xc1: {  	s3 =	rddreg [dreg:$0x2];
	[bflag:$0x3] =	sbarrier.arrive $0xFFFF;
	s2 =	simm.s32 @!p0 $0x1C0B  }
0xc2: {  	[timem:s3], [sflag:s2] =	dma.local @!p0 [hbm:s0], s1  }
0xc3: {  	s0 =	simm.s32 @!p0 $0xB  }
0xc4: {  	_ =	swait.ge @!p0 [sflag:s0], s1  }
0xc5: {  	s1 =	ssub.s32 @!p0 $0x0, s1;
	[sflag:s0] =	ssyncset.done @!p0 $0x0  }
0xc6: {  	[sflag:s0] =	ssyncadd.s32 @!p0 s1  }
0xc7: {  	[bflag:$0x3] =	sbarrier.arrive $0xFFFF  }
0xc8: {  	_ =	shalt  }

// kernel: kernel.18.cloned.1.call-start
scs
__scs_entry_jumppad:
0x0: {  	(pc) =	sbr.rel $0x88, $3  }
0x1: {  	(tag) =	ssettag $0x0;
	lr =	simm.s32 $0x1  }
0x2: {  	[smem:$0x3F94] =	sst lr;
	_ =	strace $0xD0000000  }
0x3: {  	_ = 	snop  }
0x4: {  	_ = 	snop  }
0x5: {  	_ = 	snop  }
0x6: {  	_ = 	snop  }
0x7: {  	_ = 	snop  }
__scs_overlays_trampoline_lowered:
0x8: {  	[smem:$0x3FA3] =	sst s0  }
0x9: {  	[smem:$0x3FA4] =	sst s1  }
0xa: {  	[smem:$0x3FA5] =	sst s2  }
0xb: {  	[smem:$0x3FA6] =	sst s3  }
0xc: {  	[smem:$0x3FA7] =	sst s4  }
0xd: {  	[smem:$0x3FA8] =	sst s5  }
0xe: {  	[smem:$0x3FA9] =	sst s6  }
0xf: {  	[smem:$0x3FAA] =	sst s7  }
0x10: {  	[smem:$0x3FAB] =	sst s8  }
0x11: {  	[smem:$0x3FAC] =	sst s9;
	s0 =	simm.s32 @!p0 $0x0  }
0x12: {  	s1 =	sld [smem:$0x3F92];
	s0 =	simm.s32 @p0 $0x1  }
0x13: {  	[smem:$0x3FAD] =	sst s0;
	s0 =	simm.s32 @!p1 $0x0  }
0x14: {  	s2 =	sld [smem:$0x3F91];
	s0 =	simm.s32 @p1 $0x1  }
0x15: {  	[smem:$0x3FAE] =	sst s0;
	s0 =	simm.s32 @!p2 $0x0  }
0x16: {  	s3 =	sld [smem:$0x3FDB];
	s0 =	simm.s32 @p2 $0x1  }
0x17: {  	s4 =	simm.s32 $0x1BF5;
	[smem:$0x3FB0] =	sst s0  }
0x18: {  	s0 =	sld [smem:$0x3F93];
	_ =	swait.ge [sflag:s4], $0x0  }
0x19: {  	s7 =	sld [smem:$0x3F94]  }
0x1a: {  	s8 =	sadd.s32 $0xFFFFE003, lr  }
0x1b: {  	s9 =	sadd.s32 $0xFFFFFEF7, lr;
	s5 =	simm.s32 $0xFFFFFFFF;
	p2 =	slt.u32 s8, $0xFFFFF086  }
0x1c: {  	p1 =	slt.u32 s9, $0xF7A;
	s5 =	simm.s32 @!p2 $0x0  }
0x1d: {  	s5 =	simm.s32 @p1 $0x1;
	p0 =	seq.s32 s7, s2  }
0x1e: {  	s7 =	smul.u32 @!p0 $0xF7A, s2;
	p2 =	seq.s32 @!p0 s5, $0x0  }
0x1f: {  	s9 =	smul.u32 $0xF7A, s1;
	s8 =	simm.s32 @!p0 $0x1BF5;
	p2 =	por !p2, p0  }
0x20: {  	[sflag:s8] =	ssyncset.s32 @!p0 $0xFFFFF086;
	s6 =	sadd.s32 @!p0 s3, s7;
	s7 =	simm.s32 @!p0 $0x108  }
0x21: {  	s3 =	sadd.s32 s3, s9;
	s6 =	sadd.s32 @!p0 $0x88, s6;
	s7 =	simm.s32 @p2 $0x1082  }
0x22: {  	[simem:s7], [sflag:s8] =	dma.local @!p0 [hbm:s6], $0xF7A  }
0x23: {  	s9 =	sor.u32 $0xD0000000, s2;
	s6 =	simm.s32 $0x108;
	_ =	swait.ge @!p0 [sflag:s8], $0x0  }
0x24: {  	s3 =	sadd.s32 $0x88, s3;
	s6 =	simm.s32 @!p1 $0x1082;
	[sflag:s4] =	ssyncset.s32 $0xFFFFF086  }
0x25: {  	[simem:s6], [sflag:s4] =	dma.local [hbm:s3], $0xF7A  }
0x26: {  	[smem:$0x3F94] =	sst s1;
	(tag) =	ssettag s2;
	_ =	strace s9  }
0x27: {  	s1 =	sld [smem:$0x3FA4]  }
0x28: {  	s2 =	sld [smem:$0x3FA5]  }
0x29: {  	s4 =	sld [smem:$0x3FA7]  }
0x2a: {  	p0 =	seq.s32 s5, $0x0;
	s5 =	sld [smem:$0x3FA8]  }
0x2b: {  	s6 =	sld [smem:$0x3FA9]  }
0x2c: {  	s7 =	sld [smem:$0x3FAA]  }
0x2d: {  	s3 =	simm.s32 $0x108;
	s8 =	sld [smem:$0x3FAB]  }
0x2e: {  	s3 =	simm.s32 @!p0 $0x1082;
	s9 =	sld [smem:$0x3FAC]  }
0x2f: {  	lr =	sadd.s32 s0, s3;
	s0 =	sld [smem:$0x3FA3]  }
0x30: {  	s3 =	sld [smem:$0x3FA6]  }
0x31: {  	[smem:$0x3FAF] =	sst s10  }
0x32: {  	s10 =	sld [smem:$0x3FAD];
	_ =	sdelay $0x3  }
0x33: {  	p0 =	seq.s32 s10, $0x1;
	s10 =	sld [smem:$0x3FAF];
	_ =	sdelay $0x3  }
0x34: {  	[smem:$0x3FAF] =	sst s10  }
0x35: {  	s10 =	sld [smem:$0x3FAE];
	_ =	sdelay $0x3  }
0x36: {  	p1 =	seq.s32 s10, $0x1;
	s10 =	sld [smem:$0x3FAF];
	_ =	sdelay $0x3  }
0x37: {  	[smem:$0x3FAF] =	sst s10  }
0x38: {  	s10 =	sld [smem:$0x3FB0]  }
0x39: {  	_ = 	snop;
	(pc) =	sbr.ind lr, $3  }
0x3a: {  	_ = 	snop  }
0x3b: {  	_ = 	snop  }
0x3c: {  	p2 =	seq.s32 s10, $0x1;
	s10 =	sld [smem:$0x3FAF]  }
0x3d: {  	_ =	shalt  }
0x3e: {  	_ =	shalt  }
0x3f: {  	_ =	shalt  }
0x40: {  	_ =	shalt  }
0x41: {  	_ =	shalt  }
0x42: {  	_ =	shalt  }
0x43: {  	_ =	shalt  }
0x44: {  	_ =	shalt  }
0x45: {  	_ =	shalt  }
0x46: {  	_ =	shalt  }
0x47: {  	_ =	shalt  }
0x48: {  	_ =	shalt  }
0x49: {  	_ =	shalt  }
0x4a: {  	_ =	shalt  }
0x4b: {  	_ =	shalt  }
0x4c: {  	_ =	shalt  }
0x4d: {  	_ =	shalt  }
0x4e: {  	_ =	shalt  }
0x4f: {  	_ =	shalt  }
0x50: {  	_ =	shalt  }
0x51: {  	_ =	shalt  }
0x52: {  	_ =	shalt  }
0x53: {  	_ =	shalt  }
0x54: {  	_ =	shalt  }
0x55: {  	_ =	shalt  }
0x56: {  	_ =	shalt  }
0x57: {  	_ =	shalt  }
0x58: {  	_ =	shalt  }
0x59: {  	_ =	shalt  }
0x5a: {  	_ =	shalt  }
0x5b: {  	_ =	shalt  }
0x5c: {  	_ =	shalt  }
0x5d: {  	_ =	shalt  }
0x5e: {  	_ =	shalt  }
0x5f: {  	_ =	shalt  }
0x60: {  	_ =	shalt  }
0x61: {  	_ =	shalt  }
0x62: {  	_ =	shalt  }
0x63: {  	_ =	shalt  }
0x64: {  	_ =	shalt  }
0x65: {  	_ =	shalt  }
0x66: {  	_ =	shalt  }
0x67: {  	_ =	shalt  }
0x68: {  	_ =	shalt  }
0x69: {  	_ =	shalt  }
0x6a: {  	_ =	shalt  }
0x6b: {  	_ =	shalt  }
0x6c: {  	_ =	shalt  }
0x6d: {  	_ =	shalt  }
0x6e: {  	_ =	shalt  }
0x6f: {  	_ =	shalt  }
0x70: {  	_ =	shalt  }
0x71: {  	_ =	shalt  }
0x72: {  	_ =	shalt  }
0x73: {  	_ =	shalt  }
0x74: {  	_ =	shalt  }
0x75: {  	_ =	shalt  }
0x76: {  	_ =	shalt  }
0x77: {  	_ =	shalt  }
0x78: {  	_ =	shalt  }
0x79: {  	_ =	shalt  }
0x7a: {  	_ =	shalt  }
0x7b: {  	_ =	shalt  }
0x7c: {  	_ =	shalt  }
0x7d: {  	_ =	shalt  }
0x7e: {  	_ =	shalt  }
0x7f: {  	_ =	shalt  }
0x80: {  	_ =	shalt  }
0x81: {  	_ =	shalt  }
0x82: {  	_ =	shalt  }
0x83: {  	_ =	shalt  }
0x84: {  	_ =	shalt  }
0x85: {  	_ =	shalt  }
0x86: {  	_ =	shalt  }
0x87: {  	_ =	shalt  }
.Lfunc_end0:
.L_simem_size_0:
called_computation.2_lowered:
.L_overlay_start_0:
0x88: {  	s2 =	sld [smem:$0x3FD9]  }
0x89: {  	s3 =	sld [smem:$0x3FFE];
	_ =	sdelay $0x1  }
0x8a: {  	s1 =	srdreg.scid  }
0x8b: {  	s0 =	sand.u32 $0x1, s1  }
0x8c: {  	s17 =	sshll.u32 s0, $0xA;
	s2 =	sadd.s32 s3, s2  }
0x8d: {  	s2 =	sadd.s32 s2, s17  }
0x8e: {  	[smem:$0x3FBB] =	sst s2  }
0x8f: {  	_ = 	snop  }
0x90: {  	s2 =	sld [smem:$0x3FD0];
	(tm) =	ssettm $0x1  }
0x91: {  	s18 =	sld [smem:$0x3FFB];
	_ =	sdelay $0x3  }
0x92: {  	_ =	strace s18  }
0x93: {  	s3 =	sld [smem:$0x3FFC];
	_ =	sdelay $0x3  }
0x94: {  	_ =	strace s3  }
0x95: {  	s3 =	sld [smem:$0x3FFD];
	_ =	sdelay $0x3  }
0x96: {  	_ =	strace s3  }
0x97: {  	_ =	strace $0x8FFFFFFF  }
0x98: {  	s19 =	sld [smem:$0x3FDB];
	_ =	sdelay $0x1  }
0x99: {  	s4 =	simm.s32 $_scs_section_size  }
0x9a: {  	s5 =	simm.s32 $_size__tile_overlayer_lowered;
	s6 =	simm.s32 $_tile_overlayer_lowered  }
0x9b: {  	s22 =	simm.s32 $0x1BFF;
	s21 =	sshll.u32 s6, $0x1;
	s3 =	sadd.s32 s4, s19  }
0x9c: {  	s7 =	simm.s32 $0x0;
	s20 =	sshll.u32 s5, $0x1;
	s5 =	sadd.s32 s21, s3  }
0x9d: {  	[timem:s7], [sflag:s22] =	dma.local [hbm:s5], s20  }
0x9e: {  	_ =	swait.ge [sflag:s22], s20  }
0x9f: {  	s4 =	ssub.s32 $0x0, s20;
	[sflag:s22] =	ssyncset.done $0x0  }
0xa0: {  	[sflag:s22] =	ssyncadd.s32 s4;
	_ =	sdelay $0x1  }
0xa1: {  	s23 =	simm.s32 $0x1B8B  }
0xa2: {  	_ =	swait.ge [sflag:s23], $0x1  }
0xa3: {  	[sflag:s23] =	ssyncset.done $0x0  }
0xa4: {  	s25 =	simm.s32 $0x1B8E;
	s24 =	sld [smem:$0x3FFE];
	[sflag:s23] =	ssyncadd.s32 $0xFFFFFFFF  }
0xa5: {  	s26 =	simm.s32 $execute0_lowered;
	[smem:$0x3FD2] =	sst s25  }
0xa6: {  	s5 =	sshll.u32 s26, $0x1;
	_ =	strace $0x8000004C;
	[dreg:$0x1] =	wrdreg $0xFFFFFFFF  }
0xa7: {  	s28 =	simm.s32 $_size_execute0_lowered;
	s3 =	sadd.s32 s3, s5;
	[dreg:$0x0] =	wrdreg $0x0  }
0xa8: {  	s5 =	sshll.u32 s28, $0x1;
	[dreg:$0x2] =	wrdreg s3  }
0xa9: {  	[dreg:$0x3] =	wrdreg s5  }
0xaa: {  	[dreg:$0x4] =	wrdreg $0xC0  }
0xab: {  	_ =	task [dreg:s7], $0x5FFFF  }
0xac: {  	[dreg:$0x1] =	wrdreg $0xFFFFFFFF  }
0xad: {  	[dreg:$0x0] =	wrdreg $0x60  }
0xae: {  	[dreg:$0x2] =	wrdreg s24  }
0xaf: {  	[dreg:$0x3] =	wrdreg s2  }
0xb0: {  	[dreg:$0x4] =	wrdreg $0xB3000  }
0xb1: {  	[dreg:$0x5] =	wrdreg $0x9  }
0xb2: {  	_ =	task.clear_ibuf [dreg:s7], $0x6FFFF;
	_ =	strace $0x9000004C  }
0xb3: {  	s29 =	simm.s32 $0x9;
	_ =	strace $0x8000004E  }
0xb4: {  	_ =	swait.ge [sflag:s29], $0x1  }
0xb5: {  	[sflag:s29] =	ssyncadd.s32 $0xFFFFFFFF  }
0xb6: {  	_ =	strace $0x9000004E  }
0xb7: {  	_ =	sfence  }
0xb8: {  	s30 =	sld [smem:$0x0];
	_ =	sdelay $0x2  }
0xb9: {  	s31 =	sshll.u32 s1, $0xD;
	s1 =	sshrl.u32 s1, $0x2  }
0xba: {  	s3 =	sand.u32 $0x4000, s31;
	s1 =	sadd.s32 s1, s30  }
0xbb: {  	s0 =	sor.u32 s3, s0;
	s1 =	sshll.u32 s1, $0x11  }
0xbc: {  	s0 =	sor.u32 s1, s0  }
0xbd: {  	s0 =	sadd.s32 $0x8F2B, s0  }
0xbe: {  	[sflag:s0] =	ssyncadd.remote.s32 $0x1  }
0xbf: {  	_ =	sfence.sel $0xFFFF  }
0xc0: {  	[dreg:$0x0] =	wrdreg $0xFFFFFFFF;
	(pc) =	sbr.abs _section_cstart, $3  }
0xc1: {  	[dreg:$0x1] =	wrdreg $0xFFFFFFFF  }
0xc2: {  	_ =	task.clear_ibuf [dreg:s7], $0x2FFFF;
	_ =	strace $0x9FFFFFFF  }
0xc3: {  	(tm) =	ssettm $0x7FFFFFFF  }
tec
execute0_lowered:
.L_overlay_start_1:
0x0: {  	(tag) =	ssettag $0x1  }
0x1: {  	s0 =	rddreg [dreg:$0x0]  }
0x2: {  	s2 =	rddreg [dreg:$0x1]  }
0x3: {  	s1 =	rddreg [dreg:$0x2];
	s3 =	srdreg.scid  }
0x4: {  	s19 =	stileid.u32;
	s14 =	simm.s32 $0xB;
	s15 =	simm.s32 $0x2780  }
0x5: {  	s16 =	simm.s32 $0x28;
	s17 =	simm.s32 $0x4F00;
	s18 =	simm.s32 $0x6300  }
0x6: {  	s28 =	simm.s32 $0x2;
	s30 =	simm.s32 $0x3;
	s29 =	simm.s32 $0x7  }
0x7: {  	s31 =	simm.s32 $0x8;
	s5 =	sand.u32 $0x1, s3;
	s7 =	smul.u32 $0x2800, s19  }
0x8: {  	s3 =	simm.s32 $0x0;
	s10 =	smul.u32 $0x50000, s19;
	s22 =	sshll.u32 s19, $0x6  }
0x9: {  	s23 =	smul.u32 $0x14000, s19;
	p0 =	seq.s32 s19, $0xF;
	s4 =	sshll.u32 s5, $0x4  }
0xa: {  	[smem:$0x7FF] =	sst s3;
	s8 =	ssub.s32 $0x2, s5;
	s20 =	smul.u32 $0x138800, s5  }
0xb: {  	s4 =	sor.u32 s19, s4;
	_ =	strace $0x8000004D;
	s9 =	sshrl.u32 s8, $0x1  }
0xc: {  	s21 =	sshrl.u32 s10, $0x2;
	s19 =	simm.s32 $0x5;
	s6 =	smul.u32 $0x4E2, s4  }
0xd: {  	s4 =	sadd.s32 $0x17000, s0;
	s8 =	ssub.s32 s8, s9;
	s5 =	sadd.s32 s21, s1  }
0xe: {  	s25 =	sadd.s32 s23, s20;
	s9 =	sshrl.u32 s20, $0x3;
	s20 =	simm.s32 $0x7700  }
0xf: {  	s23 =	simm.s32 $0x6;
	s21 =	simm.s32 $0xA;
	s26 =	sadd.s32 s2, s9  }
0x10: {  	s12 =	smax.u32 s8, $0x1;
	s10 =	smov.u32 s5;
	s13 =	sshrl.u32 s5, $0x3  }
0x11: {  	s6 =	sadd.s32 s6, s0;
	s0 =	sadd.s32 s7, s0;
	s7 =	sor.u32 $0x1C0B, s22  }
0x12: {  	s11 =	sadd.s32 $0x25800, s26;
	s22 =	simm.s32 $0x8B00;
	s0 =	sadd.s32 $0x3E200, s0  }
0x13: {  	s26 =	simm.s32 $0x1;
	s24 =	sadd.s32 $0x3400, s6;
	[dreg:$0x4] =	wrdreg s0  }
0x14: {  	s6 =	sadd.s32 $0xD200, s6;
	[dreg:$0x5] =	wrdreg s24;
	s0 =	sshrl.u32 s25, $0x3  }
0x15: {  	[dreg:$0x6] =	wrdreg s6;
	s24 =	simm.s32 $0x9F00;
	s0 =	sadd.s32 s2, s0  }
0x16: {  	s6 =	simm.s32 $0x0;
	[dreg:$0x7] =	wrdreg s0;
	s0 =	sadd.s32 $0x12C000, s1  }
0x17: {  	s2 =	simm.s32 $0x9;
	s25 =	sshrl.u32 @p0 s0, $0x3;
	s0 =	simm.s32 $0x4  }
.LBB2_1:
0x18: {  	s5 =	rddreg [dreg:$0x4]  }
0x19: {  	[spmem:s13], [sflag:s7] =	dma.local [hbm:s5], $0x2800  }
0x1a: {  	_ =	swait.ge [sflag:s14], $0x2800  }
0x1b: {  	[sflag:s14] =	ssyncset.done $0x0  }
0x1c: {  	[sflag:s14] =	ssyncadd.s32 $0xFFFFD800  }
0x1d: {  	[bflag:$0x0] =	sbarrier.arrive $0xFFFF  }
0x1e: {  	s9 =	rddreg [dreg:$0x5]  }
0x1f: {  	[tilespmem:s3], [sflag:$0xB] =	stream.linear.gather [hbm4b:s9+s3], $0x2710, $0x38;
	[tilespmem:$0x1F300] =	vst v63  }
0x20: {  	_ =	swait.ge [sflag:s14], $0x2710  }
0x21: {  	[sflag:s14] =	ssyncset.done $0x0  }
0x22: {  	s8 =	rddreg [dreg:$0x6];
	[sflag:s14] =	ssyncadd.s32 $0xFFFFD8F0  }
0x23: {  	[tilespmem:s15], [sflag:$0xB] =	stream.linear.gather [hbm4b:s8+s3], $0x2710, $0x38;
	[tilespmem:$0x1F300] =	vst v63  }
0x24: {  	_ =	swait.ge [sflag:s14], $0x2710  }
0x25: {  	[sflag:s14] =	ssyncset.done $0x0  }
0x26: {  	[sflag:s14] =	ssyncadd.s32 $0xFFFFD8F0  }
0x27: {  	[tilespmem:s17], [sflag:$0x1] =	stream.indirect.gather [hbm4b:s4+s16], $0x80, s3, s16, $0xb8;
	[tilespmem:$0x1F300] =	vst v63  }
0x28: {  	_ = 	snop  }
0x29: {  	[tilespmem:s18], [sflag:$0x2] =	stream.indirect.gather [hbm4b:s4+s16], $0x80, s16, s16, $0xb8;
	[tilespmem:$0x1F300] =	vst v63  }
0x2a: {  	s9 =	simm.s32 $0x50  }
0x2b: {  	[tilespmem:s20], [sflag:$0x3] =	stream.indirect.gather [hbm4b:s4+s16], $0x80, s9, s16, $0xb8;
	[tilespmem:$0x1F300] =	vst v63  }
0x2c: {  	s8 =	simm.s32 $0x78  }
0x2d: {  	[tilespmem:s22], [sflag:$0x4] =	stream.indirect.gather [hbm4b:s4+s16], $0x80, s8, s16, $0xb8;
	[tilespmem:$0x1F300] =	vst v63  }
0x2e: {  	s9 =	simm.s32 $0xA0  }
0x2f: {  	[tilespmem:s24], [sflag:$0x5] =	stream.indirect.gather [hbm4b:s4+s16], $0x80, s9, s16, $0xb8;
	[tilespmem:$0x1F300] =	vst v63  }
0x30: {  	_ =	swait.ge [sflag:s26], $0x1400  }
0x31: {  	[sflag:s26] =	ssyncset.done $0x0  }
0x32: {  	[sflag:s26] =	ssyncadd.s32 $0xFFFFEC00  }
0x33: {  	[spmem:s1] =	stream.indirect.scatter.add.f32 [tilespmem:s17], [sflag:$0x6], $0x80, s15, s16, $0xb8;
	[tilespmem:$0x1F300] =	vst v63  }
0x34: {  	_ =	swait.ge [sflag:s28], $0x1400  }
0x35: {  	[sflag:s28] =	ssyncset.done $0x0  }
0x36: {  	s8 =	simm.s32 $0x27A8;
	[sflag:s28] =	ssyncadd.s32 $0xFFFFEC00  }
0x37: {  	[spmem:s1] =	stream.indirect.scatter.add.f32 [tilespmem:s18], [sflag:$0x7], $0x80, s8, s16, $0xb8;
	[tilespmem:$0x1F300] =	vst v63  }
0x38: {  	_ =	swait.ge [sflag:s30], $0x1400  }
0x39: {  	[sflag:s30] =	ssyncset.done $0x0  }
0x3a: {  	s9 =	simm.s32 $0x27D0;
	[sflag:s30] =	ssyncadd.s32 $0xFFFFEC00  }
0x3b: {  	[spmem:s1] =	stream.indirect.scatter.add.f32 [tilespmem:s20], [sflag:$0x8], $0x80, s9, s16, $0xb8;
	[tilespmem:$0x1F300] =	vst v63  }
0x3c: {  	_ =	swait.ge [sflag:s0], $0x1400  }
0x3d: {  	[sflag:s0] =	ssyncset.done $0x0  }
0x3e: {  	s8 =	simm.s32 $0x27F8;
	[sflag:s0] =	ssyncadd.s32 $0xFFFFEC00  }
0x3f: {  	[spmem:s1] =	stream.indirect.scatter.add.f32 [tilespmem:s22], [sflag:$0x9], $0x80, s8, s16, $0xb8;
	[tilespmem:$0x1F300] =	vst v63  }
0x40: {  	_ =	swait.ge [sflag:s19], $0x1400  }
0x41: {  	[sflag:s19] =	ssyncset.done $0x0  }
0x42: {  	s9 =	simm.s32 $0x2820;
	[sflag:s19] =	ssyncadd.s32 $0xFFFFEC00  }
0x43: {  	[spmem:s1] =	stream.indirect.scatter.add.f32 [tilespmem:s24], [sflag:$0xA], $0x80, s9, s16, $0xb8;
	[tilespmem:$0x1F300] =	vst v63  }
0x44: {  	_ =	swait.ge [sflag:s23], $0x1400  }
0x45: {  	[sflag:s23] =	ssyncset.done $0x0  }
0x46: {  	[sflag:s23] =	ssyncadd.s32 $0xFFFFEC00  }
0x47: {  	_ =	swait.ge [sflag:s29], $0x1400  }
0x48: {  	[sflag:s29] =	ssyncset.done $0x0  }
0x49: {  	[sflag:s29] =	ssyncadd.s32 $0xFFFFEC00  }
0x4a: {  	_ =	swait.ge [sflag:s31], $0x1400  }
0x4b: {  	[sflag:s31] =	ssyncset.done $0x0  }
0x4c: {  	[sflag:s31] =	ssyncadd.s32 $0xFFFFEC00  }
0x4d: {  	_ =	swait.ge [sflag:s2], $0x1400  }
0x4e: {  	[sflag:s2] =	ssyncset.done $0x0  }
0x4f: {  	[sflag:s2] =	ssyncadd.s32 $0xFFFFEC00  }
0x50: {  	_ =	swait.ge [sflag:s21], $0x1400  }
0x51: {  	[sflag:s21] =	ssyncset.done $0x0  }
0x52: {  	s8 =	simm.s32 $0xC8;
	[sflag:s21] =	ssyncadd.s32 $0xFFFFEC00  }
0x53: {  	[tilespmem:s17], [sflag:$0x1] =	stream.indirect.gather [hbm4b:s4+s16], $0x80, s8, s16, $0xb8;
	[tilespmem:$0x1F300] =	vst v63  }
0x54: {  	s5 =	simm.s32 $0xF0  }
0x55: {  	[tilespmem:s18], [sflag:$0x2] =	stream.indirect.gather [hbm4b:s4+s16], $0x80, s5, s16, $0xb8;
	[tilespmem:$0x1F300] =	vst v63  }
0x56: {  	s9 =	simm.s32 $0x118  }
0x57: {  	[tilespmem:s20], [sflag:$0x3] =	stream.indirect.gather [hbm4b:s4+s16], $0x80, s9, s16, $0xb8;
	[tilespmem:$0x1F300] =	vst v63  }
0x58: {  	s5 =	simm.s32 $0x140  }
0x59: {  	[tilespmem:s22], [sflag:$0x4] =	stream.indirect.gather [hbm4b:s4+s16], $0x80, s5, s16, $0xb8;
	[tilespmem:$0x1F300] =	vst v63  }
0x5a: {  	s9 =	simm.s32 $0x168  }
0x5b: {  	[tilespmem:s24], [sflag:$0x5] =	stream.indirect.gather [hbm4b:s4+s16], $0x80, s9, s16, $0xb8;
	[tilespmem:$0x1F300] =	vst v63  }
0x5c: {  	_ =	swait.ge [sflag:s26], $0x1400  }
0x5d: {  	[sflag:s26] =	ssyncset.done $0x0  }
0x5e: {  	s5 =	simm.s32 $0x2848;
	[sflag:s26] =	ssyncadd.s32 $0xFFFFEC00  }
0x5f: {  	[spmem:s1] =	stream.indirect.scatter.add.f32 [tilespmem:s17], [sflag:$0x6], $0x80, s5, s16, $0xb8;
	[tilespmem:$0x1F300] =	vst v63  }
0x60: {  	_ =	swait.ge [sflag:s28], $0x1400  }
0x61: {  	[sflag:s28] =	ssyncset.done $0x0  }
0x62: {  	s9 =	simm.s32 $0x2870;
	[sflag:s28] =	ssyncadd.s32 $0xFFFFEC00  }
0x63: {  	[spmem:s1] =	stream.indirect.scatter.add.f32 [tilespmem:s18], [sflag:$0x7], $0x80, s9, s16, $0xb8;
	[tilespmem:$0x1F300] =	vst v63  }
0x64: {  	_ =	swait.ge [sflag:s30], $0x1400  }
0x65: {  	[sflag:s30] =	ssyncset.done $0x0  }
0x66: {  	s5 =	simm.s32 $0x2898;
	[sflag:s30] =	ssyncadd.s32 $0xFFFFEC00  }
0x67: {  	[spmem:s1] =	stream.indirect.scatter.add.f32 [tilespmem:s20], [sflag:$0x8], $0x80, s5, s16, $0xb8;
	[tilespmem:$0x1F300] =	vst v63  }
0x68: {  	_ =	swait.ge [sflag:s0], $0x1400  }
0x69: {  	[sflag:s0] =	ssyncset.done $0x0  }
0x6a: {  	s9 =	simm.s32 $0x28C0;
	[sflag:s0] =	ssyncadd.s32 $0xFFFFEC00  }
0x6b: {  	[spmem:s1] =	stream.indirect.scatter.add.f32 [tilespmem:s22], [sflag:$0x9], $0x80, s9, s16, $0xb8;
	[tilespmem:$0x1F300] =	vst v63  }
0x6c: {  	_ =	swait.ge [sflag:s19], $0x1400  }
0x6d: {  	[sflag:s19] =	ssyncset.done $0x0  }
0x6e: {  	s8 =	simm.s32 $0x320;
	s9 =	simm.s32 $0x28E8;
	[sflag:s19] =	ssyncadd.s32 $0xFFFFEC00  }
.LBB2_2:
0x6f: {  	[spmem:s1] =	stream.indirect.scatter.add.f32 [tilespmem:s24], [sflag:$0xA], $0x80, s9, s16, $0xb8;
	[tilespmem:$0x1F300] =	vst v63  }
0x70: {  	s9 =	smov.u32 s8  }
0x71: {  	p1 =	sne.s32 s8, $0x9600;
	s8 =	sadd.s32 $0x320, s8;
	_ =	swait.ge [sflag:s23], $0x1400  }
0x72: {  	[sflag:s23] =	ssyncset.done $0x0  }
0x73: {  	[sflag:s23] =	ssyncadd.s32 $0xFFFFEC00  }
0x74: {  	_ =	swait.ge [sflag:s29], $0x1400  }
0x75: {  	[sflag:s29] =	ssyncset.done $0x0  }
0x76: {  	[sflag:s29] =	ssyncadd.s32 $0xFFFFEC00  }
0x77: {  	_ =	swait.ge [sflag:s31], $0x1400  }
0x78: {  	[sflag:s31] =	ssyncset.done $0x0  }
0x79: {  	[sflag:s31] =	ssyncadd.s32 $0xFFFFEC00  }
0x7a: {  	_ =	swait.ge [sflag:s2], $0x1400  }
0x7b: {  	[sflag:s2] =	ssyncset.done $0x0  }
0x7c: {  	[sflag:s2] =	ssyncadd.s32 $0xFFFFEC00  }
0x7d: {  	_ =	swait.ge [sflag:s21], $0x1400  }
0x7e: {  	s9 =	sshra.s32 s9, $0x2;
	[sflag:s21] =	ssyncset.done $0x0  }
0x7f: {  	s5 =	sadd.s32 $0xC8, s9;
	[sflag:s21] =	ssyncadd.s32 $0xFFFFEC00  }
0x80: {  	[tilespmem:s17], [sflag:$0x1] =	stream.indirect.gather [hbm4b:s4+s16], $0x80, s5, s16, $0xb8;
	[tilespmem:$0x1F300] =	vst v63  }
0x81: {  	s5 =	sadd.s32 $0xF0, s9  }
0x82: {  	[tilespmem:s18], [sflag:$0x2] =	stream.indirect.gather [hbm4b:s4+s16], $0x80, s5, s16, $0xb8;
	[tilespmem:$0x1F300] =	vst v63  }
0x83: {  	s5 =	sadd.s32 $0x118, s9  }
0x84: {  	[tilespmem:s20], [sflag:$0x3] =	stream.indirect.gather [hbm4b:s4+s16], $0x80, s5, s16, $0xb8;
	[tilespmem:$0x1F300] =	vst v63  }
0x85: {  	s5 =	sadd.s32 $0x140, s9  }
0x86: {  	[tilespmem:s22], [sflag:$0x4] =	stream.indirect.gather [hbm4b:s4+s16], $0x80, s5, s16, $0xb8;
	[tilespmem:$0x1F300] =	vst v63  }
0x87: {  	s5 =	sadd.s32 $0x168, s9  }
0x88: {  	[tilespmem:s24], [sflag:$0x5] =	stream.indirect.gather [hbm4b:s4+s16], $0x80, s5, s16, $0xb8;
	[tilespmem:$0x1F300] =	vst v63  }
0x89: {  	_ =	swait.ge [sflag:s26], $0x1400  }
0x8a: {  	[sflag:s26] =	ssyncset.done $0x0  }
0x8b: {  	s5 =	sadd.s32 $0x2848, s9;
	[sflag:s26] =	ssyncadd.s32 $0xFFFFEC00  }
0x8c: {  	[spmem:s1] =	stream.indirect.scatter.add.f32 [tilespmem:s17], [sflag:$0x6], $0x80, s5, s16, $0xb8;
	[tilespmem:$0x1F300] =	vst v63  }
0x8d: {  	_ =	swait.ge [sflag:s28], $0x1400  }
0x8e: {  	[sflag:s28] =	ssyncset.done $0x0  }
0x8f: {  	s5 =	sadd.s32 $0x2870, s9;
	[sflag:s28] =	ssyncadd.s32 $0xFFFFEC00  }
0x90: {  	[spmem:s1] =	stream.indirect.scatter.add.f32 [tilespmem:s18], [sflag:$0x7], $0x80, s5, s16, $0xb8;
	[tilespmem:$0x1F300] =	vst v63  }
0x91: {  	_ =	swait.ge [sflag:s30], $0x1400  }
0x92: {  	[sflag:s30] =	ssyncset.done $0x0  }
0x93: {  	s5 =	sadd.s32 $0x2898, s9;
	[sflag:s30] =	ssyncadd.s32 $0xFFFFEC00  }
0x94: {  	[spmem:s1] =	stream.indirect.scatter.add.f32 [tilespmem:s20], [sflag:$0x8], $0x80, s5, s16, $0xb8;
	[tilespmem:$0x1F300] =	vst v63  }
0x95: {  	_ =	swait.ge [sflag:s0], $0x1400  }
0x96: {  	[sflag:s0] =	ssyncset.done $0x0  }
.Ltmp0:
0x97: {  	s5 =	sadd.s32 $0x28C0, s9;
	[sflag:s0] =	ssyncadd.s32 $0xFFFFEC00;
	(pc) =	sbr.rel @p1 .LBB2_2-.Ltmp0, $4  }
0x98: {  	[spmem:s1] =	stream.indirect.scatter.add.f32 [tilespmem:s22], [sflag:$0x9], $0x80, s5, s16, $0xb8;
	[tilespmem:$0x1F300] =	vst v63  }
0x99: {  	_ =	swait.ge [sflag:s19], $0x1400  }
0x9a: {  	[sflag:s19] =	ssyncset.done $0x0  }
0x9b: {  	s9 =	sadd.s32 $0x28E8, s9;
	[sflag:s19] =	ssyncadd.s32 $0xFFFFEC00  }
0x9c: {  	[spmem:s1] =	stream.indirect.scatter.add.f32 [tilespmem:s24], [sflag:$0xA], $0x80, s9, s16, $0xb8;
	[tilespmem:$0x1F300] =	vst v63  }
0x9d: {  	_ =	swait.ge [sflag:s23], $0x1400  }
0x9e: {  	[sflag:s23] =	ssyncset.done $0x0  }
0x9f: {  	[sflag:s23] =	ssyncadd.s32 $0xFFFFEC00  }
0xa0: {  	_ =	swait.ge [sflag:s29], $0x1400  }
0xa1: {  	[sflag:s29] =	ssyncset.done $0x0  }
0xa2: {  	[sflag:s29] =	ssyncadd.s32 $0xFFFFEC00  }
0xa3: {  	_ =	swait.ge [sflag:s31], $0x1400  }
0xa4: {  	[sflag:s31] =	ssyncset.done $0x0  }
0xa5: {  	[sflag:s31] =	ssyncadd.s32 $0xFFFFEC00  }
0xa6: {  	_ =	swait.ge [sflag:s2], $0x1400  }
0xa7: {  	[sflag:s2] =	ssyncset.done $0x0  }
0xa8: {  	[sflag:s2] =	ssyncadd.s32 $0xFFFFEC00  }
0xa9: {  	_ =	swait.ge [sflag:s21], $0x1400  }
0xaa: {  	[sflag:s21] =	ssyncset.done $0x0  }
0xab: {  	[sflag:s21] =	ssyncadd.s32 $0xFFFFEC00  }
0xac: {  	s5 =	simm.s32 @p0 $0xB;
	[bflag:$0x0] =	sbarrier.arrive $0xFFFF  }
0xad: {  	[hbm:s11], [sflag:s7] =	dma.local @p0 [spmem:s25], $0x1900  }
0xae: {  	s6 =	sadd.s32 $0x1, s6;
	_ =	swait.ge @p0 [sflag:s5], $0x1900  }
0xaf: {  	p1 =	sne.s32 s6, s12;
	[sflag:s5] =	ssyncset.done @p0 $0x0  }
0xb0: {  	s8 =	rddreg [dreg:$0x7];
	[sflag:s5] =	ssyncadd.s32 @p0 $0xFFFFE700;
	s5 =	sshrl.u32 @!p0 s10, $0x3  }
0xb1: {  	[hbm:s8], [sflag:s7] =	dma.local @!p0 [spmem:s5], $0x2800  }
.Ltmp1:
0xb2: {  	_ = 	snop;
	(pc) =	sbr.rel @p1 .LBB2_1-.Ltmp1, $4  }
0xb3: {  	s5 =	simm.s32 @!p0 $0xB  }
0xb4: {  	_ =	swait.ge @!p0 [sflag:s5], $0x2800  }
0xb5: {  	[sflag:s5] =	ssyncset.done @!p0 $0x0  }
0xb6: {  	[sflag:s5] =	ssyncadd.s32 @!p0 $0xFFFFD800  }
0xb7: {  	_ =	sfence.sel $0x180000  }
0xb8: {  	[bflag:$0x0] =	sbarrier.arrive $0xFFFF  }
0xb9: {  	_ =	strace $0x9000004D  }
0xba: {  	s0 =	stileid.u32;
	[bflag:$0x2] =	sbarrier.arrive $0xFFFF  }
0xbb: {  	p0 =	sne.s32 s0, $0x0;
	s0 =	rddreg [dreg:$0x3]  }
0xbc: {  	s0 =	sadd.s32 @!p0 $0x100000, s0  }
0xbd: {  	[sflag:s0] =	ssyncadd.tile.s32 @!p0 $0x1;
	_ =	shalt  }
.Lfunc_end2:
_tile_overlayer_lowered:
.L_overlay_start_2:
0xbe: {  	(tag) =	ssettag $0x2  }
0xbf: {  	s0 =	rddreg [dreg:$0x0];
	s2 =	stileid.u32  }
0xc0: {  	s1 =	rddreg [dreg:$0x1];
	p0 =	sne.s32 s2, $0x0  }
0xc1: {  	s3 =	rddreg [dreg:$0x2];
	[bflag:$0x3] =	sbarrier.arrive $0xFFFF;
	s2 =	simm.s32 @!p0 $0x1C0B  }
0xc2: {  	[timem:s3], [sflag:s2] =	dma.local @!p0 [hbm:s0], s1  }
0xc3: {  	s0 =	simm.s32 @!p0 $0xB  }
0xc4: {  	_ =	swait.ge @!p0 [sflag:s0], s1  }
0xc5: {  	s1 =	ssub.s32 @!p0 $0x0, s1;
	[sflag:s0] =	ssyncset.done @!p0 $0x0  }
0xc6: {  	[sflag:s0] =	ssyncadd.s32 @!p0 s1  }
0xc7: {  	[bflag:$0x3] =	sbarrier.arrive $0xFFFF  }
0xc8: {  	_ =	shalt  }

// kernel: kernel.21.cloned.1.call-start
scs
__scs_entry_jumppad:
0x0: {  	(pc) =	sbr.rel $0x88, $3  }
0x1: {  	(tag) =	ssettag $0x0;
	lr =	simm.s32 $0x1  }
0x2: {  	[smem:$0x3F94] =	sst lr;
	_ =	strace $0xD0000000  }
0x3: {  	_ = 	snop  }
0x4: {  	_ = 	snop  }
0x5: {  	_ = 	snop  }
0x6: {  	_ = 	snop  }
0x7: {  	_ = 	snop  }
__scs_overlays_trampoline_lowered:
0x8: {  	[smem:$0x3FA3] =	sst s0  }
0x9: {  	[smem:$0x3FA4] =	sst s1  }
0xa: {  	[smem:$0x3FA5] =	sst s2  }
0xb: {  	[smem:$0x3FA6] =	sst s3  }
0xc: {  	[smem:$0x3FA7] =	sst s4  }
0xd: {  	[smem:$0x3FA8] =	sst s5  }
0xe: {  	[smem:$0x3FA9] =	sst s6  }
0xf: {  	[smem:$0x3FAA] =	sst s7  }
0x10: {  	[smem:$0x3FAB] =	sst s8  }
0x11: {  	[smem:$0x3FAC] =	sst s9;
	s0 =	simm.s32 @!p0 $0x0  }
0x12: {  	s1 =	sld [smem:$0x3F92];
	s0 =	simm.s32 @p0 $0x1  }
0x13: {  	[smem:$0x3FAD] =	sst s0;
	s0 =	simm.s32 @!p1 $0x0  }
0x14: {  	s2 =	sld [smem:$0x3F91];
	s0 =	simm.s32 @p1 $0x1  }
0x15: {  	[smem:$0x3FAE] =	sst s0;
	s0 =	simm.s32 @!p2 $0x0  }
0x16: {  	s3 =	sld [smem:$0x3FDB];
	s0 =	simm.s32 @p2 $0x1  }
0x17: {  	s4 =	simm.s32 $0x1BF5;
	[smem:$0x3FB0] =	sst s0  }
0x18: {  	s0 =	sld [smem:$0x3F93];
	_ =	swait.ge [sflag:s4], $0x0  }
0x19: {  	s7 =	sld [smem:$0x3F94]  }
0x1a: {  	s8 =	sadd.s32 $0xFFFFE003, lr  }
0x1b: {  	s9 =	sadd.s32 $0xFFFFFEF7, lr;
	s5 =	simm.s32 $0xFFFFFFFF;
	p2 =	slt.u32 s8, $0xFFFFF086  }
0x1c: {  	p1 =	slt.u32 s9, $0xF7A;
	s5 =	simm.s32 @!p2 $0x0  }
0x1d: {  	s5 =	simm.s32 @p1 $0x1;
	p0 =	seq.s32 s7, s2  }
0x1e: {  	s7 =	smul.u32 @!p0 $0xF7A, s2;
	p2 =	seq.s32 @!p0 s5, $0x0  }
0x1f: {  	s9 =	smul.u32 $0xF7A, s1;
	s8 =	simm.s32 @!p0 $0x1BF5;
	p2 =	por !p2, p0  }
0x20: {  	[sflag:s8] =	ssyncset.s32 @!p0 $0xFFFFF086;
	s6 =	sadd.s32 @!p0 s3, s7;
	s7 =	simm.s32 @!p0 $0x108  }
0x21: {  	s3 =	sadd.s32 s3, s9;
	s6 =	sadd.s32 @!p0 $0x88, s6;
	s7 =	simm.s32 @p2 $0x1082  }
0x22: {  	[simem:s7], [sflag:s8] =	dma.local @!p0 [hbm:s6], $0xF7A  }
0x23: {  	s9 =	sor.u32 $0xD0000000, s2;
	s6 =	simm.s32 $0x108;
	_ =	swait.ge @!p0 [sflag:s8], $0x0  }
0x24: {  	s3 =	sadd.s32 $0x88, s3;
	s6 =	simm.s32 @!p1 $0x1082;
	[sflag:s4] =	ssyncset.s32 $0xFFFFF086  }
0x25: {  	[simem:s6], [sflag:s4] =	dma.local [hbm:s3], $0xF7A  }
0x26: {  	[smem:$0x3F94] =	sst s1;
	(tag) =	ssettag s2;
	_ =	strace s9  }
0x27: {  	s1 =	sld [smem:$0x3FA4]  }
0x28: {  	s2 =	sld [smem:$0x3FA5]  }
0x29: {  	s4 =	sld [smem:$0x3FA7]  }
0x2a: {  	p0 =	seq.s32 s5, $0x0;
	s5 =	sld [smem:$0x3FA8]  }
0x2b: {  	s6 =	sld [smem:$0x3FA9]  }
0x2c: {  	s7 =	sld [smem:$0x3FAA]  }
0x2d: {  	s3 =	simm.s32 $0x108;
	s8 =	sld [smem:$0x3FAB]  }
0x2e: {  	s3 =	simm.s32 @!p0 $0x1082;
	s9 =	sld [smem:$0x3FAC]  }
0x2f: {  	lr =	sadd.s32 s0, s3;
	s0 =	sld [smem:$0x3FA3]  }
0x30: {  	s3 =	sld [smem:$0x3FA6]  }
0x31: {  	[smem:$0x3FAF] =	sst s10  }
0x32: {  	s10 =	sld [smem:$0x3FAD];
	_ =	sdelay $0x3  }
0x33: {  	p0 =	seq.s32 s10, $0x1;
	s10 =	sld [smem:$0x3FAF];
	_ =	sdelay $0x3  }
0x34: {  	[smem:$0x3FAF] =	sst s10  }
0x35: {  	s10 =	sld [smem:$0x3FAE];
	_ =	sdelay $0x3  }
0x36: {  	p1 =	seq.s32 s10, $0x1;
	s10 =	sld [smem:$0x3FAF];
	_ =	sdelay $0x3  }
0x37: {  	[smem:$0x3FAF] =	sst s10  }
0x38: {  	s10 =	sld [smem:$0x3FB0]  }
0x39: {  	_ = 	snop;
	(pc) =	sbr.ind lr, $3  }
0x3a: {  	_ = 	snop  }
0x3b: {  	_ = 	snop  }
0x3c: {  	p2 =	seq.s32 s10, $0x1;
	s10 =	sld [smem:$0x3FAF]  }
0x3d: {  	_ =	shalt  }
0x3e: {  	_ =	shalt  }
0x3f: {  	_ =	shalt  }
0x40: {  	_ =	shalt  }
0x41: {  	_ =	shalt  }
0x42: {  	_ =	shalt  }
0x43: {  	_ =	shalt  }
0x44: {  	_ =	shalt  }
0x45: {  	_ =	shalt  }
0x46: {  	_ =	shalt  }
0x47: {  	_ =	shalt  }
0x48: {  	_ =	shalt  }
0x49: {  	_ =	shalt  }
0x4a: {  	_ =	shalt  }
0x4b: {  	_ =	shalt  }
0x4c: {  	_ =	shalt  }
0x4d: {  	_ =	shalt  }
0x4e: {  	_ =	shalt  }
0x4f: {  	_ =	shalt  }
0x50: {  	_ =	shalt  }
0x51: {  	_ =	shalt  }
0x52: {  	_ =	shalt  }
0x53: {  	_ =	shalt  }
0x54: {  	_ =	shalt  }
0x55: {  	_ =	shalt  }
0x56: {  	_ =	shalt  }
0x57: {  	_ =	shalt  }
0x58: {  	_ =	shalt  }
0x59: {  	_ =	shalt  }
0x5a: {  	_ =	shalt  }
0x5b: {  	_ =	shalt  }
0x5c: {  	_ =	shalt  }
0x5d: {  	_ =	shalt  }
0x5e: {  	_ =	shalt  }
0x5f: {  	_ =	shalt  }
0x60: {  	_ =	shalt  }
0x61: {  	_ =	shalt  }
0x62: {  	_ =	shalt  }
0x63: {  	_ =	shalt  }
0x64: {  	_ =	shalt  }
0x65: {  	_ =	shalt  }
0x66: {  	_ =	shalt  }
0x67: {  	_ =	shalt  }
0x68: {  	_ =	shalt  }
0x69: {  	_ =	shalt  }
0x6a: {  	_ =	shalt  }
0x6b: {  	_ =	shalt  }
0x6c: {  	_ =	shalt  }
0x6d: {  	_ =	shalt  }
0x6e: {  	_ =	shalt  }
0x6f: {  	_ =	shalt  }
0x70: {  	_ =	shalt  }
0x71: {  	_ =	shalt  }
0x72: {  	_ =	shalt  }
0x73: {  	_ =	shalt  }
0x74: {  	_ =	shalt  }
0x75: {  	_ =	shalt  }
0x76: {  	_ =	shalt  }
0x77: {  	_ =	shalt  }
0x78: {  	_ =	shalt  }
0x79: {  	_ =	shalt  }
0x7a: {  	_ =	shalt  }
0x7b: {  	_ =	shalt  }
0x7c: {  	_ =	shalt  }
0x7d: {  	_ =	shalt  }
0x7e: {  	_ =	shalt  }
0x7f: {  	_ =	shalt  }
0x80: {  	_ =	shalt  }
0x81: {  	_ =	shalt  }
0x82: {  	_ =	shalt  }
0x83: {  	_ =	shalt  }
0x84: {  	_ =	shalt  }
0x85: {  	_ =	shalt  }
0x86: {  	_ =	shalt  }
0x87: {  	_ =	shalt  }
.Lfunc_end0:
.L_simem_size_0:
called_computation.3_lowered:
.L_overlay_start_0:
0x88: {  	s2 =	sld [smem:$0x3FD9]  }
0x89: {  	s3 =	sld [smem:$0x3FFE];
	_ =	sdelay $0x1  }
0x8a: {  	s1 =	srdreg.scid  }
0x8b: {  	s0 =	sand.u32 $0x1, s1  }
0x8c: {  	s17 =	sshll.u32 s0, $0xA;
	s2 =	sadd.s32 s3, s2  }
0x8d: {  	s2 =	sadd.s32 s2, s17  }
0x8e: {  	[smem:$0x3FBB] =	sst s2  }
0x8f: {  	_ = 	snop  }
0x90: {  	s2 =	sld [smem:$0x3FD0];
	(tm) =	ssettm $0x1  }
0x91: {  	s18 =	sld [smem:$0x3FFB];
	_ =	sdelay $0x3  }
0x92: {  	_ =	strace s18  }
0x93: {  	s3 =	sld [smem:$0x3FFC];
	_ =	sdelay $0x3  }
0x94: {  	_ =	strace s3  }
0x95: {  	s3 =	sld [smem:$0x3FFD];
	_ =	sdelay $0x3  }
0x96: {  	_ =	strace s3  }
0x97: {  	_ =	strace $0x8FFFFFFF  }
0x98: {  	s19 =	sld [smem:$0x3FDB];
	_ =	sdelay $0x1  }
0x99: {  	s4 =	simm.s32 $_scs_section_size  }
0x9a: {  	s5 =	simm.s32 $_size__tile_overlayer_lowered;
	s6 =	simm.s32 $_tile_overlayer_lowered  }
0x9b: {  	s22 =	simm.s32 $0x1BFF;
	s21 =	sshll.u32 s6, $0x1;
	s3 =	sadd.s32 s4, s19  }
0x9c: {  	s7 =	simm.s32 $0x0;
	s20 =	sshll.u32 s5, $0x1;
	s5 =	sadd.s32 s21, s3  }
0x9d: {  	[timem:s7], [sflag:s22] =	dma.local [hbm:s5], s20  }
0x9e: {  	_ =	swait.ge [sflag:s22], s20  }
0x9f: {  	s4 =	ssub.s32 $0x0, s20;
	[sflag:s22] =	ssyncset.done $0x0  }
0xa0: {  	[sflag:s22] =	ssyncadd.s32 s4;
	_ =	sdelay $0x1  }
0xa1: {  	s23 =	simm.s32 $0x1B8B  }
0xa2: {  	_ =	swait.ge [sflag:s23], $0x1  }
0xa3: {  	[sflag:s23] =	ssyncset.done $0x0  }
0xa4: {  	s25 =	simm.s32 $0x1B8E;
	s24 =	sld [smem:$0x3FFE];
	[sflag:s23] =	ssyncadd.s32 $0xFFFFFFFF  }
0xa5: {  	s26 =	simm.s32 $execute0_lowered;
	[smem:$0x3FD2] =	sst s25  }
0xa6: {  	s5 =	sshll.u32 s26, $0x1;
	_ =	strace $0x8000004F;
	[dreg:$0x1] =	wrdreg $0xFFFFFFFF  }
0xa7: {  	s28 =	simm.s32 $_size_execute0_lowered;
	s3 =	sadd.s32 s3, s5;
	[dreg:$0x0] =	wrdreg $0x0  }
0xa8: {  	s5 =	sshll.u32 s28, $0x1;
	[dreg:$0x2] =	wrdreg s3  }
0xa9: {  	[dreg:$0x3] =	wrdreg s5  }
0xaa: {  	[dreg:$0x4] =	wrdreg $0xC0  }
0xab: {  	_ =	task [dreg:s7], $0x5FFFF  }
0xac: {  	[dreg:$0x1] =	wrdreg $0xFFFFFFFF  }
0xad: {  	[dreg:$0x0] =	wrdreg $0x60  }
0xae: {  	[dreg:$0x2] =	wrdreg s24  }
0xaf: {  	[dreg:$0x3] =	wrdreg s2  }
0xb0: {  	[dreg:$0x4] =	wrdreg $0xB3000  }
0xb1: {  	[dreg:$0x5] =	wrdreg $0x9  }
0xb2: {  	_ =	task.clear_ibuf [dreg:s7], $0x6FFFF;
	_ =	strace $0x9000004F  }
0xb3: {  	s29 =	simm.s32 $0x9;
	_ =	strace $0x80000051  }
0xb4: {  	_ =	swait.ge [sflag:s29], $0x1  }
0xb5: {  	[sflag:s29] =	ssyncadd.s32 $0xFFFFFFFF  }
0xb6: {  	_ =	strace $0x90000051  }
0xb7: {  	_ =	sfence  }
0xb8: {  	s30 =	sld [smem:$0x0];
	_ =	sdelay $0x2  }
0xb9: {  	s31 =	sshll.u32 s1, $0xD;
	s1 =	sshrl.u32 s1, $0x2  }
0xba: {  	s3 =	sand.u32 $0x4000, s31;
	s1 =	sadd.s32 s1, s30  }
0xbb: {  	s0 =	sor.u32 s3, s0;
	s1 =	sshll.u32 s1, $0x11  }
0xbc: {  	s0 =	sor.u32 s1, s0  }
0xbd: {  	s0 =	sadd.s32 $0x8F2B, s0  }
0xbe: {  	[sflag:s0] =	ssyncadd.remote.s32 $0x1  }
0xbf: {  	_ =	sfence.sel $0xFFFF  }
0xc0: {  	[dreg:$0x0] =	wrdreg $0xFFFFFFFF;
	(pc) =	sbr.abs _section_cstart, $3  }
0xc1: {  	[dreg:$0x1] =	wrdreg $0xFFFFFFFF  }
0xc2: {  	_ =	task.clear_ibuf [dreg:s7], $0x2FFFF;
	_ =	strace $0x9FFFFFFF  }
0xc3: {  	(tm) =	ssettm $0x7FFFFFFF  }
tec
execute0_lowered:
.L_overlay_start_1:
0x0: {  	(tag) =	ssettag $0x1  }
0x1: {  	s0 =	rddreg [dreg:$0x0]  }
0x2: {  	s2 =	rddreg [dreg:$0x1]  }
0x3: {  	s1 =	rddreg [dreg:$0x2];
	s3 =	srdreg.scid  }
0x4: {  	s19 =	stileid.u32;
	s14 =	simm.s32 $0xB;
	s15 =	simm.s32 $0x2780  }
0x5: {  	s16 =	simm.s32 $0x28;
	s17 =	simm.s32 $0x4F00;
	s18 =	simm.s32 $0x6300  }
0x6: {  	s28 =	simm.s32 $0x2;
	s30 =	simm.s32 $0x3;
	s29 =	simm.s32 $0x7  }
0x7: {  	s31 =	simm.s32 $0x8;
	s5 =	sand.u32 $0x1, s3;
	s7 =	smul.u32 $0x2800, s19  }
0x8: {  	s3 =	simm.s32 $0x0;
	s10 =	smul.u32 $0x50000, s19;
	s22 =	sshll.u32 s19, $0x6  }
0x9: {  	s23 =	smul.u32 $0x14000, s19;
	p0 =	seq.s32 s19, $0xF;
	s4 =	sshll.u32 s5, $0x4  }
0xa: {  	[smem:$0x7FF] =	sst s3;
	s8 =	ssub.s32 $0x2, s5;
	s20 =	smul.u32 $0x138800, s5  }
0xb: {  	s4 =	sor.u32 s19, s4;
	_ =	strace $0x80000050;
	s9 =	sshrl.u32 s8, $0x1  }
0xc: {  	s21 =	sshrl.u32 s10, $0x2;
	s19 =	simm.s32 $0x5;
	s6 =	smul.u32 $0x4E2, s4  }
0xd: {  	s4 =	sadd.s32 $0x17000, s0;
	s8 =	ssub.s32 s8, s9;
	s5 =	sadd.s32 s21, s1  }
0xe: {  	s25 =	sadd.s32 s23, s20;
	s9 =	sshrl.u32 s20, $0x3;
	s20 =	simm.s32 $0x7700  }
0xf: {  	s23 =	simm.s32 $0x6;
	s21 =	simm.s32 $0xA;
	s26 =	sadd.s32 s2, s9  }
0x10: {  	s12 =	smax.u32 s8, $0x1;
	s10 =	smov.u32 s5;
	s13 =	sshrl.u32 s5, $0x3  }
0x11: {  	s6 =	sadd.s32 s6, s0;
	s0 =	sadd.s32 s7, s0;
	s7 =	sor.u32 $0x1C0B, s22  }
0x12: {  	s11 =	sadd.s32 $0x25800, s26;
	s22 =	simm.s32 $0x8B00;
	s0 =	sadd.s32 $0x3E200, s0  }
0x13: {  	s26 =	simm.s32 $0x1;
	s24 =	sadd.s32 $0x3400, s6;
	[dreg:$0x4] =	wrdreg s0  }
0x14: {  	s6 =	sadd.s32 $0xD200, s6;
	[dreg:$0x5] =	wrdreg s24;
	s0 =	sshrl.u32 s25, $0x3  }
0x15: {  	[dreg:$0x6] =	wrdreg s6;
	s24 =	simm.s32 $0x9F00;
	s0 =	sadd.s32 s2, s0  }
0x16: {  	s6 =	simm.s32 $0x0;
	[dreg:$0x7] =	wrdreg s0;
	s0 =	sadd.s32 $0x12C000, s1  }
0x17: {  	s2 =	simm.s32 $0x9;
	s25 =	sshrl.u32 @p0 s0, $0x3;
	s0 =	simm.s32 $0x4  }
.LBB2_1:
0x18: {  	s5 =	rddreg [dreg:$0x4]  }
0x19: {  	[spmem:s13], [sflag:s7] =	dma.local [hbm:s5], $0x2800  }
0x1a: {  	_ =	swait.ge [sflag:s14], $0x2800  }
0x1b: {  	[sflag:s14] =	ssyncset.done $0x0  }
0x1c: {  	[sflag:s14] =	ssyncadd.s32 $0xFFFFD800  }
0x1d: {  	[bflag:$0x0] =	sbarrier.arrive $0xFFFF  }
0x1e: {  	s9 =	rddreg [dreg:$0x5]  }
0x1f: {  	[tilespmem:s3], [sflag:$0xB] =	stream.linear.gather [hbm4b:s9+s3], $0x2710, $0x38;
	[tilespmem:$0x1F300] =	vst v63  }
0x20: {  	_ =	swait.ge [sflag:s14], $0x2710  }
0x21: {  	[sflag:s14] =	ssyncset.done $0x0  }
0x22: {  	s8 =	rddreg [dreg:$0x6];
	[sflag:s14] =	ssyncadd.s32 $0xFFFFD8F0  }
0x23: {  	[tilespmem:s15], [sflag:$0xB] =	stream.linear.gather [hbm4b:s8+s3], $0x2710, $0x38;
	[tilespmem:$0x1F300] =	vst v63  }
0x24: {  	_ =	swait.ge [sflag:s14], $0x2710  }
0x25: {  	[sflag:s14] =	ssyncset.done $0x0  }
0x26: {  	[sflag:s14] =	ssyncadd.s32 $0xFFFFD8F0  }
0x27: {  	[tilespmem:s17], [sflag:$0x1] =	stream.indirect.gather [hbm4b:s4+s16], $0x80, s3, s16, $0xb8;
	[tilespmem:$0x1F300] =	vst v63  }
0x28: {  	_ = 	snop  }
0x29: {  	[tilespmem:s18], [sflag:$0x2] =	stream.indirect.gather [hbm4b:s4+s16], $0x80, s16, s16, $0xb8;
	[tilespmem:$0x1F300] =	vst v63  }
0x2a: {  	s9 =	simm.s32 $0x50  }
0x2b: {  	[tilespmem:s20], [sflag:$0x3] =	stream.indirect.gather [hbm4b:s4+s16], $0x80, s9, s16, $0xb8;
	[tilespmem:$0x1F300] =	vst v63  }
0x2c: {  	s8 =	simm.s32 $0x78  }
0x2d: {  	[tilespmem:s22], [sflag:$0x4] =	stream.indirect.gather [hbm4b:s4+s16], $0x80, s8, s16, $0xb8;
	[tilespmem:$0x1F300] =	vst v63  }
0x2e: {  	s9 =	simm.s32 $0xA0  }
0x2f: {  	[tilespmem:s24], [sflag:$0x5] =	stream.indirect.gather [hbm4b:s4+s16], $0x80, s9, s16, $0xb8;
	[tilespmem:$0x1F300] =	vst v63  }
0x30: {  	_ =	swait.ge [sflag:s26], $0x1400  }
0x31: {  	[sflag:s26] =	ssyncset.done $0x0  }
0x32: {  	[sflag:s26] =	ssyncadd.s32 $0xFFFFEC00  }
0x33: {  	[spmem:s1] =	stream.indirect.scatter.add.f32 [tilespmem:s17], [sflag:$0x6], $0x80, s15, s16, $0xb8;
	[tilespmem:$0x1F300] =	vst v63  }
0x34: {  	_ =	swait.ge [sflag:s28], $0x1400  }
0x35: {  	[sflag:s28] =	ssyncset.done $0x0  }
0x36: {  	s8 =	simm.s32 $0x27A8;
	[sflag:s28] =	ssyncadd.s32 $0xFFFFEC00  }
0x37: {  	[spmem:s1] =	stream.indirect.scatter.add.f32 [tilespmem:s18], [sflag:$0x7], $0x80, s8, s16, $0xb8;
	[tilespmem:$0x1F300] =	vst v63  }
0x38: {  	_ =	swait.ge [sflag:s30], $0x1400  }
0x39: {  	[sflag:s30] =	ssyncset.done $0x0  }
0x3a: {  	s9 =	simm.s32 $0x27D0;
	[sflag:s30] =	ssyncadd.s32 $0xFFFFEC00  }
0x3b: {  	[spmem:s1] =	stream.indirect.scatter.add.f32 [tilespmem:s20], [sflag:$0x8], $0x80, s9, s16, $0xb8;
	[tilespmem:$0x1F300] =	vst v63  }
0x3c: {  	_ =	swait.ge [sflag:s0], $0x1400  }
0x3d: {  	[sflag:s0] =	ssyncset.done $0x0  }
0x3e: {  	s8 =	simm.s32 $0x27F8;
	[sflag:s0] =	ssyncadd.s32 $0xFFFFEC00  }
0x3f: {  	[spmem:s1] =	stream.indirect.scatter.add.f32 [tilespmem:s22], [sflag:$0x9], $0x80, s8, s16, $0xb8;
	[tilespmem:$0x1F300] =	vst v63  }
0x40: {  	_ =	swait.ge [sflag:s19], $0x1400  }
0x41: {  	[sflag:s19] =	ssyncset.done $0x0  }
0x42: {  	s9 =	simm.s32 $0x2820;
	[sflag:s19] =	ssyncadd.s32 $0xFFFFEC00  }
0x43: {  	[spmem:s1] =	stream.indirect.scatter.add.f32 [tilespmem:s24], [sflag:$0xA], $0x80, s9, s16, $0xb8;
	[tilespmem:$0x1F300] =	vst v63  }
0x44: {  	_ =	swait.ge [sflag:s23], $0x1400  }
0x45: {  	[sflag:s23] =	ssyncset.done $0x0  }
0x46: {  	[sflag:s23] =	ssyncadd.s32 $0xFFFFEC00  }
0x47: {  	_ =	swait.ge [sflag:s29], $0x1400  }
0x48: {  	[sflag:s29] =	ssyncset.done $0x0  }
0x49: {  	[sflag:s29] =	ssyncadd.s32 $0xFFFFEC00  }
0x4a: {  	_ =	swait.ge [sflag:s31], $0x1400  }
0x4b: {  	[sflag:s31] =	ssyncset.done $0x0  }
0x4c: {  	[sflag:s31] =	ssyncadd.s32 $0xFFFFEC00  }
0x4d: {  	_ =	swait.ge [sflag:s2], $0x1400  }
0x4e: {  	[sflag:s2] =	ssyncset.done $0x0  }
0x4f: {  	[sflag:s2] =	ssyncadd.s32 $0xFFFFEC00  }
0x50: {  	_ =	swait.ge [sflag:s21], $0x1400  }
0x51: {  	[sflag:s21] =	ssyncset.done $0x0  }
0x52: {  	s8 =	simm.s32 $0xC8;
	[sflag:s21] =	ssyncadd.s32 $0xFFFFEC00  }
0x53: {  	[tilespmem:s17], [sflag:$0x1] =	stream.indirect.gather [hbm4b:s4+s16], $0x80, s8, s16, $0xb8;
	[tilespmem:$0x1F300] =	vst v63  }
0x54: {  	s5 =	simm.s32 $0xF0  }
0x55: {  	[tilespmem:s18], [sflag:$0x2] =	stream.indirect.gather [hbm4b:s4+s16], $0x80, s5, s16, $0xb8;
	[tilespmem:$0x1F300] =	vst v63  }
0x56: {  	s9 =	simm.s32 $0x118  }
0x57: {  	[tilespmem:s20], [sflag:$0x3] =	stream.indirect.gather [hbm4b:s4+s16], $0x80, s9, s16, $0xb8;
	[tilespmem:$0x1F300] =	vst v63  }
0x58: {  	s5 =	simm.s32 $0x140  }
0x59: {  	[tilespmem:s22], [sflag:$0x4] =	stream.indirect.gather [hbm4b:s4+s16], $0x80, s5, s16, $0xb8;
	[tilespmem:$0x1F300] =	vst v63  }
0x5a: {  	s9 =	simm.s32 $0x168  }
0x5b: {  	[tilespmem:s24], [sflag:$0x5] =	stream.indirect.gather [hbm4b:s4+s16], $0x80, s9, s16, $0xb8;
	[tilespmem:$0x1F300] =	vst v63  }
0x5c: {  	_ =	swait.ge [sflag:s26], $0x1400  }
0x5d: {  	[sflag:s26] =	ssyncset.done $0x0  }
0x5e: {  	s5 =	simm.s32 $0x2848;
	[sflag:s26] =	ssyncadd.s32 $0xFFFFEC00  }
0x5f: {  	[spmem:s1] =	stream.indirect.scatter.add.f32 [tilespmem:s17], [sflag:$0x6], $0x80, s5, s16, $0xb8;
	[tilespmem:$0x1F300] =	vst v63  }
0x60: {  	_ =	swait.ge [sflag:s28], $0x1400  }
0x61: {  	[sflag:s28] =	ssyncset.done $0x0  }
0x62: {  	s9 =	simm.s32 $0x2870;
	[sflag:s28] =	ssyncadd.s32 $0xFFFFEC00  }
0x63: {  	[spmem:s1] =	stream.indirect.scatter.add.f32 [tilespmem:s18], [sflag:$0x7], $0x80, s9, s16, $0xb8;
	[tilespmem:$0x1F300] =	vst v63  }
0x64: {  	_ =	swait.ge [sflag:s30], $0x1400  }
0x65: {  	[sflag:s30] =	ssyncset.done $0x0  }
0x66: {  	s5 =	simm.s32 $0x2898;
	[sflag:s30] =	ssyncadd.s32 $0xFFFFEC00  }
0x67: {  	[spmem:s1] =	stream.indirect.scatter.add.f32 [tilespmem:s20], [sflag:$0x8], $0x80, s5, s16, $0xb8;
	[tilespmem:$0x1F300] =	vst v63  }
0x68: {  	_ =	swait.ge [sflag:s0], $0x1400  }
0x69: {  	[sflag:s0] =	ssyncset.done $0x0  }
0x6a: {  	s9 =	simm.s32 $0x28C0;
	[sflag:s0] =	ssyncadd.s32 $0xFFFFEC00  }
0x6b: {  	[spmem:s1] =	stream.indirect.scatter.add.f32 [tilespmem:s22], [sflag:$0x9], $0x80, s9, s16, $0xb8;
	[tilespmem:$0x1F300] =	vst v63  }
0x6c: {  	_ =	swait.ge [sflag:s19], $0x1400  }
0x6d: {  	[sflag:s19] =	ssyncset.done $0x0  }
0x6e: {  	s8 =	simm.s32 $0x320;
	s9 =	simm.s32 $0x28E8;
	[sflag:s19] =	ssyncadd.s32 $0xFFFFEC00  }
.LBB2_2:
0x6f: {  	[spmem:s1] =	stream.indirect.scatter.add.f32 [tilespmem:s24], [sflag:$0xA], $0x80, s9, s16, $0xb8;
	[tilespmem:$0x1F300] =	vst v63  }
0x70: {  	s9 =	smov.u32 s8  }
0x71: {  	p1 =	sne.s32 s8, $0x9600;
	s8 =	sadd.s32 $0x320, s8;
	_ =	swait.ge [sflag:s23], $0x1400  }
0x72: {  	[sflag:s23] =	ssyncset.done $0x0  }
0x73: {  	[sflag:s23] =	ssyncadd.s32 $0xFFFFEC00  }
0x74: {  	_ =	swait.ge [sflag:s29], $0x1400  }
0x75: {  	[sflag:s29] =	ssyncset.done $0x0  }
0x76: {  	[sflag:s29] =	ssyncadd.s32 $0xFFFFEC00  }
0x77: {  	_ =	swait.ge [sflag:s31], $0x1400  }
0x78: {  	[sflag:s31] =	ssyncset.done $0x0  }
0x79: {  	[sflag:s31] =	ssyncadd.s32 $0xFFFFEC00  }
0x7a: {  	_ =	swait.ge [sflag:s2], $0x1400  }
0x7b: {  	[sflag:s2] =	ssyncset.done $0x0  }
0x7c: {  	[sflag:s2] =	ssyncadd.s32 $0xFFFFEC00  }
0x7d: {  	_ =	swait.ge [sflag:s21], $0x1400  }
0x7e: {  	s9 =	sshra.s32 s9, $0x2;
	[sflag:s21] =	ssyncset.done $0x0  }
0x7f: {  	s5 =	sadd.s32 $0xC8, s9;
	[sflag:s21] =	ssyncadd.s32 $0xFFFFEC00  }
0x80: {  	[tilespmem:s17], [sflag:$0x1] =	stream.indirect.gather [hbm4b:s4+s16], $0x80, s5, s16, $0xb8;
	[tilespmem:$0x1F300] =	vst v63  }
0x81: {  	s5 =	sadd.s32 $0xF0, s9  }
0x82: {  	[tilespmem:s18], [sflag:$0x2] =	stream.indirect.gather [hbm4b:s4+s16], $0x80, s5, s16, $0xb8;
	[tilespmem:$0x1F300] =	vst v63  }
0x83: {  	s5 =	sadd.s32 $0x118, s9  }
0x84: {  	[tilespmem:s20], [sflag:$0x3] =	stream.indirect.gather [hbm4b:s4+s16], $0x80, s5, s16, $0xb8;
	[tilespmem:$0x1F300] =	vst v63  }
0x85: {  	s5 =	sadd.s32 $0x140, s9  }
0x86: {  	[tilespmem:s22], [sflag:$0x4] =	stream.indirect.gather [hbm4b:s4+s16], $0x80, s5, s16, $0xb8;
	[tilespmem:$0x1F300] =	vst v63  }
0x87: {  	s5 =	sadd.s32 $0x168, s9  }
0x88: {  	[tilespmem:s24], [sflag:$0x5] =	stream.indirect.gather [hbm4b:s4+s16], $0x80, s5, s16, $0xb8;
	[tilespmem:$0x1F300] =	vst v63  }
0x89: {  	_ =	swait.ge [sflag:s26], $0x1400  }
0x8a: {  	[sflag:s26] =	ssyncset.done $0x0  }
0x8b: {  	s5 =	sadd.s32 $0x2848, s9;
	[sflag:s26] =	ssyncadd.s32 $0xFFFFEC00  }
0x8c: {  	[spmem:s1] =	stream.indirect.scatter.add.f32 [tilespmem:s17], [sflag:$0x6], $0x80, s5, s16, $0xb8;
	[tilespmem:$0x1F300] =	vst v63  }
0x8d: {  	_ =	swait.ge [sflag:s28], $0x1400  }
0x8e: {  	[sflag:s28] =	ssyncset.done $0x0  }
0x8f: {  	s5 =	sadd.s32 $0x2870, s9;
	[sflag:s28] =	ssyncadd.s32 $0xFFFFEC00  }
0x90: {  	[spmem:s1] =	stream.indirect.scatter.add.f32 [tilespmem:s18], [sflag:$0x7], $0x80, s5, s16, $0xb8;
	[tilespmem:$0x1F300] =	vst v63  }
0x91: {  	_ =	swait.ge [sflag:s30], $0x1400  }
0x92: {  	[sflag:s30] =	ssyncset.done $0x0  }
0x93: {  	s5 =	sadd.s32 $0x2898, s9;
	[sflag:s30] =	ssyncadd.s32 $0xFFFFEC00  }
0x94: {  	[spmem:s1] =	stream.indirect.scatter.add.f32 [tilespmem:s20], [sflag:$0x8], $0x80, s5, s16, $0xb8;
	[tilespmem:$0x1F300] =	vst v63  }
0x95: {  	_ =	swait.ge [sflag:s0], $0x1400  }
0x96: {  	[sflag:s0] =	ssyncset.done $0x0  }
.Ltmp0:
0x97: {  	s5 =	sadd.s32 $0x28C0, s9;
	[sflag:s0] =	ssyncadd.s32 $0xFFFFEC00;
	(pc) =	sbr.rel @p1 .LBB2_2-.Ltmp0, $4  }
0x98: {  	[spmem:s1] =	stream.indirect.scatter.add.f32 [tilespmem:s22], [sflag:$0x9], $0x80, s5, s16, $0xb8;
	[tilespmem:$0x1F300] =	vst v63  }
0x99: {  	_ =	swait.ge [sflag:s19], $0x1400  }
0x9a: {  	[sflag:s19] =	ssyncset.done $0x0  }
0x9b: {  	s9 =	sadd.s32 $0x28E8, s9;
	[sflag:s19] =	ssyncadd.s32 $0xFFFFEC00  }
0x9c: {  	[spmem:s1] =	stream.indirect.scatter.add.f32 [tilespmem:s24], [sflag:$0xA], $0x80, s9, s16, $0xb8;
	[tilespmem:$0x1F300] =	vst v63  }
0x9d: {  	_ =	swait.ge [sflag:s23], $0x1400  }
0x9e: {  	[sflag:s23] =	ssyncset.done $0x0  }
0x9f: {  	[sflag:s23] =	ssyncadd.s32 $0xFFFFEC00  }
0xa0: {  	_ =	swait.ge [sflag:s29], $0x1400  }
0xa1: {  	[sflag:s29] =	ssyncset.done $0x0  }
0xa2: {  	[sflag:s29] =	ssyncadd.s32 $0xFFFFEC00  }
0xa3: {  	_ =	swait.ge [sflag:s31], $0x1400  }
0xa4: {  	[sflag:s31] =	ssyncset.done $0x0  }
0xa5: {  	[sflag:s31] =	ssyncadd.s32 $0xFFFFEC00  }
0xa6: {  	_ =	swait.ge [sflag:s2], $0x1400  }
0xa7: {  	[sflag:s2] =	ssyncset.done $0x0  }
0xa8: {  	[sflag:s2] =	ssyncadd.s32 $0xFFFFEC00  }
0xa9: {  	_ =	swait.ge [sflag:s21], $0x1400  }
0xaa: {  	[sflag:s21] =	ssyncset.done $0x0  }
0xab: {  	[sflag:s21] =	ssyncadd.s32 $0xFFFFEC00  }
0xac: {  	s5 =	simm.s32 @p0 $0xB;
	[bflag:$0x0] =	sbarrier.arrive $0xFFFF  }
0xad: {  	[hbm:s11], [sflag:s7] =	dma.local @p0 [spmem:s25], $0x1900  }
0xae: {  	s6 =	sadd.s32 $0x1, s6;
	_ =	swait.ge @p0 [sflag:s5], $0x1900  }
0xaf: {  	p1 =	sne.s32 s6, s12;
	[sflag:s5] =	ssyncset.done @p0 $0x0  }
0xb0: {  	s8 =	rddreg [dreg:$0x7];
	[sflag:s5] =	ssyncadd.s32 @p0 $0xFFFFE700;
	s5 =	sshrl.u32 @!p0 s10, $0x3  }
0xb1: {  	[hbm:s8], [sflag:s7] =	dma.local @!p0 [spmem:s5], $0x2800  }
.Ltmp1:
0xb2: {  	_ = 	snop;
	(pc) =	sbr.rel @p1 .LBB2_1-.Ltmp1, $4  }
0xb3: {  	s5 =	simm.s32 @!p0 $0xB  }
0xb4: {  	_ =	swait.ge @!p0 [sflag:s5], $0x2800  }
0xb5: {  	[sflag:s5] =	ssyncset.done @!p0 $0x0  }
0xb6: {  	[sflag:s5] =	ssyncadd.s32 @!p0 $0xFFFFD800  }
0xb7: {  	_ =	sfence.sel $0x180000  }
0xb8: {  	[bflag:$0x0] =	sbarrier.arrive $0xFFFF  }
0xb9: {  	_ =	strace $0x90000050  }
0xba: {  	s0 =	stileid.u32;
	[bflag:$0x2] =	sbarrier.arrive $0xFFFF  }
0xbb: {  	p0 =	sne.s32 s0, $0x0;
	s0 =	rddreg [dreg:$0x3]  }
0xbc: {  	s0 =	sadd.s32 @!p0 $0x100000, s0  }
0xbd: {  	[sflag:s0] =	ssyncadd.tile.s32 @!p0 $0x1;
	_ =	shalt  }
.Lfunc_end2:
_tile_overlayer_lowered:
.L_overlay_start_2:
0xbe: {  	(tag) =	ssettag $0x2  }
0xbf: {  	s0 =	rddreg [dreg:$0x0];
	s2 =	stileid.u32  }
0xc0: {  	s1 =	rddreg [dreg:$0x1];
	p0 =	sne.s32 s2, $0x0  }
0xc1: {  	s3 =	rddreg [dreg:$0x2];
	[bflag:$0x3] =	sbarrier.arrive $0xFFFF;
	s2 =	simm.s32 @!p0 $0x1C0B  }
0xc2: {  	[timem:s3], [sflag:s2] =	dma.local @!p0 [hbm:s0], s1  }
0xc3: {  	s0 =	simm.s32 @!p0 $0xB  }
0xc4: {  	_ =	swait.ge @!p0 [sflag:s0], s1  }
0xc5: {  	s1 =	ssub.s32 @!p0 $0x0, s1;
	[sflag:s0] =	ssyncset.done @!p0 $0x0  }
0xc6: {  	[sflag:s0] =	ssyncadd.s32 @!p0 s1  }
0xc7: {  	[bflag:$0x3] =	sbarrier.arrive $0xFFFF  }
0xc8: {  	_ =	shalt  }

</sc_bundles>
